<compile_context>
chip_gen: v7x
topology: tpu7x:2x2x1
jax: 0.10.2.dev20260603
libtpu: 0.0.44.dev20260713+nightly
codegen_flags: <defaults>
</compile_context>

<pallas_src>
import functools

import jax
import jax.numpy as jnp
from jax import lax
from jax.experimental import pallas as pl
from jax.experimental.pallas import tpu as pltpu
from jax.experimental.pallas import tpu_sc as plsc

N_NODES = 10000
D = 128
N_EDGES = 320000
D_PROJ = 64

NC, NS = 2, 16
NW = NC * NS
E_PER_TILE = N_EDGES // NW
CH = 40
NCHUNK = E_PER_TILE // CH
NBUF = 5
ROWS_PER_TILE = N_NODES // NS
DCH = 125
DNCHUNK = E_PER_TILE // DCH
NS_IO = 10
IO_ROWS = N_NODES // NS_IO
DEG_W = 16

BLK = 1000
GRID = N_NODES // BLK


def _deg_body(dst_hbm, ones_hbm, zdeg_hbm, out_hbm, dst_v, ones_v, deg_sh):
    cid = lax.axis_index("c")
    sid = lax.axis_index("s")
    w = cid * NS + sid
    pltpu.sync_copy(dst_hbm.at[w], dst_v)
    pltpu.sync_copy(ones_hbm, ones_v)

    @pl.when(sid < NS_IO)
    def _():
        pltpu.sync_copy(zdeg_hbm, deg_sh.at[pl.ds(sid * IO_ROWS, IO_ROWS)])

    plsc.subcore_barrier()

    def body(j, carry):
        pltpu.sync_copy(ones_v, deg_sh.at[dst_v.at[j]], add=True)
        return carry

    lax.fori_loop(0, DNCHUNK, body, 0)
    plsc.subcore_barrier()

    @pl.when(sid < NS_IO)
    def _():
        pltpu.sync_copy(deg_sh.at[pl.ds(sid * IO_ROWS, IO_ROWS)],
                        out_hbm.at[cid].at[pl.ds(sid * IO_ROWS, IO_ROWS)])


@functools.cache
def _sc_mesh():
    return plsc.VectorSubcoreMesh(
        core_axis_name="c", subcore_axis_name="s",
        num_cores=NC, num_subcores=NS)


@functools.cache
def _deg_kernel():
    return pl.kernel(
        _deg_body,
        out_type=jax.ShapeDtypeStruct((NC, N_NODES, DEG_W), jnp.float32),
        mesh=_sc_mesh(),
        compiler_params=pltpu.CompilerParams(use_tc_tiling_on_sc=False),
        scratch_types=[
            pltpu.VMEM((DNCHUNK, DCH), jnp.int32),
            pltpu.VMEM((DCH, DEG_W), jnp.float32),
            pltpu.VMEM_SHARED((N_NODES, DEG_W), jnp.float32),
        ])


def _edge_body(hs_hbm, src_hbm, dst_hbm, zrow_hbm, out_hbm,
               src_v, dst_v, rows_v, acc_sh, gsem):
    cid = lax.axis_index("c")
    sid = lax.axis_index("s")
    w = cid * NS + sid
    pltpu.sync_copy(src_hbm.at[w], src_v)
    pltpu.sync_copy(dst_hbm.at[w], dst_v)

    def _gather(c, b):
        pltpu.async_copy(hs_hbm.at[src_v.at[c]], rows_v.at[b], gsem.at[b])

    def _gather_wait(c, b):
        pltpu.make_async_copy(
            hs_hbm.at[src_v.at[c]], rows_v.at[b], gsem.at[b]).wait()

    def _scatter(c, b):
        pltpu.sync_copy(rows_v.at[b], acc_sh.at[dst_v.at[c]], add=True)

    for b in range(NBUF):
        _gather(b, b)

    @pl.when(sid < NS_IO)
    def _():
        pltpu.sync_copy(zrow_hbm, acc_sh.at[pl.ds(sid * IO_ROWS, IO_ROWS)])

    plsc.subcore_barrier()

    def body(grp, carry):
        for b in range(NBUF):
            c = grp * NBUF + b
            _gather_wait(c, b)
            _scatter(c, b)
            c2 = c + NBUF

            @pl.when(c2 < NCHUNK)
            def _():
                _gather(c2, b)
        return carry

    lax.fori_loop(0, NCHUNK // NBUF, body, 0)
    plsc.subcore_barrier()

    @pl.when(sid < NS_IO)
    def _():
        pltpu.sync_copy(acc_sh.at[pl.ds(sid * IO_ROWS, IO_ROWS)],
                        out_hbm.at[cid].at[pl.ds(sid * IO_ROWS, IO_ROWS)])


@functools.cache
def _edge_kernel():
    return pl.kernel(
        _edge_body,
        out_type=jax.ShapeDtypeStruct((NC, N_NODES, D), jnp.float32),
        mesh=_sc_mesh(),
        compiler_params=pltpu.CompilerParams(use_tc_tiling_on_sc=False),
        scratch_types=[
            pltpu.VMEM((NCHUNK, CH), jnp.int32),
            pltpu.VMEM((NCHUNK, CH), jnp.int32),
            pltpu.VMEM((NBUF, CH, D), jnp.float32),
            pltpu.VMEM_SHARED((N_NODES, D), jnp.float32),
            pltpu.SemaphoreType.DMA((NBUF,)),
        ])



def _mm_scale_body(x_ref, w_ref, deg_ref, o_ref):
    deg = deg_ref[0, :, 0] + deg_ref[1, :, 0] + 1.0
    dis = lax.rsqrt(deg)
    h = jnp.dot(x_ref[...] * dis[:, None], w_ref[...],
                preferred_element_type=jnp.float32)
    o_ref[...] = h


def _mm_scale(x, w1, degp):
    return pl.pallas_call(
        _mm_scale_body,
        grid=(GRID,),
        in_specs=[
            pl.BlockSpec((BLK, D), lambda i: (i, 0)),
            pl.BlockSpec((D, D), lambda i: (0, 0)),
            pl.BlockSpec((NC, BLK, DEG_W), lambda i: (0, i, 0)),
        ],
        out_specs=pl.BlockSpec((BLK, D), lambda i: (i, 0)),
        out_shape=jax.ShapeDtypeStruct((N_NODES, D), jnp.float32),
    )(x, w1, degp)


def _layer_body(p_ref, hs_ref, deg_ref, b_ref, w_ref, o_ref):
    deg = deg_ref[0, :, 0] + deg_ref[1, :, 0] + 1.0
    dis = lax.rsqrt(deg)
    agg = p_ref[0] + p_ref[1] + hs_ref[...]
    o1 = jnp.maximum(agg * dis[:, None] + b_ref[...], 0.0)
    h2 = jnp.dot(o1, w_ref[...], preferred_element_type=jnp.float32)
    o_ref[...] = h2 * dis[:, None]


def _layer_mm(p, hs, degp, b, w2):
    return pl.pallas_call(
        _layer_body,
        grid=(GRID,),
        in_specs=[
            pl.BlockSpec((NC, BLK, D), lambda i: (0, i, 0)),
            pl.BlockSpec((BLK, D), lambda i: (i, 0)),
            pl.BlockSpec((NC, BLK, DEG_W), lambda i: (0, i, 0)),
            pl.BlockSpec((1, D), lambda i: (0, 0)),
            pl.BlockSpec((D, D), lambda i: (0, 0)),
        ],
        out_specs=pl.BlockSpec((BLK, D), lambda i: (i, 0)),
        out_shape=jax.ShapeDtypeStruct((N_NODES, D), jnp.float32),
    )(p, hs, degp, b, w2)


def _final_body(p_ref, hs_ref, deg_ref, b2_ref, n1_ref, n2_ref, wp_ref, bp_ref,
                extra_ref, w1g_ref, w1n1_ref, w1n2_ref, w1e_ref, bf1_ref,
                wf2_ref, bf2_ref, o_ref, acc):
    i = pl.program_id(0)
    deg = deg_ref[0, :, 0] + deg_ref[1, :, 0] + 1.0
    dis = lax.rsqrt(deg)
    agg = p_ref[0] + p_ref[1] + hs_ref[...]
    o2 = jnp.maximum(agg * dis[:, None] + b2_ref[...], 0.0)
    part = jnp.sum(o2, axis=0, keepdims=True)

    @pl.when(i == 0)
    def _():
        acc[...] = part

    @pl.when(i > 0)
    def _():
        acc[...] = acc[...] + part

    @pl.when(i == GRID - 1)
    def _():
        g = acc[...] * (1.0 / N_NODES)
        n1p = jnp.maximum(
            jnp.dot(n1_ref[...], wp_ref[...],
                    preferred_element_type=jnp.float32) + bp_ref[...], 0.0)
        n2p = jnp.maximum(
            jnp.dot(n2_ref[...], wp_ref[...],
                    preferred_element_type=jnp.float32) + bp_ref[...], 0.0)
        z = jnp.dot(g, w1g_ref[...], preferred_element_type=jnp.float32)
        z = z + jnp.dot(n1p, w1n1_ref[...], preferred_element_type=jnp.float32)
        z = z + jnp.dot(n2p, w1n2_ref[...], preferred_element_type=jnp.float32)
        z = z + jnp.dot(extra_ref[...], w1e_ref[...],
                        preferred_element_type=jnp.float32)
        z = jnp.maximum(z + bf1_ref[...], 0.0)
        o_ref[...] = jnp.dot(z, wf2_ref[...],
                             preferred_element_type=jnp.float32) + bf2_ref[...]


def _final(p, hs, degp, b2, n1, n2, wp, bp, extra,
           w1g, w1n1, w1n2, w1e, bf1, wf2, bf2):
    full = lambda s: pl.BlockSpec(s, lambda i: tuple(0 for _ in s))
    return pl.pallas_call(
        _final_body,
        grid=(GRID,),
        in_specs=[
            pl.BlockSpec((NC, BLK, D), lambda i: (0, i, 0)),
            pl.BlockSpec((BLK, D), lambda i: (i, 0)),
            pl.BlockSpec((NC, BLK, DEG_W), lambda i: (0, i, 0)),
            full((1, D)),
            full((1, D)),
            full((1, D)),
            full((D, D_PROJ)),
            full((1, D_PROJ)),
            full((1, 4)),
            full((D, D)),
            full((D_PROJ, D)),
            full((D_PROJ, D)),
            full((4, D)),
            full((1, D)),
            full((D, 1)),
            full((1, 1)),
        ],
        out_specs=pl.BlockSpec((1, 1), lambda i: (0, 0)),
        out_shape=jax.ShapeDtypeStruct((1, 1), jnp.float32),
        scratch_shapes=[pltpu.VMEM((1, D), jnp.float32)],
    )(p, hs, degp, b2, n1, n2, wp, bp, extra, w1g, w1n1, w1n2, w1e, bf1,
      wf2, bf2)



@jax.jit
def kernel(x, edge_index, action_one_hot, node1_emb, node2_emb, action_prob,
           W1, b1, W2, b2, Wp, bp, Wf1, bf1, Wf2, bf2):
    src2d = edge_index[0].reshape(NW, NCHUNK, CH)
    dst2d = edge_index[1].reshape(NW, NCHUNK, CH)
    ones8 = jnp.ones((DCH, DEG_W), jnp.float32)
    zdeg = jnp.zeros((IO_ROWS, DEG_W), jnp.float32)
    zrow = jnp.zeros((IO_ROWS, D), jnp.float32)

    dst2d_deg = edge_index[1].reshape(NW, DNCHUNK, DCH)
    degp = _deg_kernel()(dst2d_deg, ones8, zdeg)
    hs1 = _mm_scale(x, W1, degp)
    p1 = _edge_kernel()(hs1, src2d, dst2d, zrow)
    hs2 = _layer_mm(p1, hs1, degp, b1.reshape(1, D), W2)
    p2 = _edge_kernel()(hs2, src2d, dst2d, zrow)

    extra = jnp.concatenate([action_one_hot, action_prob], axis=1)
    out = _final(p2, hs2, degp, b2.reshape(1, D),
                 node1_emb, node2_emb, Wp, bp.reshape(1, D_PROJ), extra,
                 Wf1[:D], Wf1[D:D + D_PROJ], Wf1[D + D_PROJ:D + 2 * D_PROJ],
                 Wf1[D + 2 * D_PROJ:], bf1.reshape(1, D), Wf2,
                 bf2.reshape(1, 1))
    return out

# --- scband reference (transcript-rebuilt; emitter-appended) ---
"""Pipeline reference for scband-critic-network-79894981640578 (READ-ONLY COPY).

The authoritative reference and input builder live on the scoring server;
editing this copy changes nothing except your own understanding.
"""

import jax, jax.numpy as jnp
import numpy as np

N_NODES = 10000
N_EDGES = 320000
D_IN = 128
D_HID = 128
D_PROJ = 64


def _gcn_conv(x, src, dst, W, b, n_nodes):
    # PyG GCNConv: linear transform, then propagate with symmetric normalization
    # and self-loops: out = D^{-1/2} (A + I) D^{-1/2} (x @ W) + b
    loop = jnp.arange(n_nodes, dtype=src.dtype)
    src_sl = jnp.concatenate([src, loop])
    dst_sl = jnp.concatenate([dst, loop])
    h = x @ W
    deg = jnp.zeros((n_nodes,), dtype=x.dtype).at[dst_sl].add(1.0)
    deg_inv_sqrt = jnp.where(deg > 0, 1.0 / jnp.sqrt(deg), 0.0)
    norm = deg_inv_sqrt[src_sl] * deg_inv_sqrt[dst_sl]
    msg = h[src_sl] * norm[:, None]
    out = jnp.zeros((n_nodes, h.shape[1]), dtype=x.dtype).at[dst_sl].add(msg)
    return out + b


def setup_inputs(seed: int = 0) -> dict:
    key = jax.random.key(seed)
    ks = jax.random.split(key, 16)
    x = jax.random.normal(ks[0], (N_NODES, D_IN), dtype=jnp.float32)
    edge_index = jax.random.randint(ks[1], (2, N_EDGES), 0, N_NODES, dtype=jnp.int64 if jax.config.jax_enable_x64 else jnp.int32).astype(jnp.int32)
    action_one_hot = jax.random.uniform(ks[2], (1, 3), dtype=jnp.float32)
    node1_emb = jax.random.normal(ks[3], (1, D_IN), dtype=jnp.float32)
    node2_emb = jax.random.normal(ks[4], (1, D_IN), dtype=jnp.float32)
    action_prob = jax.random.uniform(ks[5], (1, 1), dtype=jnp.float32)
    s = 0.05
    W1 = jax.random.normal(ks[6], (D_IN, D_HID), dtype=jnp.float32) * s
    b1 = jnp.zeros((D_HID,), dtype=jnp.float32)
    W2 = jax.random.normal(ks[7], (D_HID, D_HID), dtype=jnp.float32) * s
    b2 = jnp.zeros((D_HID,), dtype=jnp.float32)
    Wp = jax.random.normal(ks[8], (D_IN, D_PROJ), dtype=jnp.float32) * s
    bp = jnp.zeros((D_PROJ,), dtype=jnp.float32)
    Wf1 = jax.random.normal(ks[9], (D_HID + 2 * D_PROJ + 4, D_HID), dtype=jnp.float32) * s
    bf1 = jnp.zeros((D_HID,), dtype=jnp.float32)
    Wf2 = jax.random.normal(ks[10], (D_HID, 1), dtype=jnp.float32) * s
    bf2 = jnp.zeros((1,), dtype=jnp.float32)
    return {"x": x, "edge_index": edge_index, "action_one_hot": action_one_hot,
            "node1_emb": node1_emb, "node2_emb": node2_emb, "action_prob": action_prob,
            "W1": W1, "b1": b1, "W2": W2, "b2": b2, "Wp": Wp, "bp": bp,
            "Wf1": Wf1, "bf1": bf1, "Wf2": Wf2, "bf2": bf2}


def reference(x, edge_index, action_one_hot, node1_emb, node2_emb, action_prob,
              W1, b1, W2, b2, Wp, bp, Wf1, bf1, Wf2, bf2):
    n_nodes = x.shape[0]
    src = edge_index[0]
    dst = edge_index[1]
    h = jax.nn.relu(_gcn_conv(x, src, dst, W1, b1, n_nodes))
    h = jax.nn.relu(_gcn_conv(h, src, dst, W2, b2, n_nodes))
    gcn_output = jnp.mean(h, axis=0, keepdims=True)
    node1_proj = jax.nn.relu(node1_emb @ Wp + bp)
    node2_proj = jax.nn.relu(node2_emb @ Wp + bp)
    cat = jnp.concatenate([gcn_output, node1_proj, node2_proj, action_one_hot, action_prob], axis=-1)
    out = jax.nn.relu(cat @ Wf1 + bf1)
    out = out @ Wf2 + bf2
    return out

if __name__ == "__main__":
    import jax
    _d = setup_inputs()
    print(jax.jit(kernel)(*tuple(_d.values())))

</pallas_src>

<mosaic_0001>
#map = affine_map<(d0, d1) -> (0, 0, 0)>
#map1 = affine_map<(d0, d1) -> (0, 0)>
module attributes {stable_mosaic.version = 14 : i64} {
  func.func @_deg_body(%arg0: i32, %arg1: i32, %arg2: memref<32x80x125xi32, #tpu.memory_space<hbm>>, %arg3: memref<125x16xf32, #tpu.memory_space<hbm>>, %arg4: memref<1000x16xf32, #tpu.memory_space<hbm>>, %arg5: memref<2x10000x16xf32, #tpu.memory_space<hbm>>, %arg6: memref<80x125xi32, #tpu.memory_space<vmem>>, %arg7: memref<125x16xf32, #tpu.memory_space<vmem>>, %arg8: memref<10000x16xf32, #tpu.memory_space<vmem_shared>>) attributes {dimension_semantics = [#tpu.dimension_semantics<core_parallel>, #tpu.dimension_semantics<subcore_parallel>], iteration_bounds = array<i64: 2, 16>, scalar_prefetch = 0 : i64, scratch_operands = 3 : i64, tpu.core_type = #tpu.core_type<sc_vector_subcore>, window_params = [{transform_indices = #map}, {transform_indices = #map1}, {transform_indices = #map1}, {transform_indices = #map}]} {
    %mul3A = arith.constant 16 : i32
    %mul3A_0 = arith.muli %arg0, %mul3A : i32
    %add3A = arith.addi %mul3A_0, %arg1 : i32
    "tpu.region"() ({
      %run_scoped3A = tpu.sem_alloc : memref<!tpu.dma_semaphore, #tpu.memory_space<semaphore_mem>>
      %dma_start3A = arith.constant 0 : i32
      %dma_start3A_14 = arith.constant 0 : i32
      %dma_start3A_15 = tpu.memref_slice %arg2[%add3A, %dma_start3A, %dma_start3A_14] : memref<32x80x125xi32, #tpu.memory_space<hbm>> -> memref<1x80x125xi32, #tpu.memory_space<hbm>>
      %dma_start3A_16 = tpu.memref_squeeze %dma_start3A_15 : memref<1x80x125xi32, #tpu.memory_space<hbm>> -> memref<80x125xi32, #tpu.memory_space<hbm>>
      %dma_start3A_17 = arith.constant 0 : i32
      %dma_start3A_18 = arith.constant 0 : i32
      %dma_start3A_19 = tpu.memref_slice %arg2[%add3A, %dma_start3A_17, %dma_start3A_18] : memref<32x80x125xi32, #tpu.memory_space<hbm>> -> memref<1x80x125xi32, #tpu.memory_space<hbm>>
      %dma_start3A_20 = tpu.memref_squeeze %dma_start3A_19 : memref<1x80x125xi32, #tpu.memory_space<hbm>> -> memref<80x125xi32, #tpu.memory_space<hbm>>
      tpu.enqueue_dma source(%dma_start3A_20 : memref<80x125xi32, #tpu.memory_space<hbm>>) target(%arg6 : memref<80x125xi32, #tpu.memory_space<vmem>>) target_semaphore(%run_scoped3A : memref<!tpu.dma_semaphore, #tpu.memory_space<semaphore_mem>>)
      %dma_wait3A = arith.constant 0 : i32
      %dma_wait3A_21 = arith.constant 0 : i32
      %dma_wait3A_22 = tpu.memref_slice %arg2[%add3A, %dma_wait3A, %dma_wait3A_21] : memref<32x80x125xi32, #tpu.memory_space<hbm>> -> memref<1x80x125xi32, #tpu.memory_space<hbm>>
      %dma_wait3A_23 = tpu.memref_squeeze %dma_wait3A_22 : memref<1x80x125xi32, #tpu.memory_space<hbm>> -> memref<80x125xi32, #tpu.memory_space<hbm>>
      %dma_wait3A_24 = arith.constant 0 : i32
      %dma_wait3A_25 = arith.constant 0 : i32
      %dma_wait3A_26 = tpu.memref_slice %arg2[%add3A, %dma_wait3A_24, %dma_wait3A_25] : memref<32x80x125xi32, #tpu.memory_space<hbm>> -> memref<1x80x125xi32, #tpu.memory_space<hbm>>
      %dma_wait3A_27 = tpu.memref_squeeze %dma_wait3A_26 : memref<1x80x125xi32, #tpu.memory_space<hbm>> -> memref<80x125xi32, #tpu.memory_space<hbm>>
      tpu.wait_dma2 semaphore(%run_scoped3A : memref<!tpu.dma_semaphore, #tpu.memory_space<semaphore_mem>>) src(%dma_wait3A_27 : memref<80x125xi32, #tpu.memory_space<hbm>>) dst(%arg6 : memref<80x125xi32, #tpu.memory_space<vmem>>)
      tpu.yield
    }) : () -> ()
    "tpu.region"() ({
      %run_scoped3A = tpu.sem_alloc : memref<!tpu.dma_semaphore, #tpu.memory_space<semaphore_mem>>
      tpu.enqueue_dma source(%arg3 : memref<125x16xf32, #tpu.memory_space<hbm>>) target(%arg7 : memref<125x16xf32, #tpu.memory_space<vmem>>) target_semaphore(%run_scoped3A : memref<!tpu.dma_semaphore, #tpu.memory_space<semaphore_mem>>)
      tpu.wait_dma2 semaphore(%run_scoped3A : memref<!tpu.dma_semaphore, #tpu.memory_space<semaphore_mem>>) src(%arg3 : memref<125x16xf32, #tpu.memory_space<hbm>>) dst(%arg7 : memref<125x16xf32, #tpu.memory_space<vmem>>)
      tpu.yield
    }) : () -> ()
    %lt3A = arith.constant 10 : i32
    %lt3A_1 = arith.cmpi slt, %arg1, %lt3A : i32
    %convert_element_type3A = arith.extui %lt3A_1 : i1 to i32
    %cond3A = arith.constant 0 : i32
    %cond3A_2 = arith.cmpi ne, %convert_element_type3A, %cond3A : i32
    scf.if %cond3A_2 {
      %mul3A_14 = arith.constant 1000 : i32
      %mul3A_15 = arith.muli %arg1, %mul3A_14 : i32
      "tpu.region"() ({
        %run_scoped3A = tpu.sem_alloc : memref<!tpu.dma_semaphore, #tpu.memory_space<semaphore_mem>>
        %dma_start3A = arith.constant 0 : i32
        %dma_start3A_16 = tpu.memref_slice %arg8[%mul3A_15, %dma_start3A] : memref<10000x16xf32, #tpu.memory_space<vmem_shared>> -> memref<1000x16xf32, #tpu.memory_space<vmem_shared>>
        tpu.enqueue_dma source(%arg4 : memref<1000x16xf32, #tpu.memory_space<hbm>>) target(%dma_start3A_16 : memref<1000x16xf32, #tpu.memory_space<vmem_shared>>) target_semaphore(%run_scoped3A : memref<!tpu.dma_semaphore, #tpu.memory_space<semaphore_mem>>)
        %dma_wait3A = arith.constant 0 : i32
        %dma_wait3A_17 = tpu.memref_slice %arg8[%mul3A_15, %dma_wait3A] : memref<10000x16xf32, #tpu.memory_space<vmem_shared>> -> memref<1000x16xf32, #tpu.memory_space<vmem_shared>>
        tpu.wait_dma2 semaphore(%run_scoped3A : memref<!tpu.dma_semaphore, #tpu.memory_space<semaphore_mem>>) src(%arg4 : memref<1000x16xf32, #tpu.memory_space<hbm>>) dst(%dma_wait3A_17 : memref<1000x16xf32, #tpu.memory_space<vmem_shared>>)
        tpu.yield
      }) : () -> ()
    } else {
    }
    %barrier3A = arith.constant 0 : index
    tpu.barrier barrier_id(%barrier3A)
    %scan3A = arith.constant 0 : i32
    %scan3A_3 = arith.constant 0 : i32
    %scan3A_4 = arith.constant 80 : i32
    %scan3A_5 = arith.addi %scan3A_3, %scan3A_4 : i32
    %scan3A_6 = arith.constant 1 : i32
    scf.for %scan3A_14 = %scan3A_3 to %scan3A_5 step %scan3A_6  : i32 {
      "tpu.region"() ({
        %run_scoped3A = tpu.sem_alloc : memref<!tpu.dma_semaphore, #tpu.memory_space<semaphore_mem>>
        %dma_start3A = arith.constant 0 : i32
        %dma_start3A_15 = tpu.memref_slice %arg6[%scan3A_14, %dma_start3A] : memref<80x125xi32, #tpu.memory_space<vmem>> -> memref<1x125xi32, #tpu.memory_space<vmem>>
        %dma_start3A_16 = tpu.memref_squeeze %dma_start3A_15 : memref<1x125xi32, #tpu.memory_space<vmem>> -> memref<125xi32, #tpu.memory_space<vmem>>
        %dma_start3A_17 = arith.constant 0 : i32
        %dma_start3A_18 = arith.constant 0 : i32
        %dma_start3A_19 = tpu.memref_slice %arg8[%dma_start3A_17, %dma_start3A_18] : memref<10000x16xf32, #tpu.memory_space<vmem_shared>> -> memref<10000x16xf32, #tpu.memory_space<vmem_shared>>
        tpu.enqueue_indirect_dma source(%arg7 : memref<125x16xf32, #tpu.memory_space<vmem>>) target(%dma_start3A_19 : memref<10000x16xf32, #tpu.memory_space<vmem_shared>>) offsets(%dma_start3A_16 : memref<125xi32, #tpu.memory_space<vmem>>) semaphore(%run_scoped3A : memref<!tpu.dma_semaphore, #tpu.memory_space<semaphore_mem>>) {add = true}
        %dma_wait3A = arith.constant 0 : i32
        %dma_wait3A_20 = tpu.memref_slice %arg6[%scan3A_14, %dma_wait3A] : memref<80x125xi32, #tpu.memory_space<vmem>> -> memref<1x125xi32, #tpu.memory_space<vmem>>
        %dma_wait3A_21 = tpu.memref_squeeze %dma_wait3A_20 : memref<1x125xi32, #tpu.memory_space<vmem>> -> memref<125xi32, #tpu.memory_space<vmem>>
        %dma_wait3A_22 = arith.constant 0 : i32
        %dma_wait3A_23 = arith.constant 0 : i32
        %dma_wait3A_24 = tpu.memref_slice %arg8[%dma_wait3A_22, %dma_wait3A_23] : memref<10000x16xf32, #tpu.memory_space<vmem_shared>> -> memref<10000x16xf32, #tpu.memory_space<vmem_shared>>
        tpu.wait_indirect_dma semaphore(%run_scoped3A : memref<!tpu.dma_semaphore, #tpu.memory_space<semaphore_mem>>) src(%arg7 : memref<125x16xf32, #tpu.memory_space<vmem>>) dst(%dma_wait3A_24 : memref<10000x16xf32, #tpu.memory_space<vmem_shared>>)
        tpu.yield
      }) : () -> ()
    }
    %scan3A_7 = arith.constant 80 : i32
    %barrier3A_8 = arith.constant 0 : index
    tpu.barrier barrier_id(%barrier3A_8)
    %lt3A_9 = arith.constant 10 : i32
    %lt3A_10 = arith.cmpi slt, %arg1, %lt3A_9 : i32
    %convert_element_type3A_11 = arith.extui %lt3A_10 : i1 to i32
    %cond3A_12 = arith.constant 0 : i32
    %cond3A_13 = arith.cmpi ne, %convert_element_type3A_11, %cond3A_12 : i32
    scf.if %cond3A_13 {
      %mul3A_14 = arith.constant 1000 : i32
      %mul3A_15 = arith.muli %arg1, %mul3A_14 : i32
      %mul3A_16 = arith.constant 1000 : i32
      %mul3A_17 = arith.muli %arg1, %mul3A_16 : i32
      "tpu.region"() ({
        %run_scoped3A = tpu.sem_alloc : memref<!tpu.dma_semaphore, #tpu.memory_space<semaphore_mem>>
        %dma_start3A = arith.constant 0 : i32
        %dma_start3A_18 = arith.constant 0 : i32
        %dma_start3A_19 = tpu.memref_slice %arg5[%arg0, %dma_start3A, %dma_start3A_18] : memref<2x10000x16xf32, #tpu.memory_space<hbm>> -> memref<1x10000x16xf32, #tpu.memory_space<hbm>>
        %dma_start3A_20 = tpu.memref_squeeze %dma_start3A_19 : memref<1x10000x16xf32, #tpu.memory_space<hbm>> -> memref<10000x16xf32, #tpu.memory_space<hbm>>
        %dma_start3A_21 = arith.constant 0 : i32
        %dma_start3A_22 = tpu.memref_slice %dma_start3A_20[%mul3A_17, %dma_start3A_21] : memref<10000x16xf32, #tpu.memory_space<hbm>> -> memref<1000x16xf32, #tpu.memory_space<hbm>>
        %dma_start3A_23 = arith.constant 0 : i32
        %dma_start3A_24 = tpu.memref_slice %arg8[%mul3A_15, %dma_start3A_23] : memref<10000x16xf32, #tpu.memory_space<vmem_shared>> -> memref<1000x16xf32, #tpu.memory_space<vmem_shared>>
        tpu.enqueue_dma source(%dma_start3A_24 : memref<1000x16xf32, #tpu.memory_space<vmem_shared>>) target(%dma_start3A_22 : memref<1000x16xf32, #tpu.memory_space<hbm>>) target_semaphore(%run_scoped3A : memref<!tpu.dma_semaphore, #tpu.memory_space<semaphore_mem>>)
        %dma_wait3A = arith.constant 0 : i32
        %dma_wait3A_25 = arith.constant 0 : i32
        %dma_wait3A_26 = tpu.memref_slice %arg5[%arg0, %dma_wait3A, %dma_wait3A_25] : memref<2x10000x16xf32, #tpu.memory_space<hbm>> -> memref<1x10000x16xf32, #tpu.memory_space<hbm>>
        %dma_wait3A_27 = tpu.memref_squeeze %dma_wait3A_26 : memref<1x10000x16xf32, #tpu.memory_space<hbm>> -> memref<10000x16xf32, #tpu.memory_space<hbm>>
        %dma_wait3A_28 = arith.constant 0 : i32
        %dma_wait3A_29 = tpu.memref_slice %dma_wait3A_27[%mul3A_17, %dma_wait3A_28] : memref<10000x16xf32, #tpu.memory_space<hbm>> -> memref<1000x16xf32, #tpu.memory_space<hbm>>
        %dma_wait3A_30 = arith.constant 0 : i32
        %dma_wait3A_31 = tpu.memref_slice %arg8[%mul3A_15, %dma_wait3A_30] : memref<10000x16xf32, #tpu.memory_space<vmem_shared>> -> memref<1000x16xf32, #tpu.memory_space<vmem_shared>>
        tpu.wait_dma2 semaphore(%run_scoped3A : memref<!tpu.dma_semaphore, #tpu.memory_space<semaphore_mem>>) src(%dma_wait3A_31 : memref<1000x16xf32, #tpu.memory_space<vmem_shared>>) dst(%dma_wait3A_29 : memref<1000x16xf32, #tpu.memory_space<hbm>>)
        tpu.yield
      }) : () -> ()
    } else {
    }
    return
  }
}

#map = affine_map<(d0, d1) -> (0, 0)>
#map1 = affine_map<(d0, d1) -> (0, 0, 0)>
module attributes {stable_mosaic.version = 14 : i64} {
  func.func @_edge_body(%arg0: i32, %arg1: i32, %arg2: memref<10000x128xf32, #tpu.memory_space<hbm>>, %arg3: memref<32x250x40xi32, #tpu.memory_space<hbm>>, %arg4: memref<32x250x40xi32, #tpu.memory_space<hbm>>, %arg5: memref<1000x128xf32, #tpu.memory_space<hbm>>, %arg6: memref<2x10000x128xf32, #tpu.memory_space<hbm>>, %arg7: memref<250x40xi32, #tpu.memory_space<vmem>>, %arg8: memref<250x40xi32, #tpu.memory_space<vmem>>, %arg9: memref<5x40x128xf32, #tpu.memory_space<vmem>>, %arg10: memref<10000x128xf32, #tpu.memory_space<vmem_shared>>, %arg11: memref<5x!tpu.dma_semaphore, #tpu.memory_space<semaphore_mem>>) attributes {dimension_semantics = [#tpu.dimension_semantics<core_parallel>, #tpu.dimension_semantics<subcore_parallel>], iteration_bounds = array<i64: 2, 16>, scalar_prefetch = 0 : i64, scratch_operands = 5 : i64, tpu.core_type = #tpu.core_type<sc_vector_subcore>, window_params = [{transform_indices = #map}, {transform_indices = #map1}, {transform_indices = #map1}, {transform_indices = #map}, {transform_indices = #map1}]} {
    %mul3A = arith.constant 16 : i32
    %mul3A_0 = arith.muli %arg0, %mul3A : i32
    %add3A = arith.addi %mul3A_0, %arg1 : i32
    "tpu.region"() ({
      %run_scoped3A = tpu.sem_alloc : memref<!tpu.dma_semaphore, #tpu.memory_space<semaphore_mem>>
      %dma_start3A_88 = arith.constant 0 : i32
      %dma_start3A_89 = arith.constant 0 : i32
      %dma_start3A_90 = tpu.memref_slice %arg3[%add3A, %dma_start3A_88, %dma_start3A_89] : memref<32x250x40xi32, #tpu.memory_space<hbm>> -> memref<1x250x40xi32, #tpu.memory_space<hbm>>
      %dma_start3A_91 = tpu.memref_squeeze %dma_start3A_90 : memref<1x250x40xi32, #tpu.memory_space<hbm>> -> memref<250x40xi32, #tpu.memory_space<hbm>>
      %dma_start3A_92 = arith.constant 0 : i32
      %dma_start3A_93 = arith.constant 0 : i32
      %dma_start3A_94 = tpu.memref_slice %arg3[%add3A, %dma_start3A_92, %dma_start3A_93] : memref<32x250x40xi32, #tpu.memory_space<hbm>> -> memref<1x250x40xi32, #tpu.memory_space<hbm>>
      %dma_start3A_95 = tpu.memref_squeeze %dma_start3A_94 : memref<1x250x40xi32, #tpu.memory_space<hbm>> -> memref<250x40xi32, #tpu.memory_space<hbm>>
      tpu.enqueue_dma source(%dma_start3A_95 : memref<250x40xi32, #tpu.memory_space<hbm>>) target(%arg7 : memref<250x40xi32, #tpu.memory_space<vmem>>) target_semaphore(%run_scoped3A : memref<!tpu.dma_semaphore, #tpu.memory_space<semaphore_mem>>)
      %dma_wait3A = arith.constant 0 : i32
      %dma_wait3A_96 = arith.constant 0 : i32
      %dma_wait3A_97 = tpu.memref_slice %arg3[%add3A, %dma_wait3A, %dma_wait3A_96] : memref<32x250x40xi32, #tpu.memory_space<hbm>> -> memref<1x250x40xi32, #tpu.memory_space<hbm>>
      %dma_wait3A_98 = tpu.memref_squeeze %dma_wait3A_97 : memref<1x250x40xi32, #tpu.memory_space<hbm>> -> memref<250x40xi32, #tpu.memory_space<hbm>>
      %dma_wait3A_99 = arith.constant 0 : i32
      %dma_wait3A_100 = arith.constant 0 : i32
      %dma_wait3A_101 = tpu.memref_slice %arg3[%add3A, %dma_wait3A_99, %dma_wait3A_100] : memref<32x250x40xi32, #tpu.memory_space<hbm>> -> memref<1x250x40xi32, #tpu.memory_space<hbm>>
      %dma_wait3A_102 = tpu.memref_squeeze %dma_wait3A_101 : memref<1x250x40xi32, #tpu.memory_space<hbm>> -> memref<250x40xi32, #tpu.memory_space<hbm>>
      tpu.wait_dma2 semaphore(%run_scoped3A : memref<!tpu.dma_semaphore, #tpu.memory_space<semaphore_mem>>) src(%dma_wait3A_102 : memref<250x40xi32, #tpu.memory_space<hbm>>) dst(%arg7 : memref<250x40xi32, #tpu.memory_space<vmem>>)
      tpu.yield
    }) : () -> ()
    "tpu.region"() ({
      %run_scoped3A = tpu.sem_alloc : memref<!tpu.dma_semaphore, #tpu.memory_space<semaphore_mem>>
      %dma_start3A_88 = arith.constant 0 : i32
      %dma_start3A_89 = arith.constant 0 : i32
      %dma_start3A_90 = tpu.memref_slice %arg4[%add3A, %dma_start3A_88, %dma_start3A_89] : memref<32x250x40xi32, #tpu.memory_space<hbm>> -> memref<1x250x40xi32, #tpu.memory_space<hbm>>
      %dma_start3A_91 = tpu.memref_squeeze %dma_start3A_90 : memref<1x250x40xi32, #tpu.memory_space<hbm>> -> memref<250x40xi32, #tpu.memory_space<hbm>>
      %dma_start3A_92 = arith.constant 0 : i32
      %dma_start3A_93 = arith.constant 0 : i32
      %dma_start3A_94 = tpu.memref_slice %arg4[%add3A, %dma_start3A_92, %dma_start3A_93] : memref<32x250x40xi32, #tpu.memory_space<hbm>> -> memref<1x250x40xi32, #tpu.memory_space<hbm>>
      %dma_start3A_95 = tpu.memref_squeeze %dma_start3A_94 : memref<1x250x40xi32, #tpu.memory_space<hbm>> -> memref<250x40xi32, #tpu.memory_space<hbm>>
      tpu.enqueue_dma source(%dma_start3A_95 : memref<250x40xi32, #tpu.memory_space<hbm>>) target(%arg8 : memref<250x40xi32, #tpu.memory_space<vmem>>) target_semaphore(%run_scoped3A : memref<!tpu.dma_semaphore, #tpu.memory_space<semaphore_mem>>)
      %dma_wait3A = arith.constant 0 : i32
      %dma_wait3A_96 = arith.constant 0 : i32
      %dma_wait3A_97 = tpu.memref_slice %arg4[%add3A, %dma_wait3A, %dma_wait3A_96] : memref<32x250x40xi32, #tpu.memory_space<hbm>> -> memref<1x250x40xi32, #tpu.memory_space<hbm>>
      %dma_wait3A_98 = tpu.memref_squeeze %dma_wait3A_97 : memref<1x250x40xi32, #tpu.memory_space<hbm>> -> memref<250x40xi32, #tpu.memory_space<hbm>>
      %dma_wait3A_99 = arith.constant 0 : i32
      %dma_wait3A_100 = arith.constant 0 : i32
      %dma_wait3A_101 = tpu.memref_slice %arg4[%add3A, %dma_wait3A_99, %dma_wait3A_100] : memref<32x250x40xi32, #tpu.memory_space<hbm>> -> memref<1x250x40xi32, #tpu.memory_space<hbm>>
      %dma_wait3A_102 = tpu.memref_squeeze %dma_wait3A_101 : memref<1x250x40xi32, #tpu.memory_space<hbm>> -> memref<250x40xi32, #tpu.memory_space<hbm>>
      tpu.wait_dma2 semaphore(%run_scoped3A : memref<!tpu.dma_semaphore, #tpu.memory_space<semaphore_mem>>) src(%dma_wait3A_102 : memref<250x40xi32, #tpu.memory_space<hbm>>) dst(%arg8 : memref<250x40xi32, #tpu.memory_space<vmem>>)
      tpu.yield
    }) : () -> ()
    %dma_start3A = arith.constant 0 : i32
    %dma_start3A_1 = arith.constant 0 : i32
    %dma_start3A_2 = arith.constant 0 : i32
    %dma_start3A_3 = arith.constant 0 : i32
    %dma_start3A_4 = arith.constant 0 : i32
    %dma_start3A_5 = tpu.memref_slice %arg9[%dma_start3A_1, %dma_start3A_3, %dma_start3A_4] : memref<5x40x128xf32, #tpu.memory_space<vmem>> -> memref<1x40x128xf32, #tpu.memory_space<vmem>>
    %dma_start3A_6 = tpu.memref_squeeze %dma_start3A_5 : memref<1x40x128xf32, #tpu.memory_space<vmem>> -> memref<40x128xf32, #tpu.memory_space<vmem>>
    %dma_start3A_7 = arith.constant 0 : i32
    %dma_start3A_8 = tpu.memref_slice %arg7[%dma_start3A, %dma_start3A_7] : memref<250x40xi32, #tpu.memory_space<vmem>> -> memref<1x40xi32, #tpu.memory_space<vmem>>
    %dma_start3A_9 = tpu.memref_squeeze %dma_start3A_8 : memref<1x40xi32, #tpu.memory_space<vmem>> -> memref<40xi32, #tpu.memory_space<vmem>>
    %dma_start3A_10 = arith.constant 0 : i32
    %dma_start3A_11 = arith.constant 0 : i32
    %dma_start3A_12 = tpu.memref_slice %arg2[%dma_start3A_10, %dma_start3A_11] : memref<10000x128xf32, #tpu.memory_space<hbm>> -> memref<10000x128xf32, #tpu.memory_space<hbm>>
    %dma_start3A_13 = tpu.memref_slice %arg11[%dma_start3A_2] : memref<5x!tpu.dma_semaphore, #tpu.memory_space<semaphore_mem>> -> memref<1x!tpu.dma_semaphore, #tpu.memory_space<semaphore_mem>>
    %dma_start3A_14 = tpu.memref_squeeze %dma_start3A_13 : memref<1x!tpu.dma_semaphore, #tpu.memory_space<semaphore_mem>> -> memref<!tpu.dma_semaphore, #tpu.memory_space<semaphore_mem>>
    tpu.enqueue_indirect_dma source(%dma_start3A_12 : memref<10000x128xf32, #tpu.memory_space<hbm>>) target(%dma_start3A_6 : memref<40x128xf32, #tpu.memory_space<vmem>>) offsets(%dma_start3A_9 : memref<40xi32, #tpu.memory_space<vmem>>) semaphore(%dma_start3A_14 : memref<!tpu.dma_semaphore, #tpu.memory_space<semaphore_mem>>)
    %dma_start3A_15 = arith.constant 1 : i32
    %dma_start3A_16 = arith.constant 1 : i32
    %dma_start3A_17 = arith.constant 1 : i32
    %dma_start3A_18 = arith.constant 0 : i32
    %dma_start3A_19 = arith.constant 0 : i32
    %dma_start3A_20 = tpu.memref_slice %arg9[%dma_start3A_16, %dma_start3A_18, %dma_start3A_19] : memref<5x40x128xf32, #tpu.memory_space<vmem>> -> memref<1x40x128xf32, #tpu.memory_space<vmem>>
    %dma_start3A_21 = tpu.memref_squeeze %dma_start3A_20 : memref<1x40x128xf32, #tpu.memory_space<vmem>> -> memref<40x128xf32, #tpu.memory_space<vmem>>
    %dma_start3A_22 = arith.constant 0 : i32
    %dma_start3A_23 = tpu.memref_slice %arg7[%dma_start3A_15, %dma_start3A_22] : memref<250x40xi32, #tpu.memory_space<vmem>> -> memref<1x40xi32, #tpu.memory_space<vmem>>
    %dma_start3A_24 = tpu.memref_squeeze %dma_start3A_23 : memref<1x40xi32, #tpu.memory_space<vmem>> -> memref<40xi32, #tpu.memory_space<vmem>>
    %dma_start3A_25 = arith.constant 0 : i32
    %dma_start3A_26 = arith.constant 0 : i32
    %dma_start3A_27 = tpu.memref_slice %arg2[%dma_start3A_25, %dma_start3A_26] : memref<10000x128xf32, #tpu.memory_space<hbm>> -> memref<10000x128xf32, #tpu.memory_space<hbm>>
    %dma_start3A_28 = tpu.memref_slice %arg11[%dma_start3A_17] : memref<5x!tpu.dma_semaphore, #tpu.memory_space<semaphore_mem>> -> memref<1x!tpu.dma_semaphore, #tpu.memory_space<semaphore_mem>>
    %dma_start3A_29 = tpu.memref_squeeze %dma_start3A_28 : memref<1x!tpu.dma_semaphore, #tpu.memory_space<semaphore_mem>> -> memref<!tpu.dma_semaphore, #tpu.memory_space<semaphore_mem>>
    tpu.enqueue_indirect_dma source(%dma_start3A_27 : memref<10000x128xf32, #tpu.memory_space<hbm>>) target(%dma_start3A_21 : memref<40x128xf32, #tpu.memory_space<vmem>>) offsets(%dma_start3A_24 : memref<40xi32, #tpu.memory_space<vmem>>) semaphore(%dma_start3A_29 : memref<!tpu.dma_semaphore, #tpu.memory_space<semaphore_mem>>)
    %dma_start3A_30 = arith.constant 2 : i32
    %dma_start3A_31 = arith.constant 2 : i32
    %dma_start3A_32 = arith.constant 2 : i32
    %dma_start3A_33 = arith.constant 0 : i32
    %dma_start3A_34 = arith.constant 0 : i32
    %dma_start3A_35 = tpu.memref_slice %arg9[%dma_start3A_31, %dma_start3A_33, %dma_start3A_34] : memref<5x40x128xf32, #tpu.memory_space<vmem>> -> memref<1x40x128xf32, #tpu.memory_space<vmem>>
    %dma_start3A_36 = tpu.memref_squeeze %dma_start3A_35 : memref<1x40x128xf32, #tpu.memory_space<vmem>> -> memref<40x128xf32, #tpu.memory_space<vmem>>
    %dma_start3A_37 = arith.constant 0 : i32
    %dma_start3A_38 = tpu.memref_slice %arg7[%dma_start3A_30, %dma_start3A_37] : memref<250x40xi32, #tpu.memory_space<vmem>> -> memref<1x40xi32, #tpu.memory_space<vmem>>
    %dma_start3A_39 = tpu.memref_squeeze %dma_start3A_38 : memref<1x40xi32, #tpu.memory_space<vmem>> -> memref<40xi32, #tpu.memory_space<vmem>>
    %dma_start3A_40 = arith.constant 0 : i32
    %dma_start3A_41 = arith.constant 0 : i32
    %dma_start3A_42 = tpu.memref_slice %arg2[%dma_start3A_40, %dma_start3A_41] : memref<10000x128xf32, #tpu.memory_space<hbm>> -> memref<10000x128xf32, #tpu.memory_space<hbm>>
    %dma_start3A_43 = tpu.memref_slice %arg11[%dma_start3A_32] : memref<5x!tpu.dma_semaphore, #tpu.memory_space<semaphore_mem>> -> memref<1x!tpu.dma_semaphore, #tpu.memory_space<semaphore_mem>>
    %dma_start3A_44 = tpu.memref_squeeze %dma_start3A_43 : memref<1x!tpu.dma_semaphore, #tpu.memory_space<semaphore_mem>> -> memref<!tpu.dma_semaphore, #tpu.memory_space<semaphore_mem>>
    tpu.enqueue_indirect_dma source(%dma_start3A_42 : memref<10000x128xf32, #tpu.memory_space<hbm>>) target(%dma_start3A_36 : memref<40x128xf32, #tpu.memory_space<vmem>>) offsets(%dma_start3A_39 : memref<40xi32, #tpu.memory_space<vmem>>) semaphore(%dma_start3A_44 : memref<!tpu.dma_semaphore, #tpu.memory_space<semaphore_mem>>)
    %dma_start3A_45 = arith.constant 3 : i32
    %dma_start3A_46 = arith.constant 3 : i32
    %dma_start3A_47 = arith.constant 3 : i32
    %dma_start3A_48 = arith.constant 0 : i32
    %dma_start3A_49 = arith.constant 0 : i32
    %dma_start3A_50 = tpu.memref_slice %arg9[%dma_start3A_46, %dma_start3A_48, %dma_start3A_49] : memref<5x40x128xf32, #tpu.memory_space<vmem>> -> memref<1x40x128xf32, #tpu.memory_space<vmem>>
    %dma_start3A_51 = tpu.memref_squeeze %dma_start3A_50 : memref<1x40x128xf32, #tpu.memory_space<vmem>> -> memref<40x128xf32, #tpu.memory_space<vmem>>
    %dma_start3A_52 = arith.constant 0 : i32
    %dma_start3A_53 = tpu.memref_slice %arg7[%dma_start3A_45, %dma_start3A_52] : memref<250x40xi32, #tpu.memory_space<vmem>> -> memref<1x40xi32, #tpu.memory_space<vmem>>
    %dma_start3A_54 = tpu.memref_squeeze %dma_start3A_53 : memref<1x40xi32, #tpu.memory_space<vmem>> -> memref<40xi32, #tpu.memory_space<vmem>>
    %dma_start3A_55 = arith.constant 0 : i32
    %dma_start3A_56 = arith.constant 0 : i32
    %dma_start3A_57 = tpu.memref_slice %arg2[%dma_start3A_55, %dma_start3A_56] : memref<10000x128xf32, #tpu.memory_space<hbm>> -> memref<10000x128xf32, #tpu.memory_space<hbm>>
    %dma_start3A_58 = tpu.memref_slice %arg11[%dma_start3A_47] : memref<5x!tpu.dma_semaphore, #tpu.memory_space<semaphore_mem>> -> memref<1x!tpu.dma_semaphore, #tpu.memory_space<semaphore_mem>>
    %dma_start3A_59 = tpu.memref_squeeze %dma_start3A_58 : memref<1x!tpu.dma_semaphore, #tpu.memory_space<semaphore_mem>> -> memref<!tpu.dma_semaphore, #tpu.memory_space<semaphore_mem>>
    tpu.enqueue_indirect_dma source(%dma_start3A_57 : memref<10000x128xf32, #tpu.memory_space<hbm>>) target(%dma_start3A_51 : memref<40x128xf32, #tpu.memory_space<vmem>>) offsets(%dma_start3A_54 : memref<40xi32, #tpu.memory_space<vmem>>) semaphore(%dma_start3A_59 : memref<!tpu.dma_semaphore, #tpu.memory_space<semaphore_mem>>)
    %dma_start3A_60 = arith.constant 4 : i32
    %dma_start3A_61 = arith.constant 4 : i32
    %dma_start3A_62 = arith.constant 4 : i32
    %dma_start3A_63 = arith.constant 0 : i32
    %dma_start3A_64 = arith.constant 0 : i32
    %dma_start3A_65 = tpu.memref_slice %arg9[%dma_start3A_61, %dma_start3A_63, %dma_start3A_64] : memref<5x40x128xf32, #tpu.memory_space<vmem>> -> memref<1x40x128xf32, #tpu.memory_space<vmem>>
    %dma_start3A_66 = tpu.memref_squeeze %dma_start3A_65 : memref<1x40x128xf32, #tpu.memory_space<vmem>> -> memref<40x128xf32, #tpu.memory_space<vmem>>
    %dma_start3A_67 = arith.constant 0 : i32
    %dma_start3A_68 = tpu.memref_slice %arg7[%dma_start3A_60, %dma_start3A_67] : memref<250x40xi32, #tpu.memory_space<vmem>> -> memref<1x40xi32, #tpu.memory_space<vmem>>
    %dma_start3A_69 = tpu.memref_squeeze %dma_start3A_68 : memref<1x40xi32, #tpu.memory_space<vmem>> -> memref<40xi32, #tpu.memory_space<vmem>>
    %dma_start3A_70 = arith.constant 0 : i32
    %dma_start3A_71 = arith.constant 0 : i32
    %dma_start3A_72 = tpu.memref_slice %arg2[%dma_start3A_70, %dma_start3A_71] : memref<10000x128xf32, #tpu.memory_space<hbm>> -> memref<10000x128xf32, #tpu.memory_space<hbm>>
    %dma_start3A_73 = tpu.memref_slice %arg11[%dma_start3A_62] : memref<5x!tpu.dma_semaphore, #tpu.memory_space<semaphore_mem>> -> memref<1x!tpu.dma_semaphore, #tpu.memory_space<semaphore_mem>>
    %dma_start3A_74 = tpu.memref_squeeze %dma_start3A_73 : memref<1x!tpu.dma_semaphore, #tpu.memory_space<semaphore_mem>> -> memref<!tpu.dma_semaphore, #tpu.memory_space<semaphore_mem>>
    tpu.enqueue_indirect_dma source(%dma_start3A_72 : memref<10000x128xf32, #tpu.memory_space<hbm>>) target(%dma_start3A_66 : memref<40x128xf32, #tpu.memory_space<vmem>>) offsets(%dma_start3A_69 : memref<40xi32, #tpu.memory_space<vmem>>) semaphore(%dma_start3A_74 : memref<!tpu.dma_semaphore, #tpu.memory_space<semaphore_mem>>)
    %lt3A = arith.constant 10 : i32
    %lt3A_75 = arith.cmpi slt, %arg1, %lt3A : i32
    %convert_element_type3A = arith.extui %lt3A_75 : i1 to i32
    %cond3A = arith.constant 0 : i32
    %cond3A_76 = arith.cmpi ne, %convert_element_type3A, %cond3A : i32
    scf.if %cond3A_76 {
      %mul3A_88 = arith.constant 1000 : i32
      %mul3A_89 = arith.muli %arg1, %mul3A_88 : i32
      "tpu.region"() ({
        %run_scoped3A = tpu.sem_alloc : memref<!tpu.dma_semaphore, #tpu.memory_space<semaphore_mem>>
        %dma_start3A_90 = arith.constant 0 : i32
        %dma_start3A_91 = tpu.memref_slice %arg10[%mul3A_89, %dma_start3A_90] : memref<10000x128xf32, #tpu.memory_space<vmem_shared>> -> memref<1000x128xf32, #tpu.memory_space<vmem_shared>>
        tpu.enqueue_dma source(%arg5 : memref<1000x128xf32, #tpu.memory_space<hbm>>) target(%dma_start3A_91 : memref<1000x128xf32, #tpu.memory_space<vmem_shared>>) target_semaphore(%run_scoped3A : memref<!tpu.dma_semaphore, #tpu.memory_space<semaphore_mem>>)
        %dma_wait3A = arith.constant 0 : i32
        %dma_wait3A_92 = tpu.memref_slice %arg10[%mul3A_89, %dma_wait3A] : memref<10000x128xf32, #tpu.memory_space<vmem_shared>> -> memref<1000x128xf32, #tpu.memory_space<vmem_shared>>
        tpu.wait_dma2 semaphore(%run_scoped3A : memref<!tpu.dma_semaphore, #tpu.memory_space<semaphore_mem>>) src(%arg5 : memref<1000x128xf32, #tpu.memory_space<hbm>>) dst(%dma_wait3A_92 : memref<1000x128xf32, #tpu.memory_space<vmem_shared>>)
        tpu.yield
      }) : () -> ()
    } else {
    }
    %barrier3A = arith.constant 0 : index
    tpu.barrier barrier_id(%barrier3A)
    %scan3A = arith.constant 0 : i32
    %scan3A_77 = arith.constant 0 : i32
    %scan3A_78 = arith.constant 50 : i32
    %scan3A_79 = arith.addi %scan3A_77, %scan3A_78 : i32
    %scan3A_80 = arith.constant 1 : i32
    scf.for %scan3A_88 = %scan3A_77 to %scan3A_79 step %scan3A_80  : i32 {
      %mul3A_89 = arith.constant 5 : i32
      %mul3A_90 = arith.muli %scan3A_88, %mul3A_89 : i32
      %add3A_91 = arith.constant 0 : i32
      %add3A_92 = arith.addi %mul3A_90, %add3A_91 : i32
      %dma_wait3A = arith.constant 0 : i32
      %dma_wait3A_93 = arith.constant 0 : i32
      %dma_wait3A_94 = arith.constant 0 : i32
      %dma_wait3A_95 = arith.constant 0 : i32
      %dma_wait3A_96 = tpu.memref_slice %arg9[%dma_wait3A, %dma_wait3A_94, %dma_wait3A_95] : memref<5x40x128xf32, #tpu.memory_space<vmem>> -> memref<1x40x128xf32, #tpu.memory_space<vmem>>
      %dma_wait3A_97 = tpu.memref_squeeze %dma_wait3A_96 : memref<1x40x128xf32, #tpu.memory_space<vmem>> -> memref<40x128xf32, #tpu.memory_space<vmem>>
      %dma_wait3A_98 = arith.constant 0 : i32
      %dma_wait3A_99 = tpu.memref_slice %arg7[%add3A_92, %dma_wait3A_98] : memref<250x40xi32, #tpu.memory_space<vmem>> -> memref<1x40xi32, #tpu.memory_space<vmem>>
      %dma_wait3A_100 = tpu.memref_squeeze %dma_wait3A_99 : memref<1x40xi32, #tpu.memory_space<vmem>> -> memref<40xi32, #tpu.memory_space<vmem>>
      %dma_wait3A_101 = arith.constant 0 : i32
      %dma_wait3A_102 = arith.constant 0 : i32
      %dma_wait3A_103 = tpu.memref_slice %arg2[%dma_wait3A_101, %dma_wait3A_102] : memref<10000x128xf32, #tpu.memory_space<hbm>> -> memref<10000x128xf32, #tpu.memory_space<hbm>>
      %dma_wait3A_104 = tpu.memref_slice %arg11[%dma_wait3A_93] : memref<5x!tpu.dma_semaphore, #tpu.memory_space<semaphore_mem>> -> memref<1x!tpu.dma_semaphore, #tpu.memory_space<semaphore_mem>>
      %dma_wait3A_105 = tpu.memref_squeeze %dma_wait3A_104 : memref<1x!tpu.dma_semaphore, #tpu.memory_space<semaphore_mem>> -> memref<!tpu.dma_semaphore, #tpu.memory_space<semaphore_mem>>
      tpu.wait_indirect_dma semaphore(%dma_wait3A_105 : memref<!tpu.dma_semaphore, #tpu.memory_space<semaphore_mem>>) src(%dma_wait3A_103 : memref<10000x128xf32, #tpu.memory_space<hbm>>) dst(%dma_wait3A_97 : memref<40x128xf32, #tpu.memory_space<vmem>>)
      %run_scoped3A = arith.constant 0 : i32
      "tpu.region"() ({
        %run_scoped3A_217 = tpu.sem_alloc : memref<!tpu.dma_semaphore, #tpu.memory_space<semaphore_mem>>
        %dma_start3A_218 = arith.constant 0 : i32
        %dma_start3A_219 = arith.constant 0 : i32
        %dma_start3A_220 = tpu.memref_slice %arg9[%run_scoped3A, %dma_start3A_218, %dma_start3A_219] : memref<5x40x128xf32, #tpu.memory_space<vmem>> -> memref<1x40x128xf32, #tpu.memory_space<vmem>>
        %dma_start3A_221 = tpu.memref_squeeze %dma_start3A_220 : memref<1x40x128xf32, #tpu.memory_space<vmem>> -> memref<40x128xf32, #tpu.memory_space<vmem>>
        %dma_start3A_222 = arith.constant 0 : i32
        %dma_start3A_223 = tpu.memref_slice %arg8[%add3A_92, %dma_start3A_222] : memref<250x40xi32, #tpu.memory_space<vmem>> -> memref<1x40xi32, #tpu.memory_space<vmem>>
        %dma_start3A_224 = tpu.memref_squeeze %dma_start3A_223 : memref<1x40xi32, #tpu.memory_space<vmem>> -> memref<40xi32, #tpu.memory_space<vmem>>
        %dma_start3A_225 = arith.constant 0 : i32
        %dma_start3A_226 = arith.constant 0 : i32
        %dma_start3A_227 = tpu.memref_slice %arg10[%dma_start3A_225, %dma_start3A_226] : memref<10000x128xf32, #tpu.memory_space<vmem_shared>> -> memref<10000x128xf32, #tpu.memory_space<vmem_shared>>
        tpu.enqueue_indirect_dma source(%dma_start3A_221 : memref<40x128xf32, #tpu.memory_space<vmem>>) target(%dma_start3A_227 : memref<10000x128xf32, #tpu.memory_space<vmem_shared>>) offsets(%dma_start3A_224 : memref<40xi32, #tpu.memory_space<vmem>>) semaphore(%run_scoped3A_217 : memref<!tpu.dma_semaphore, #tpu.memory_space<semaphore_mem>>) {add = true}
        %dma_wait3A_228 = arith.constant 0 : i32
        %dma_wait3A_229 = arith.constant 0 : i32
        %dma_wait3A_230 = tpu.memref_slice %arg9[%run_scoped3A, %dma_wait3A_228, %dma_wait3A_229] : memref<5x40x128xf32, #tpu.memory_space<vmem>> -> memref<1x40x128xf32, #tpu.memory_space<vmem>>
        %dma_wait3A_231 = tpu.memref_squeeze %dma_wait3A_230 : memref<1x40x128xf32, #tpu.memory_space<vmem>> -> memref<40x128xf32, #tpu.memory_space<vmem>>
        %dma_wait3A_232 = arith.constant 0 : i32
        %dma_wait3A_233 = tpu.memref_slice %arg8[%add3A_92, %dma_wait3A_232] : memref<250x40xi32, #tpu.memory_space<vmem>> -> memref<1x40xi32, #tpu.memory_space<vmem>>
        %dma_wait3A_234 = tpu.memref_squeeze %dma_wait3A_233 : memref<1x40xi32, #tpu.memory_space<vmem>> -> memref<40xi32, #tpu.memory_space<vmem>>
        %dma_wait3A_235 = arith.constant 0 : i32
        %dma_wait3A_236 = arith.constant 0 : i32
        %dma_wait3A_237 = tpu.memref_slice %arg10[%dma_wait3A_235, %dma_wait3A_236] : memref<10000x128xf32, #tpu.memory_space<vmem_shared>> -> memref<10000x128xf32, #tpu.memory_space<vmem_shared>>
        tpu.wait_indirect_dma semaphore(%run_scoped3A_217 : memref<!tpu.dma_semaphore, #tpu.memory_space<semaphore_mem>>) src(%dma_wait3A_231 : memref<40x128xf32, #tpu.memory_space<vmem>>) dst(%dma_wait3A_237 : memref<10000x128xf32, #tpu.memory_space<vmem_shared>>)
        tpu.yield
      }) : () -> ()
      %add3A_106 = arith.constant 5 : i32
      %add3A_107 = arith.addi %add3A_92, %add3A_106 : i32
      %lt3A_108 = arith.constant 250 : i32
      %lt3A_109 = arith.cmpi slt, %add3A_107, %lt3A_108 : i32
      %convert_element_type3A_110 = arith.extui %lt3A_109 : i1 to i32
      %cond3A_111 = arith.constant 0 : i32
      %cond3A_112 = arith.cmpi ne, %convert_element_type3A_110, %cond3A_111 : i32
      scf.if %cond3A_112 {
        %dma_start3A_217 = arith.constant 0 : i32
        %dma_start3A_218 = arith.constant 0 : i32
        %dma_start3A_219 = arith.constant 0 : i32
        %dma_start3A_220 = arith.constant 0 : i32
        %dma_start3A_221 = tpu.memref_slice %arg9[%dma_start3A_217, %dma_start3A_219, %dma_start3A_220] : memref<5x40x128xf32, #tpu.memory_space<vmem>> -> memref<1x40x128xf32, #tpu.memory_space<vmem>>
        %dma_start3A_222 = tpu.memref_squeeze %dma_start3A_221 : memref<1x40x128xf32, #tpu.memory_space<vmem>> -> memref<40x128xf32, #tpu.memory_space<vmem>>
        %dma_start3A_223 = arith.constant 0 : i32
        %dma_start3A_224 = tpu.memref_slice %arg7[%add3A_107, %dma_start3A_223] : memref<250x40xi32, #tpu.memory_space<vmem>> -> memref<1x40xi32, #tpu.memory_space<vmem>>
        %dma_start3A_225 = tpu.memref_squeeze %dma_start3A_224 : memref<1x40xi32, #tpu.memory_space<vmem>> -> memref<40xi32, #tpu.memory_space<vmem>>
        %dma_start3A_226 = arith.constant 0 : i32
        %dma_start3A_227 = arith.constant 0 : i32
        %dma_start3A_228 = tpu.memref_slice %arg2[%dma_start3A_226, %dma_start3A_227] : memref<10000x128xf32, #tpu.memory_space<hbm>> -> memref<10000x128xf32, #tpu.memory_space<hbm>>
        %dma_start3A_229 = tpu.memref_slice %arg11[%dma_start3A_218] : memref<5x!tpu.dma_semaphore, #tpu.memory_space<semaphore_mem>> -> memref<1x!tpu.dma_semaphore, #tpu.memory_space<semaphore_mem>>
        %dma_start3A_230 = tpu.memref_squeeze %dma_start3A_229 : memref<1x!tpu.dma_semaphore, #tpu.memory_space<semaphore_mem>> -> memref<!tpu.dma_semaphore, #tpu.memory_space<semaphore_mem>>
        tpu.enqueue_indirect_dma source(%dma_start3A_228 : memref<10000x128xf32, #tpu.memory_space<hbm>>) target(%dma_start3A_222 : memref<40x128xf32, #tpu.memory_space<vmem>>) offsets(%dma_start3A_225 : memref<40xi32, #tpu.memory_space<vmem>>) semaphore(%dma_start3A_230 : memref<!tpu.dma_semaphore, #tpu.memory_space<semaphore_mem>>)
      } else {
      }
      %mul3A_113 = arith.constant 5 : i32
      %mul3A_114 = arith.muli %scan3A_88, %mul3A_113 : i32
      %add3A_115 = arith.constant 1 : i32
      %add3A_116 = arith.addi %mul3A_114, %add3A_115 : i32
      %dma_wait3A_117 = arith.constant 1 : i32
      %dma_wait3A_118 = arith.constant 1 : i32
      %dma_wait3A_119 = arith.constant 0 : i32
      %dma_wait3A_120 = arith.constant 0 : i32
      %dma_wait3A_121 = tpu.memref_slice %arg9[%dma_wait3A_117, %dma_wait3A_119, %dma_wait3A_120] : memref<5x40x128xf32, #tpu.memory_space<vmem>> -> memref<1x40x128xf32, #tpu.memory_space<vmem>>
      %dma_wait3A_122 = tpu.memref_squeeze %dma_wait3A_121 : memref<1x40x128xf32, #tpu.memory_space<vmem>> -> memref<40x128xf32, #tpu.memory_space<vmem>>
      %dma_wait3A_123 = arith.constant 0 : i32
      %dma_wait3A_124 = tpu.memref_slice %arg7[%add3A_116, %dma_wait3A_123] : memref<250x40xi32, #tpu.memory_space<vmem>> -> memref<1x40xi32, #tpu.memory_space<vmem>>
      %dma_wait3A_125 = tpu.memref_squeeze %dma_wait3A_124 : memref<1x40xi32, #tpu.memory_space<vmem>> -> memref<40xi32, #tpu.memory_space<vmem>>
      %dma_wait3A_126 = arith.constant 0 : i32
      %dma_wait3A_127 = arith.constant 0 : i32
      %dma_wait3A_128 = tpu.memref_slice %arg2[%dma_wait3A_126, %dma_wait3A_127] : memref<10000x128xf32, #tpu.memory_space<hbm>> -> memref<10000x128xf32, #tpu.memory_space<hbm>>
      %dma_wait3A_129 = tpu.memref_slice %arg11[%dma_wait3A_118] : memref<5x!tpu.dma_semaphore, #tpu.memory_space<semaphore_mem>> -> memref<1x!tpu.dma_semaphore, #tpu.memory_space<semaphore_mem>>
      %dma_wait3A_130 = tpu.memref_squeeze %dma_wait3A_129 : memref<1x!tpu.dma_semaphore, #tpu.memory_space<semaphore_mem>> -> memref<!tpu.dma_semaphore, #tpu.memory_space<semaphore_mem>>
      tpu.wait_indirect_dma semaphore(%dma_wait3A_130 : memref<!tpu.dma_semaphore, #tpu.memory_space<semaphore_mem>>) src(%dma_wait3A_128 : memref<10000x128xf32, #tpu.memory_space<hbm>>) dst(%dma_wait3A_122 : memref<40x128xf32, #tpu.memory_space<vmem>>)
      %run_scoped3A_131 = arith.constant 1 : i32
      "tpu.region"() ({
        %run_scoped3A_217 = tpu.sem_alloc : memref<!tpu.dma_semaphore, #tpu.memory_space<semaphore_mem>>
        %dma_start3A_218 = arith.constant 0 : i32
        %dma_start3A_219 = arith.constant 0 : i32
        %dma_start3A_220 = tpu.memref_slice %arg9[%run_scoped3A_131, %dma_start3A_218, %dma_start3A_219] : memref<5x40x128xf32, #tpu.memory_space<vmem>> -> memref<1x40x128xf32, #tpu.memory_space<vmem>>
        %dma_start3A_221 = tpu.memref_squeeze %dma_start3A_220 : memref<1x40x128xf32, #tpu.memory_space<vmem>> -> memref<40x128xf32, #tpu.memory_space<vmem>>
        %dma_start3A_222 = arith.constant 0 : i32
        %dma_start3A_223 = tpu.memref_slice %arg8[%add3A_116, %dma_start3A_222] : memref<250x40xi32, #tpu.memory_space<vmem>> -> memref<1x40xi32, #tpu.memory_space<vmem>>
        %dma_start3A_224 = tpu.memref_squeeze %dma_start3A_223 : memref<1x40xi32, #tpu.memory_space<vmem>> -> memref<40xi32, #tpu.memory_space<vmem>>
        %dma_start3A_225 = arith.constant 0 : i32
        %dma_start3A_226 = arith.constant 0 : i32
        %dma_start3A_227 = tpu.memref_slice %arg10[%dma_start3A_225, %dma_start3A_226] : memref<10000x128xf32, #tpu.memory_space<vmem_shared>> -> memref<10000x128xf32, #tpu.memory_space<vmem_shared>>
        tpu.enqueue_indirect_dma source(%dma_start3A_221 : memref<40x128xf32, #tpu.memory_space<vmem>>) target(%dma_start3A_227 : memref<10000x128xf32, #tpu.memory_space<vmem_shared>>) offsets(%dma_start3A_224 : memref<40xi32, #tpu.memory_space<vmem>>) semaphore(%run_scoped3A_217 : memref<!tpu.dma_semaphore, #tpu.memory_space<semaphore_mem>>) {add = true}
        %dma_wait3A_228 = arith.constant 0 : i32
        %dma_wait3A_229 = arith.constant 0 : i32
        %dma_wait3A_230 = tpu.memref_slice %arg9[%run_scoped3A_131, %dma_wait3A_228, %dma_wait3A_229] : memref<5x40x128xf32, #tpu.memory_space<vmem>> -> memref<1x40x128xf32, #tpu.memory_space<vmem>>
        %dma_wait3A_231 = tpu.memref_squeeze %dma_wait3A_230 : memref<1x40x128xf32, #tpu.memory_space<vmem>> -> memref<40x128xf32, #tpu.memory_space<vmem>>
        %dma_wait3A_232 = arith.constant 0 : i32
        %dma_wait3A_233 = tpu.memref_slice %arg8[%add3A_116, %dma_wait3A_232] : memref<250x40xi32, #tpu.memory_space<vmem>> -> memref<1x40xi32, #tpu.memory_space<vmem>>
        %dma_wait3A_234 = tpu.memref_squeeze %dma_wait3A_233 : memref<1x40xi32, #tpu.memory_space<vmem>> -> memref<40xi32, #tpu.memory_space<vmem>>
        %dma_wait3A_235 = arith.constant 0 : i32
        %dma_wait3A_236 = arith.constant 0 : i32
        %dma_wait3A_237 = tpu.memref_slice %arg10[%dma_wait3A_235, %dma_wait3A_236] : memref<10000x128xf32, #tpu.memory_space<vmem_shared>> -> memref<10000x128xf32, #tpu.memory_space<vmem_shared>>
        tpu.wait_indirect_dma semaphore(%run_scoped3A_217 : memref<!tpu.dma_semaphore, #tpu.memory_space<semaphore_mem>>) src(%dma_wait3A_231 : memref<40x128xf32, #tpu.memory_space<vmem>>) dst(%dma_wait3A_237 : memref<10000x128xf32, #tpu.memory_space<vmem_shared>>)
        tpu.yield
      }) : () -> ()
      %add3A_132 = arith.constant 5 : i32
      %add3A_133 = arith.addi %add3A_116, %add3A_132 : i32
      %lt3A_134 = arith.constant 250 : i32
      %lt3A_135 = arith.cmpi slt, %add3A_133, %lt3A_134 : i32
      %convert_element_type3A_136 = arith.extui %lt3A_135 : i1 to i32
      %cond3A_137 = arith.constant 0 : i32
      %cond3A_138 = arith.cmpi ne, %convert_element_type3A_136, %cond3A_137 : i32
      scf.if %cond3A_138 {
        %dma_start3A_217 = arith.constant 1 : i32
        %dma_start3A_218 = arith.constant 1 : i32
        %dma_start3A_219 = arith.constant 0 : i32
        %dma_start3A_220 = arith.constant 0 : i32
        %dma_start3A_221 = tpu.memref_slice %arg9[%dma_start3A_217, %dma_start3A_219, %dma_start3A_220] : memref<5x40x128xf32, #tpu.memory_space<vmem>> -> memref<1x40x128xf32, #tpu.memory_space<vmem>>
        %dma_start3A_222 = tpu.memref_squeeze %dma_start3A_221 : memref<1x40x128xf32, #tpu.memory_space<vmem>> -> memref<40x128xf32, #tpu.memory_space<vmem>>
        %dma_start3A_223 = arith.constant 0 : i32
        %dma_start3A_224 = tpu.memref_slice %arg7[%add3A_133, %dma_start3A_223] : memref<250x40xi32, #tpu.memory_space<vmem>> -> memref<1x40xi32, #tpu.memory_space<vmem>>
        %dma_start3A_225 = tpu.memref_squeeze %dma_start3A_224 : memref<1x40xi32, #tpu.memory_space<vmem>> -> memref<40xi32, #tpu.memory_space<vmem>>
        %dma_start3A_226 = arith.constant 0 : i32
        %dma_start3A_227 = arith.constant 0 : i32
        %dma_start3A_228 = tpu.memref_slice %arg2[%dma_start3A_226, %dma_start3A_227] : memref<10000x128xf32, #tpu.memory_space<hbm>> -> memref<10000x128xf32, #tpu.memory_space<hbm>>
        %dma_start3A_229 = tpu.memref_slice %arg11[%dma_start3A_218] : memref<5x!tpu.dma_semaphore, #tpu.memory_space<semaphore_mem>> -> memref<1x!tpu.dma_semaphore, #tpu.memory_space<semaphore_mem>>
        %dma_start3A_230 = tpu.memref_squeeze %dma_start3A_229 : memref<1x!tpu.dma_semaphore, #tpu.memory_space<semaphore_mem>> -> memref<!tpu.dma_semaphore, #tpu.memory_space<semaphore_mem>>
        tpu.enqueue_indirect_dma source(%dma_start3A_228 : memref<10000x128xf32, #tpu.memory_space<hbm>>) target(%dma_start3A_222 : memref<40x128xf32, #tpu.memory_space<vmem>>) offsets(%dma_start3A_225 : memref<40xi32, #tpu.memory_space<vmem>>) semaphore(%dma_start3A_230 : memref<!tpu.dma_semaphore, #tpu.memory_space<semaphore_mem>>)
      } else {
      }
      %mul3A_139 = arith.constant 5 : i32
      %mul3A_140 = arith.muli %scan3A_88, %mul3A_139 : i32
      %add3A_141 = arith.constant 2 : i32
      %add3A_142 = arith.addi %mul3A_140, %add3A_141 : i32
      %dma_wait3A_143 = arith.constant 2 : i32
      %dma_wait3A_144 = arith.constant 2 : i32
      %dma_wait3A_145 = arith.constant 0 : i32
      %dma_wait3A_146 = arith.constant 0 : i32
      %dma_wait3A_147 = tpu.memref_slice %arg9[%dma_wait3A_143, %dma_wait3A_145, %dma_wait3A_146] : memref<5x40x128xf32, #tpu.memory_space<vmem>> -> memref<1x40x128xf32, #tpu.memory_space<vmem>>
      %dma_wait3A_148 = tpu.memref_squeeze %dma_wait3A_147 : memref<1x40x128xf32, #tpu.memory_space<vmem>> -> memref<40x128xf32, #tpu.memory_space<vmem>>
      %dma_wait3A_149 = arith.constant 0 : i32
      %dma_wait3A_150 = tpu.memref_slice %arg7[%add3A_142, %dma_wait3A_149] : memref<250x40xi32, #tpu.memory_space<vmem>> -> memref<1x40xi32, #tpu.memory_space<vmem>>
      %dma_wait3A_151 = tpu.memref_squeeze %dma_wait3A_150 : memref<1x40xi32, #tpu.memory_space<vmem>> -> memref<40xi32, #tpu.memory_space<vmem>>
      %dma_wait3A_152 = arith.constant 0 : i32
      %dma_wait3A_153 = arith.constant 0 : i32
      %dma_wait3A_154 = tpu.memref_slice %arg2[%dma_wait3A_152, %dma_wait3A_153] : memref<10000x128xf32, #tpu.memory_space<hbm>> -> memref<10000x128xf32, #tpu.memory_space<hbm>>
      %dma_wait3A_155 = tpu.memref_slice %arg11[%dma_wait3A_144] : memref<5x!tpu.dma_semaphore, #tpu.memory_space<semaphore_mem>> -> memref<1x!tpu.dma_semaphore, #tpu.memory_space<semaphore_mem>>
      %dma_wait3A_156 = tpu.memref_squeeze %dma_wait3A_155 : memref<1x!tpu.dma_semaphore, #tpu.memory_space<semaphore_mem>> -> memref<!tpu.dma_semaphore, #tpu.memory_space<semaphore_mem>>
      tpu.wait_indirect_dma semaphore(%dma_wait3A_156 : memref<!tpu.dma_semaphore, #tpu.memory_space<semaphore_mem>>) src(%dma_wait3A_154 : memref<10000x128xf32, #tpu.memory_space<hbm>>) dst(%dma_wait3A_148 : memref<40x128xf32, #tpu.memory_space<vmem>>)
      %run_scoped3A_157 = arith.constant 2 : i32
      "tpu.region"() ({
        %run_scoped3A_217 = tpu.sem_alloc : memref<!tpu.dma_semaphore, #tpu.memory_space<semaphore_mem>>
        %dma_start3A_218 = arith.constant 0 : i32
        %dma_start3A_219 = arith.constant 0 : i32
        %dma_start3A_220 = tpu.memref_slice %arg9[%run_scoped3A_157, %dma_start3A_218, %dma_start3A_219] : memref<5x40x128xf32, #tpu.memory_space<vmem>> -> memref<1x40x128xf32, #tpu.memory_space<vmem>>
        %dma_start3A_221 = tpu.memref_squeeze %dma_start3A_220 : memref<1x40x128xf32, #tpu.memory_space<vmem>> -> memref<40x128xf32, #tpu.memory_space<vmem>>
        %dma_start3A_222 = arith.constant 0 : i32
        %dma_start3A_223 = tpu.memref_slice %arg8[%add3A_142, %dma_start3A_222] : memref<250x40xi32, #tpu.memory_space<vmem>> -> memref<1x40xi32, #tpu.memory_space<vmem>>
        %dma_start3A_224 = tpu.memref_squeeze %dma_start3A_223 : memref<1x40xi32, #tpu.memory_space<vmem>> -> memref<40xi32, #tpu.memory_space<vmem>>
        %dma_start3A_225 = arith.constant 0 : i32
        %dma_start3A_226 = arith.constant 0 : i32
        %dma_start3A_227 = tpu.memref_slice %arg10[%dma_start3A_225, %dma_start3A_226] : memref<10000x128xf32, #tpu.memory_space<vmem_shared>> -> memref<10000x128xf32, #tpu.memory_space<vmem_shared>>
        tpu.enqueue_indirect_dma source(%dma_start3A_221 : memref<40x128xf32, #tpu.memory_space<vmem>>) target(%dma_start3A_227 : memref<10000x128xf32, #tpu.memory_space<vmem_shared>>) offsets(%dma_start3A_224 : memref<40xi32, #tpu.memory_space<vmem>>) semaphore(%run_scoped3A_217 : memref<!tpu.dma_semaphore, #tpu.memory_space<semaphore_mem>>) {add = true}
        %dma_wait3A_228 = arith.constant 0 : i32
        %dma_wait3A_229 = arith.constant 0 : i32
        %dma_wait3A_230 = tpu.memref_slice %arg9[%run_scoped3A_157, %dma_wait3A_228, %dma_wait3A_229] : memref<5x40x128xf32, #tpu.memory_space<vmem>> -> memref<1x40x128xf32, #tpu.memory_space<vmem>>
        %dma_wait3A_231 = tpu.memref_squeeze %dma_wait3A_230 : memref<1x40x128xf32, #tpu.memory_space<vmem>> -> memref<40x128xf32, #tpu.memory_space<vmem>>
        %dma_wait3A_232 = arith.constant 0 : i32
        %dma_wait3A_233 = tpu.memref_slice %arg8[%add3A_142, %dma_wait3A_232] : memref<250x40xi32, #tpu.memory_space<vmem>> -> memref<1x40xi32, #tpu.memory_space<vmem>>
        %dma_wait3A_234 = tpu.memref_squeeze %dma_wait3A_233 : memref<1x40xi32, #tpu.memory_space<vmem>> -> memref<40xi32, #tpu.memory_space<vmem>>
        %dma_wait3A_235 = arith.constant 0 : i32
        %dma_wait3A_236 = arith.constant 0 : i32
        %dma_wait3A_237 = tpu.memref_slice %arg10[%dma_wait3A_235, %dma_wait3A_236] : memref<10000x128xf32, #tpu.memory_space<vmem_shared>> -> memref<10000x128xf32, #tpu.memory_space<vmem_shared>>
        tpu.wait_indirect_dma semaphore(%run_scoped3A_217 : memref<!tpu.dma_semaphore, #tpu.memory_space<semaphore_mem>>) src(%dma_wait3A_231 : memref<40x128xf32, #tpu.memory_space<vmem>>) dst(%dma_wait3A_237 : memref<10000x128xf32, #tpu.memory_space<vmem_shared>>)
        tpu.yield
      }) : () -> ()
      %add3A_158 = arith.constant 5 : i32
      %add3A_159 = arith.addi %add3A_142, %add3A_158 : i32
      %lt3A_160 = arith.constant 250 : i32
      %lt3A_161 = arith.cmpi slt, %add3A_159, %lt3A_160 : i32
      %convert_element_type3A_162 = arith.extui %lt3A_161 : i1 to i32
      %cond3A_163 = arith.constant 0 : i32
      %cond3A_164 = arith.cmpi ne, %convert_element_type3A_162, %cond3A_163 : i32
      scf.if %cond3A_164 {
        %dma_start3A_217 = arith.constant 2 : i32
        %dma_start3A_218 = arith.constant 2 : i32
        %dma_start3A_219 = arith.constant 0 : i32
        %dma_start3A_220 = arith.constant 0 : i32
        %dma_start3A_221 = tpu.memref_slice %arg9[%dma_start3A_217, %dma_start3A_219, %dma_start3A_220] : memref<5x40x128xf32, #tpu.memory_space<vmem>> -> memref<1x40x128xf32, #tpu.memory_space<vmem>>
        %dma_start3A_222 = tpu.memref_squeeze %dma_start3A_221 : memref<1x40x128xf32, #tpu.memory_space<vmem>> -> memref<40x128xf32, #tpu.memory_space<vmem>>
        %dma_start3A_223 = arith.constant 0 : i32
        %dma_start3A_224 = tpu.memref_slice %arg7[%add3A_159, %dma_start3A_223] : memref<250x40xi32, #tpu.memory_space<vmem>> -> memref<1x40xi32, #tpu.memory_space<vmem>>
        %dma_start3A_225 = tpu.memref_squeeze %dma_start3A_224 : memref<1x40xi32, #tpu.memory_space<vmem>> -> memref<40xi32, #tpu.memory_space<vmem>>
        %dma_start3A_226 = arith.constant 0 : i32
        %dma_start3A_227 = arith.constant 0 : i32
        %dma_start3A_228 = tpu.memref_slice %arg2[%dma_start3A_226, %dma_start3A_227] : memref<10000x128xf32, #tpu.memory_space<hbm>> -> memref<10000x128xf32, #tpu.memory_space<hbm>>
        %dma_start3A_229 = tpu.memref_slice %arg11[%dma_start3A_218] : memref<5x!tpu.dma_semaphore, #tpu.memory_space<semaphore_mem>> -> memref<1x!tpu.dma_semaphore, #tpu.memory_space<semaphore_mem>>
        %dma_start3A_230 = tpu.memref_squeeze %dma_start3A_229 : memref<1x!tpu.dma_semaphore, #tpu.memory_space<semaphore_mem>> -> memref<!tpu.dma_semaphore, #tpu.memory_space<semaphore_mem>>
        tpu.enqueue_indirect_dma source(%dma_start3A_228 : memref<10000x128xf32, #tpu.memory_space<hbm>>) target(%dma_start3A_222 : memref<40x128xf32, #tpu.memory_space<vmem>>) offsets(%dma_start3A_225 : memref<40xi32, #tpu.memory_space<vmem>>) semaphore(%dma_start3A_230 : memref<!tpu.dma_semaphore, #tpu.memory_space<semaphore_mem>>)
      } else {
      }
      %mul3A_165 = arith.constant 5 : i32
      %mul3A_166 = arith.muli %scan3A_88, %mul3A_165 : i32
      %add3A_167 = arith.constant 3 : i32
      %add3A_168 = arith.addi %mul3A_166, %add3A_167 : i32
      %dma_wait3A_169 = arith.constant 3 : i32
      %dma_wait3A_170 = arith.constant 3 : i32
      %dma_wait3A_171 = arith.constant 0 : i32
      %dma_wait3A_172 = arith.constant 0 : i32
      %dma_wait3A_173 = tpu.memref_slice %arg9[%dma_wait3A_169, %dma_wait3A_171, %dma_wait3A_172] : memref<5x40x128xf32, #tpu.memory_space<vmem>> -> memref<1x40x128xf32, #tpu.memory_space<vmem>>
      %dma_wait3A_174 = tpu.memref_squeeze %dma_wait3A_173 : memref<1x40x128xf32, #tpu.memory_space<vmem>> -> memref<40x128xf32, #tpu.memory_space<vmem>>
      %dma_wait3A_175 = arith.constant 0 : i32
      %dma_wait3A_176 = tpu.memref_slice %arg7[%add3A_168, %dma_wait3A_175] : memref<250x40xi32, #tpu.memory_space<vmem>> -> memref<1x40xi32, #tpu.memory_space<vmem>>
      %dma_wait3A_177 = tpu.memref_squeeze %dma_wait3A_176 : memref<1x40xi32, #tpu.memory_space<vmem>> -> memref<40xi32, #tpu.memory_space<vmem>>
      %dma_wait3A_178 = arith.constant 0 : i32
      %dma_wait3A_179 = arith.constant 0 : i32
      %dma_wait3A_180 = tpu.memref_slice %arg2[%dma_wait3A_178, %dma_wait3A_179] : memref<10000x128xf32, #tpu.memory_space<hbm>> -> memref<10000x128xf32, #tpu.memory_space<hbm>>
      %dma_wait3A_181 = tpu.memref_slice %arg11[%dma_wait3A_170] : memref<5x!tpu.dma_semaphore, #tpu.memory_space<semaphore_mem>> -> memref<1x!tpu.dma_semaphore, #tpu.memory_space<semaphore_mem>>
      %dma_wait3A_182 = tpu.memref_squeeze %dma_wait3A_181 : memref<1x!tpu.dma_semaphore, #tpu.memory_space<semaphore_mem>> -> memref<!tpu.dma_semaphore, #tpu.memory_space<semaphore_mem>>
      tpu.wait_indirect_dma semaphore(%dma_wait3A_182 : memref<!tpu.dma_semaphore, #tpu.memory_space<semaphore_mem>>) src(%dma_wait3A_180 : memref<10000x128xf32, #tpu.memory_space<hbm>>) dst(%dma_wait3A_174 : memref<40x128xf32, #tpu.memory_space<vmem>>)
      %run_scoped3A_183 = arith.constant 3 : i32
      "tpu.region"() ({
        %run_scoped3A_217 = tpu.sem_alloc : memref<!tpu.dma_semaphore, #tpu.memory_space<semaphore_mem>>
        %dma_start3A_218 = arith.constant 0 : i32
        %dma_start3A_219 = arith.constant 0 : i32
        %dma_start3A_220 = tpu.memref_slice %arg9[%run_scoped3A_183, %dma_start3A_218, %dma_start3A_219] : memref<5x40x128xf32, #tpu.memory_space<vmem>> -> memref<1x40x128xf32, #tpu.memory_space<vmem>>
        %dma_start3A_221 = tpu.memref_squeeze %dma_start3A_220 : memref<1x40x128xf32, #tpu.memory_space<vmem>> -> memref<40x128xf32, #tpu.memory_space<vmem>>
        %dma_start3A_222 = arith.constant 0 : i32
        %dma_start3A_223 = tpu.memref_slice %arg8[%add3A_168, %dma_start3A_222] : memref<250x40xi32, #tpu.memory_space<vmem>> -> memref<1x40xi32, #tpu.memory_space<vmem>>
        %dma_start3A_224 = tpu.memref_squeeze %dma_start3A_223 : memref<1x40xi32, #tpu.memory_space<vmem>> -> memref<40xi32, #tpu.memory_space<vmem>>
        %dma_start3A_225 = arith.constant 0 : i32
        %dma_start3A_226 = arith.constant 0 : i32
        %dma_start3A_227 = tpu.memref_slice %arg10[%dma_start3A_225, %dma_start3A_226] : memref<10000x128xf32, #tpu.memory_space<vmem_shared>> -> memref<10000x128xf32, #tpu.memory_space<vmem_shared>>
        tpu.enqueue_indirect_dma source(%dma_start3A_221 : memref<40x128xf32, #tpu.memory_space<vmem>>) target(%dma_start3A_227 : memref<10000x128xf32, #tpu.memory_space<vmem_shared>>) offsets(%dma_start3A_224 : memref<40xi32, #tpu.memory_space<vmem>>) semaphore(%run_scoped3A_217 : memref<!tpu.dma_semaphore, #tpu.memory_space<semaphore_mem>>) {add = true}
        %dma_wait3A_228 = arith.constant 0 : i32
        %dma_wait3A_229 = arith.constant 0 : i32
        %dma_wait3A_230 = tpu.memref_slice %arg9[%run_scoped3A_183, %dma_wait3A_228, %dma_wait3A_229] : memref<5x40x128xf32, #tpu.memory_space<vmem>> -> memref<1x40x128xf32, #tpu.memory_space<vmem>>
        %dma_wait3A_231 = tpu.memref_squeeze %dma_wait3A_230 : memref<1x40x128xf32, #tpu.memory_space<vmem>> -> memref<40x128xf32, #tpu.memory_space<vmem>>
        %dma_wait3A_232 = arith.constant 0 : i32
        %dma_wait3A_233 = tpu.memref_slice %arg8[%add3A_168, %dma_wait3A_232] : memref<250x40xi32, #tpu.memory_space<vmem>> -> memref<1x40xi32, #tpu.memory_space<vmem>>
        %dma_wait3A_234 = tpu.memref_squeeze %dma_wait3A_233 : memref<1x40xi32, #tpu.memory_space<vmem>> -> memref<40xi32, #tpu.memory_space<vmem>>
        %dma_wait3A_235 = arith.constant 0 : i32
        %dma_wait3A_236 = arith.constant 0 : i32
        %dma_wait3A_237 = tpu.memref_slice %arg10[%dma_wait3A_235, %dma_wait3A_236] : memref<10000x128xf32, #tpu.memory_space<vmem_shared>> -> memref<10000x128xf32, #tpu.memory_space<vmem_shared>>
        tpu.wait_indirect_dma semaphore(%run_scoped3A_217 : memref<!tpu.dma_semaphore, #tpu.memory_space<semaphore_mem>>) src(%dma_wait3A_231 : memref<40x128xf32, #tpu.memory_space<vmem>>) dst(%dma_wait3A_237 : memref<10000x128xf32, #tpu.memory_space<vmem_shared>>)
        tpu.yield
      }) : () -> ()
      %add3A_184 = arith.constant 5 : i32
      %add3A_185 = arith.addi %add3A_168, %add3A_184 : i32
      %lt3A_186 = arith.constant 250 : i32
      %lt3A_187 = arith.cmpi slt, %add3A_185, %lt3A_186 : i32
      %convert_element_type3A_188 = arith.extui %lt3A_187 : i1 to i32
      %cond3A_189 = arith.constant 0 : i32
      %cond3A_190 = arith.cmpi ne, %convert_element_type3A_188, %cond3A_189 : i32
      scf.if %cond3A_190 {
        %dma_start3A_217 = arith.constant 3 : i32
        %dma_start3A_218 = arith.constant 3 : i32
        %dma_start3A_219 = arith.constant 0 : i32
        %dma_start3A_220 = arith.constant 0 : i32
        %dma_start3A_221 = tpu.memref_slice %arg9[%dma_start3A_217, %dma_start3A_219, %dma_start3A_220] : memref<5x40x128xf32, #tpu.memory_space<vmem>> -> memref<1x40x128xf32, #tpu.memory_space<vmem>>
        %dma_start3A_222 = tpu.memref_squeeze %dma_start3A_221 : memref<1x40x128xf32, #tpu.memory_space<vmem>> -> memref<40x128xf32, #tpu.memory_space<vmem>>
        %dma_start3A_223 = arith.constant 0 : i32
        %dma_start3A_224 = tpu.memref_slice %arg7[%add3A_185, %dma_start3A_223] : memref<250x40xi32, #tpu.memory_space<vmem>> -> memref<1x40xi32, #tpu.memory_space<vmem>>
        %dma_start3A_225 = tpu.memref_squeeze %dma_start3A_224 : memref<1x40xi32, #tpu.memory_space<vmem>> -> memref<40xi32, #tpu.memory_space<vmem>>
        %dma_start3A_226 = arith.constant 0 : i32
        %dma_start3A_227 = arith.constant 0 : i32
        %dma_start3A_228 = tpu.memref_slice %arg2[%dma_start3A_226, %dma_start3A_227] : memref<10000x128xf32, #tpu.memory_space<hbm>> -> memref<10000x128xf32, #tpu.memory_space<hbm>>
        %dma_start3A_229 = tpu.memref_slice %arg11[%dma_start3A_218] : memref<5x!tpu.dma_semaphore, #tpu.memory_space<semaphore_mem>> -> memref<1x!tpu.dma_semaphore, #tpu.memory_space<semaphore_mem>>
        %dma_start3A_230 = tpu.memref_squeeze %dma_start3A_229 : memref<1x!tpu.dma_semaphore, #tpu.memory_space<semaphore_mem>> -> memref<!tpu.dma_semaphore, #tpu.memory_space<semaphore_mem>>
        tpu.enqueue_indirect_dma source(%dma_start3A_228 : memref<10000x128xf32, #tpu.memory_space<hbm>>) target(%dma_start3A_222 : memref<40x128xf32, #tpu.memory_space<vmem>>) offsets(%dma_start3A_225 : memref<40xi32, #tpu.memory_space<vmem>>) semaphore(%dma_start3A_230 : memref<!tpu.dma_semaphore, #tpu.memory_space<semaphore_mem>>)
      } else {
      }
      %mul3A_191 = arith.constant 5 : i32
      %mul3A_192 = arith.muli %scan3A_88, %mul3A_191 : i32
      %add3A_193 = arith.constant 4 : i32
      %add3A_194 = arith.addi %mul3A_192, %add3A_193 : i32
      %dma_wait3A_195 = arith.constant 4 : i32
      %dma_wait3A_196 = arith.constant 4 : i32
      %dma_wait3A_197 = arith.constant 0 : i32
      %dma_wait3A_198 = arith.constant 0 : i32
      %dma_wait3A_199 = tpu.memref_slice %arg9[%dma_wait3A_195, %dma_wait3A_197, %dma_wait3A_198] : memref<5x40x128xf32, #tpu.memory_space<vmem>> -> memref<1x40x128xf32, #tpu.memory_space<vmem>>
      %dma_wait3A_200 = tpu.memref_squeeze %dma_wait3A_199 : memref<1x40x128xf32, #tpu.memory_space<vmem>> -> memref<40x128xf32, #tpu.memory_space<vmem>>
      %dma_wait3A_201 = arith.constant 0 : i32
      %dma_wait3A_202 = tpu.memref_slice %arg7[%add3A_194, %dma_wait3A_201] : memref<250x40xi32, #tpu.memory_space<vmem>> -> memref<1x40xi32, #tpu.memory_space<vmem>>
      %dma_wait3A_203 = tpu.memref_squeeze %dma_wait3A_202 : memref<1x40xi32, #tpu.memory_space<vmem>> -> memref<40xi32, #tpu.memory_space<vmem>>
      %dma_wait3A_204 = arith.constant 0 : i32
      %dma_wait3A_205 = arith.constant 0 : i32
      %dma_wait3A_206 = tpu.memref_slice %arg2[%dma_wait3A_204, %dma_wait3A_205] : memref<10000x128xf32, #tpu.memory_space<hbm>> -> memref<10000x128xf32, #tpu.memory_space<hbm>>
      %dma_wait3A_207 = tpu.memref_slice %arg11[%dma_wait3A_196] : memref<5x!tpu.dma_semaphore, #tpu.memory_space<semaphore_mem>> -> memref<1x!tpu.dma_semaphore, #tpu.memory_space<semaphore_mem>>
      %dma_wait3A_208 = tpu.memref_squeeze %dma_wait3A_207 : memref<1x!tpu.dma_semaphore, #tpu.memory_space<semaphore_mem>> -> memref<!tpu.dma_semaphore, #tpu.memory_space<semaphore_mem>>
      tpu.wait_indirect_dma semaphore(%dma_wait3A_208 : memref<!tpu.dma_semaphore, #tpu.memory_space<semaphore_mem>>) src(%dma_wait3A_206 : memref<10000x128xf32, #tpu.memory_space<hbm>>) dst(%dma_wait3A_200 : memref<40x128xf32, #tpu.memory_space<vmem>>)
      %run_scoped3A_209 = arith.constant 4 : i32
      "tpu.region"() ({
        %run_scoped3A_217 = tpu.sem_alloc : memref<!tpu.dma_semaphore, #tpu.memory_space<semaphore_mem>>
        %dma_start3A_218 = arith.constant 0 : i32
        %dma_start3A_219 = arith.constant 0 : i32
        %dma_start3A_220 = tpu.memref_slice %arg9[%run_scoped3A_209, %dma_start3A_218, %dma_start3A_219] : memref<5x40x128xf32, #tpu.memory_space<vmem>> -> memref<1x40x128xf32, #tpu.memory_space<vmem>>
        %dma_start3A_221 = tpu.memref_squeeze %dma_start3A_220 : memref<1x40x128xf32, #tpu.memory_space<vmem>> -> memref<40x128xf32, #tpu.memory_space<vmem>>
        %dma_start3A_222 = arith.constant 0 : i32
        %dma_start3A_223 = tpu.memref_slice %arg8[%add3A_194, %dma_start3A_222] : memref<250x40xi32, #tpu.memory_space<vmem>> -> memref<1x40xi32, #tpu.memory_space<vmem>>
        %dma_start3A_224 = tpu.memref_squeeze %dma_start3A_223 : memref<1x40xi32, #tpu.memory_space<vmem>> -> memref<40xi32, #tpu.memory_space<vmem>>
        %dma_start3A_225 = arith.constant 0 : i32
        %dma_start3A_226 = arith.constant 0 : i32
        %dma_start3A_227 = tpu.memref_slice %arg10[%dma_start3A_225, %dma_start3A_226] : memref<10000x128xf32, #tpu.memory_space<vmem_shared>> -> memref<10000x128xf32, #tpu.memory_space<vmem_shared>>
        tpu.enqueue_indirect_dma source(%dma_start3A_221 : memref<40x128xf32, #tpu.memory_space<vmem>>) target(%dma_start3A_227 : memref<10000x128xf32, #tpu.memory_space<vmem_shared>>) offsets(%dma_start3A_224 : memref<40xi32, #tpu.memory_space<vmem>>) semaphore(%run_scoped3A_217 : memref<!tpu.dma_semaphore, #tpu.memory_space<semaphore_mem>>) {add = true}
        %dma_wait3A_228 = arith.constant 0 : i32
        %dma_wait3A_229 = arith.constant 0 : i32
        %dma_wait3A_230 = tpu.memref_slice %arg9[%run_scoped3A_209, %dma_wait3A_228, %dma_wait3A_229] : memref<5x40x128xf32, #tpu.memory_space<vmem>> -> memref<1x40x128xf32, #tpu.memory_space<vmem>>
        %dma_wait3A_231 = tpu.memref_squeeze %dma_wait3A_230 : memref<1x40x128xf32, #tpu.memory_space<vmem>> -> memref<40x128xf32, #tpu.memory_space<vmem>>
        %dma_wait3A_232 = arith.constant 0 : i32
        %dma_wait3A_233 = tpu.memref_slice %arg8[%add3A_194, %dma_wait3A_232] : memref<250x40xi32, #tpu.memory_space<vmem>> -> memref<1x40xi32, #tpu.memory_space<vmem>>
        %dma_wait3A_234 = tpu.memref_squeeze %dma_wait3A_233 : memref<1x40xi32, #tpu.memory_space<vmem>> -> memref<40xi32, #tpu.memory_space<vmem>>
        %dma_wait3A_235 = arith.constant 0 : i32
        %dma_wait3A_236 = arith.constant 0 : i32
        %dma_wait3A_237 = tpu.memref_slice %arg10[%dma_wait3A_235, %dma_wait3A_236] : memref<10000x128xf32, #tpu.memory_space<vmem_shared>> -> memref<10000x128xf32, #tpu.memory_space<vmem_shared>>
        tpu.wait_indirect_dma semaphore(%run_scoped3A_217 : memref<!tpu.dma_semaphore, #tpu.memory_space<semaphore_mem>>) src(%dma_wait3A_231 : memref<40x128xf32, #tpu.memory_space<vmem>>) dst(%dma_wait3A_237 : memref<10000x128xf32, #tpu.memory_space<vmem_shared>>)
        tpu.yield
      }) : () -> ()
      %add3A_210 = arith.constant 5 : i32
      %add3A_211 = arith.addi %add3A_194, %add3A_210 : i32
      %lt3A_212 = arith.constant 250 : i32
      %lt3A_213 = arith.cmpi slt, %add3A_211, %lt3A_212 : i32
      %convert_element_type3A_214 = arith.extui %lt3A_213 : i1 to i32
      %cond3A_215 = arith.constant 0 : i32
      %cond3A_216 = arith.cmpi ne, %convert_element_type3A_214, %cond3A_215 : i32
      scf.if %cond3A_216 {
        %dma_start3A_217 = arith.constant 4 : i32
        %dma_start3A_218 = arith.constant 4 : i32
        %dma_start3A_219 = arith.constant 0 : i32
        %dma_start3A_220 = arith.constant 0 : i32
        %dma_start3A_221 = tpu.memref_slice %arg9[%dma_start3A_217, %dma_start3A_219, %dma_start3A_220] : memref<5x40x128xf32, #tpu.memory_space<vmem>> -> memref<1x40x128xf32, #tpu.memory_space<vmem>>
        %dma_start3A_222 = tpu.memref_squeeze %dma_start3A_221 : memref<1x40x128xf32, #tpu.memory_space<vmem>> -> memref<40x128xf32, #tpu.memory_space<vmem>>
        %dma_start3A_223 = arith.constant 0 : i32
        %dma_start3A_224 = tpu.memref_slice %arg7[%add3A_211, %dma_start3A_223] : memref<250x40xi32, #tpu.memory_space<vmem>> -> memref<1x40xi32, #tpu.memory_space<vmem>>
        %dma_start3A_225 = tpu.memref_squeeze %dma_start3A_224 : memref<1x40xi32, #tpu.memory_space<vmem>> -> memref<40xi32, #tpu.memory_space<vmem>>
        %dma_start3A_226 = arith.constant 0 : i32
        %dma_start3A_227 = arith.constant 0 : i32
        %dma_start3A_228 = tpu.memref_slice %arg2[%dma_start3A_226, %dma_start3A_227] : memref<10000x128xf32, #tpu.memory_space<hbm>> -> memref<10000x128xf32, #tpu.memory_space<hbm>>
        %dma_start3A_229 = tpu.memref_slice %arg11[%dma_start3A_218] : memref<5x!tpu.dma_semaphore, #tpu.memory_space<semaphore_mem>> -> memref<1x!tpu.dma_semaphore, #tpu.memory_space<semaphore_mem>>
        %dma_start3A_230 = tpu.memref_squeeze %dma_start3A_229 : memref<1x!tpu.dma_semaphore, #tpu.memory_space<semaphore_mem>> -> memref<!tpu.dma_semaphore, #tpu.memory_space<semaphore_mem>>
        tpu.enqueue_indirect_dma source(%dma_start3A_228 : memref<10000x128xf32, #tpu.memory_space<hbm>>) target(%dma_start3A_222 : memref<40x128xf32, #tpu.memory_space<vmem>>) offsets(%dma_start3A_225 : memref<40xi32, #tpu.memory_space<vmem>>) semaphore(%dma_start3A_230 : memref<!tpu.dma_semaphore, #tpu.memory_space<semaphore_mem>>)
      } else {
      }
    }
    %scan3A_81 = arith.constant 50 : i32
    %barrier3A_82 = arith.constant 0 : index
    tpu.barrier barrier_id(%barrier3A_82)
    %lt3A_83 = arith.constant 10 : i32
    %lt3A_84 = arith.cmpi slt, %arg1, %lt3A_83 : i32
    %convert_element_type3A_85 = arith.extui %lt3A_84 : i1 to i32
    %cond3A_86 = arith.constant 0 : i32
    %cond3A_87 = arith.cmpi ne, %convert_element_type3A_85, %cond3A_86 : i32
    scf.if %cond3A_87 {
      %mul3A_88 = arith.constant 1000 : i32
      %mul3A_89 = arith.muli %arg1, %mul3A_88 : i32
      %mul3A_90 = arith.constant 1000 : i32
      %mul3A_91 = arith.muli %arg1, %mul3A_90 : i32
      "tpu.region"() ({
        %run_scoped3A = tpu.sem_alloc : memref<!tpu.dma_semaphore, #tpu.memory_space<semaphore_mem>>
        %dma_start3A_92 = arith.constant 0 : i32
        %dma_start3A_93 = arith.constant 0 : i32
        %dma_start3A_94 = tpu.memref_slice %arg6[%arg0, %dma_start3A_92, %dma_start3A_93] : memref<2x10000x128xf32, #tpu.memory_space<hbm>> -> memref<1x10000x128xf32, #tpu.memory_space<hbm>>
        %dma_start3A_95 = tpu.memref_squeeze %dma_start3A_94 : memref<1x10000x128xf32, #tpu.memory_space<hbm>> -> memref<10000x128xf32, #tpu.memory_space<hbm>>
        %dma_start3A_96 = arith.constant 0 : i32
        %dma_start3A_97 = tpu.memref_slice %dma_start3A_95[%mul3A_91, %dma_start3A_96] : memref<10000x128xf32, #tpu.memory_space<hbm>> -> memref<1000x128xf32, #tpu.memory_space<hbm>>
        %dma_start3A_98 = arith.constant 0 : i32
        %dma_start3A_99 = tpu.memref_slice %arg10[%mul3A_89, %dma_start3A_98] : memref<10000x128xf32, #tpu.memory_space<vmem_shared>> -> memref<1000x128xf32, #tpu.memory_space<vmem_shared>>
        tpu.enqueue_dma source(%dma_start3A_99 : memref<1000x128xf32, #tpu.memory_space<vmem_shared>>) target(%dma_start3A_97 : memref<1000x128xf32, #tpu.memory_space<hbm>>) target_semaphore(%run_scoped3A : memref<!tpu.dma_semaphore, #tpu.memory_space<semaphore_mem>>)
        %dma_wait3A = arith.constant 0 : i32
        %dma_wait3A_100 = arith.constant 0 : i32
        %dma_wait3A_101 = tpu.memref_slice %arg6[%arg0, %dma_wait3A, %dma_wait3A_100] : memref<2x10000x128xf32, #tpu.memory_space<hbm>> -> memref<1x10000x128xf32, #tpu.memory_space<hbm>>
        %dma_wait3A_102 = tpu.memref_squeeze %dma_wait3A_101 : memref<1x10000x128xf32, #tpu.memory_space<hbm>> -> memref<10000x128xf32, #tpu.memory_space<hbm>>
        %dma_wait3A_103 = arith.constant 0 : i32
        %dma_wait3A_104 = tpu.memref_slice %dma_wait3A_102[%mul3A_91, %dma_wait3A_103] : memref<10000x128xf32, #tpu.memory_space<hbm>> -> memref<1000x128xf32, #tpu.memory_space<hbm>>
        %dma_wait3A_105 = arith.constant 0 : i32
        %dma_wait3A_106 = tpu.memref_slice %arg10[%mul3A_89, %dma_wait3A_105] : memref<10000x128xf32, #tpu.memory_space<vmem_shared>> -> memref<1000x128xf32, #tpu.memory_space<vmem_shared>>
        tpu.wait_dma2 semaphore(%run_scoped3A : memref<!tpu.dma_semaphore, #tpu.memory_space<semaphore_mem>>) src(%dma_wait3A_106 : memref<1000x128xf32, #tpu.memory_space<vmem_shared>>) dst(%dma_wait3A_104 : memref<1000x128xf32, #tpu.memory_space<hbm>>)
        tpu.yield
      }) : () -> ()
    } else {
    }
    return
  }
}

#map = affine_map<(d0, d1) -> (0, 0)>
#map1 = affine_map<(d0, d1) -> (0, 0, 0)>
module attributes {stable_mosaic.version = 14 : i64} {
  func.func @_edge_body(%arg0: i32, %arg1: i32, %arg2: memref<10000x128xf32, #tpu.memory_space<hbm>>, %arg3: memref<32x250x40xi32, #tpu.memory_space<hbm>>, %arg4: memref<32x250x40xi32, #tpu.memory_space<hbm>>, %arg5: memref<1000x128xf32, #tpu.memory_space<hbm>>, %arg6: memref<2x10000x128xf32, #tpu.memory_space<hbm>>, %arg7: memref<250x40xi32, #tpu.memory_space<vmem>>, %arg8: memref<250x40xi32, #tpu.memory_space<vmem>>, %arg9: memref<5x40x128xf32, #tpu.memory_space<vmem>>, %arg10: memref<10000x128xf32, #tpu.memory_space<vmem_shared>>, %arg11: memref<5x!tpu.dma_semaphore, #tpu.memory_space<semaphore_mem>>) attributes {dimension_semantics = [#tpu.dimension_semantics<core_parallel>, #tpu.dimension_semantics<subcore_parallel>], iteration_bounds = array<i64: 2, 16>, scalar_prefetch = 0 : i64, scratch_operands = 5 : i64, tpu.core_type = #tpu.core_type<sc_vector_subcore>, window_params = [{transform_indices = #map}, {transform_indices = #map1}, {transform_indices = #map1}, {transform_indices = #map}, {transform_indices = #map1}]} {
    %mul3A = arith.constant 16 : i32
    %mul3A_0 = arith.muli %arg0, %mul3A : i32
    %add3A = arith.addi %mul3A_0, %arg1 : i32
    "tpu.region"() ({
      %run_scoped3A = tpu.sem_alloc : memref<!tpu.dma_semaphore, #tpu.memory_space<semaphore_mem>>
      %dma_start3A_88 = arith.constant 0 : i32
      %dma_start3A_89 = arith.constant 0 : i32
      %dma_start3A_90 = tpu.memref_slice %arg3[%add3A, %dma_start3A_88, %dma_start3A_89] : memref<32x250x40xi32, #tpu.memory_space<hbm>> -> memref<1x250x40xi32, #tpu.memory_space<hbm>>
      %dma_start3A_91 = tpu.memref_squeeze %dma_start3A_90 : memref<1x250x40xi32, #tpu.memory_space<hbm>> -> memref<250x40xi32, #tpu.memory_space<hbm>>
      %dma_start3A_92 = arith.constant 0 : i32
      %dma_start3A_93 = arith.constant 0 : i32
      %dma_start3A_94 = tpu.memref_slice %arg3[%add3A, %dma_start3A_92, %dma_start3A_93] : memref<32x250x40xi32, #tpu.memory_space<hbm>> -> memref<1x250x40xi32, #tpu.memory_space<hbm>>
      %dma_start3A_95 = tpu.memref_squeeze %dma_start3A_94 : memref<1x250x40xi32, #tpu.memory_space<hbm>> -> memref<250x40xi32, #tpu.memory_space<hbm>>
      tpu.enqueue_dma source(%dma_start3A_95 : memref<250x40xi32, #tpu.memory_space<hbm>>) target(%arg7 : memref<250x40xi32, #tpu.memory_space<vmem>>) target_semaphore(%run_scoped3A : memref<!tpu.dma_semaphore, #tpu.memory_space<semaphore_mem>>)
      %dma_wait3A = arith.constant 0 : i32
      %dma_wait3A_96 = arith.constant 0 : i32
      %dma_wait3A_97 = tpu.memref_slice %arg3[%add3A, %dma_wait3A, %dma_wait3A_96] : memref<32x250x40xi32, #tpu.memory_space<hbm>> -> memref<1x250x40xi32, #tpu.memory_space<hbm>>
      %dma_wait3A_98 = tpu.memref_squeeze %dma_wait3A_97 : memref<1x250x40xi32, #tpu.memory_space<hbm>> -> memref<250x40xi32, #tpu.memory_space<hbm>>
      %dma_wait3A_99 = arith.constant 0 : i32
      %dma_wait3A_100 = arith.constant 0 : i32
      %dma_wait3A_101 = tpu.memref_slice %arg3[%add3A, %dma_wait3A_99, %dma_wait3A_100] : memref<32x250x40xi32, #tpu.memory_space<hbm>> -> memref<1x250x40xi32, #tpu.memory_space<hbm>>
      %dma_wait3A_102 = tpu.memref_squeeze %dma_wait3A_101 : memref<1x250x40xi32, #tpu.memory_space<hbm>> -> memref<250x40xi32, #tpu.memory_space<hbm>>
      tpu.wait_dma2 semaphore(%run_scoped3A : memref<!tpu.dma_semaphore, #tpu.memory_space<semaphore_mem>>) src(%dma_wait3A_102 : memref<250x40xi32, #tpu.memory_space<hbm>>) dst(%arg7 : memref<250x40xi32, #tpu.memory_space<vmem>>)
      tpu.yield
    }) : () -> ()
    "tpu.region"() ({
      %run_scoped3A = tpu.sem_alloc : memref<!tpu.dma_semaphore, #tpu.memory_space<semaphore_mem>>
      %dma_start3A_88 = arith.constant 0 : i32
      %dma_start3A_89 = arith.constant 0 : i32
      %dma_start3A_90 = tpu.memref_slice %arg4[%add3A, %dma_start3A_88, %dma_start3A_89] : memref<32x250x40xi32, #tpu.memory_space<hbm>> -> memref<1x250x40xi32, #tpu.memory_space<hbm>>
      %dma_start3A_91 = tpu.memref_squeeze %dma_start3A_90 : memref<1x250x40xi32, #tpu.memory_space<hbm>> -> memref<250x40xi32, #tpu.memory_space<hbm>>
      %dma_start3A_92 = arith.constant 0 : i32
      %dma_start3A_93 = arith.constant 0 : i32
      %dma_start3A_94 = tpu.memref_slice %arg4[%add3A, %dma_start3A_92, %dma_start3A_93] : memref<32x250x40xi32, #tpu.memory_space<hbm>> -> memref<1x250x40xi32, #tpu.memory_space<hbm>>
      %dma_start3A_95 = tpu.memref_squeeze %dma_start3A_94 : memref<1x250x40xi32, #tpu.memory_space<hbm>> -> memref<250x40xi32, #tpu.memory_space<hbm>>
      tpu.enqueue_dma source(%dma_start3A_95 : memref<250x40xi32, #tpu.memory_space<hbm>>) target(%arg8 : memref<250x40xi32, #tpu.memory_space<vmem>>) target_semaphore(%run_scoped3A : memref<!tpu.dma_semaphore, #tpu.memory_space<semaphore_mem>>)
      %dma_wait3A = arith.constant 0 : i32
      %dma_wait3A_96 = arith.constant 0 : i32
      %dma_wait3A_97 = tpu.memref_slice %arg4[%add3A, %dma_wait3A, %dma_wait3A_96] : memref<32x250x40xi32, #tpu.memory_space<hbm>> -> memref<1x250x40xi32, #tpu.memory_space<hbm>>
      %dma_wait3A_98 = tpu.memref_squeeze %dma_wait3A_97 : memref<1x250x40xi32, #tpu.memory_space<hbm>> -> memref<250x40xi32, #tpu.memory_space<hbm>>
      %dma_wait3A_99 = arith.constant 0 : i32
      %dma_wait3A_100 = arith.constant 0 : i32
      %dma_wait3A_101 = tpu.memref_slice %arg4[%add3A, %dma_wait3A_99, %dma_wait3A_100] : memref<32x250x40xi32, #tpu.memory_space<hbm>> -> memref<1x250x40xi32, #tpu.memory_space<hbm>>
      %dma_wait3A_102 = tpu.memref_squeeze %dma_wait3A_101 : memref<1x250x40xi32, #tpu.memory_space<hbm>> -> memref<250x40xi32, #tpu.memory_space<hbm>>
      tpu.wait_dma2 semaphore(%run_scoped3A : memref<!tpu.dma_semaphore, #tpu.memory_space<semaphore_mem>>) src(%dma_wait3A_102 : memref<250x40xi32, #tpu.memory_space<hbm>>) dst(%arg8 : memref<250x40xi32, #tpu.memory_space<vmem>>)
      tpu.yield
    }) : () -> ()
    %dma_start3A = arith.constant 0 : i32
    %dma_start3A_1 = arith.constant 0 : i32
    %dma_start3A_2 = arith.constant 0 : i32
    %dma_start3A_3 = arith.constant 0 : i32
    %dma_start3A_4 = arith.constant 0 : i32
    %dma_start3A_5 = tpu.memref_slice %arg9[%dma_start3A_1, %dma_start3A_3, %dma_start3A_4] : memref<5x40x128xf32, #tpu.memory_space<vmem>> -> memref<1x40x128xf32, #tpu.memory_space<vmem>>
    %dma_start3A_6 = tpu.memref_squeeze %dma_start3A_5 : memref<1x40x128xf32, #tpu.memory_space<vmem>> -> memref<40x128xf32, #tpu.memory_space<vmem>>
    %dma_start3A_7 = arith.constant 0 : i32
    %dma_start3A_8 = tpu.memref_slice %arg7[%dma_start3A, %dma_start3A_7] : memref<250x40xi32, #tpu.memory_space<vmem>> -> memref<1x40xi32, #tpu.memory_space<vmem>>
    %dma_start3A_9 = tpu.memref_squeeze %dma_start3A_8 : memref<1x40xi32, #tpu.memory_space<vmem>> -> memref<40xi32, #tpu.memory_space<vmem>>
    %dma_start3A_10 = arith.constant 0 : i32
    %dma_start3A_11 = arith.constant 0 : i32
    %dma_start3A_12 = tpu.memref_slice %arg2[%dma_start3A_10, %dma_start3A_11] : memref<10000x128xf32, #tpu.memory_space<hbm>> -> memref<10000x128xf32, #tpu.memory_space<hbm>>
    %dma_start3A_13 = tpu.memref_slice %arg11[%dma_start3A_2] : memref<5x!tpu.dma_semaphore, #tpu.memory_space<semaphore_mem>> -> memref<1x!tpu.dma_semaphore, #tpu.memory_space<semaphore_mem>>
    %dma_start3A_14 = tpu.memref_squeeze %dma_start3A_13 : memref<1x!tpu.dma_semaphore, #tpu.memory_space<semaphore_mem>> -> memref<!tpu.dma_semaphore, #tpu.memory_space<semaphore_mem>>
    tpu.enqueue_indirect_dma source(%dma_start3A_12 : memref<10000x128xf32, #tpu.memory_space<hbm>>) target(%dma_start3A_6 : memref<40x128xf32, #tpu.memory_space<vmem>>) offsets(%dma_start3A_9 : memref<40xi32, #tpu.memory_space<vmem>>) semaphore(%dma_start3A_14 : memref<!tpu.dma_semaphore, #tpu.memory_space<semaphore_mem>>)
    %dma_start3A_15 = arith.constant 1 : i32
    %dma_start3A_16 = arith.constant 1 : i32
    %dma_start3A_17 = arith.constant 1 : i32
    %dma_start3A_18 = arith.constant 0 : i32
    %dma_start3A_19 = arith.constant 0 : i32
    %dma_start3A_20 = tpu.memref_slice %arg9[%dma_start3A_16, %dma_start3A_18, %dma_start3A_19] : memref<5x40x128xf32, #tpu.memory_space<vmem>> -> memref<1x40x128xf32, #tpu.memory_space<vmem>>
    %dma_start3A_21 = tpu.memref_squeeze %dma_start3A_20 : memref<1x40x128xf32, #tpu.memory_space<vmem>> -> memref<40x128xf32, #tpu.memory_space<vmem>>
    %dma_start3A_22 = arith.constant 0 : i32
    %dma_start3A_23 = tpu.memref_slice %arg7[%dma_start3A_15, %dma_start3A_22] : memref<250x40xi32, #tpu.memory_space<vmem>> -> memref<1x40xi32, #tpu.memory_space<vmem>>
    %dma_start3A_24 = tpu.memref_squeeze %dma_start3A_23 : memref<1x40xi32, #tpu.memory_space<vmem>> -> memref<40xi32, #tpu.memory_space<vmem>>
    %dma_start3A_25 = arith.constant 0 : i32
    %dma_start3A_26 = arith.constant 0 : i32
    %dma_start3A_27 = tpu.memref_slice %arg2[%dma_start3A_25, %dma_start3A_26] : memref<10000x128xf32, #tpu.memory_space<hbm>> -> memref<10000x128xf32, #tpu.memory_space<hbm>>
    %dma_start3A_28 = tpu.memref_slice %arg11[%dma_start3A_17] : memref<5x!tpu.dma_semaphore, #tpu.memory_space<semaphore_mem>> -> memref<1x!tpu.dma_semaphore, #tpu.memory_space<semaphore_mem>>
    %dma_start3A_29 = tpu.memref_squeeze %dma_start3A_28 : memref<1x!tpu.dma_semaphore, #tpu.memory_space<semaphore_mem>> -> memref<!tpu.dma_semaphore, #tpu.memory_space<semaphore_mem>>
    tpu.enqueue_indirect_dma source(%dma_start3A_27 : memref<10000x128xf32, #tpu.memory_space<hbm>>) target(%dma_start3A_21 : memref<40x128xf32, #tpu.memory_space<vmem>>) offsets(%dma_start3A_24 : memref<40xi32, #tpu.memory_space<vmem>>) semaphore(%dma_start3A_29 : memref<!tpu.dma_semaphore, #tpu.memory_space<semaphore_mem>>)
    %dma_start3A_30 = arith.constant 2 : i32
    %dma_start3A_31 = arith.constant 2 : i32
    %dma_start3A_32 = arith.constant 2 : i32
    %dma_start3A_33 = arith.constant 0 : i32
    %dma_start3A_34 = arith.constant 0 : i32
    %dma_start3A_35 = tpu.memref_slice %arg9[%dma_start3A_31, %dma_start3A_33, %dma_start3A_34] : memref<5x40x128xf32, #tpu.memory_space<vmem>> -> memref<1x40x128xf32, #tpu.memory_space<vmem>>
    %dma_start3A_36 = tpu.memref_squeeze %dma_start3A_35 : memref<1x40x128xf32, #tpu.memory_space<vmem>> -> memref<40x128xf32, #tpu.memory_space<vmem>>
    %dma_start3A_37 = arith.constant 0 : i32
    %dma_start3A_38 = tpu.memref_slice %arg7[%dma_start3A_30, %dma_start3A_37] : memref<250x40xi32, #tpu.memory_space<vmem>> -> memref<1x40xi32, #tpu.memory_space<vmem>>
    %dma_start3A_39 = tpu.memref_squeeze %dma_start3A_38 : memref<1x40xi32, #tpu.memory_space<vmem>> -> memref<40xi32, #tpu.memory_space<vmem>>
    %dma_start3A_40 = arith.constant 0 : i32
    %dma_start3A_41 = arith.constant 0 : i32
    %dma_start3A_42 = tpu.memref_slice %arg2[%dma_start3A_40, %dma_start3A_41] : memref<10000x128xf32, #tpu.memory_space<hbm>> -> memref<10000x128xf32, #tpu.memory_space<hbm>>
    %dma_start3A_43 = tpu.memref_slice %arg11[%dma_start3A_32] : memref<5x!tpu.dma_semaphore, #tpu.memory_space<semaphore_mem>> -> memref<1x!tpu.dma_semaphore, #tpu.memory_space<semaphore_mem>>
    %dma_start3A_44 = tpu.memref_squeeze %dma_start3A_43 : memref<1x!tpu.dma_semaphore, #tpu.memory_space<semaphore_mem>> -> memref<!tpu.dma_semaphore, #tpu.memory_space<semaphore_mem>>
    tpu.enqueue_indirect_dma source(%dma_start3A_42 : memref<10000x128xf32, #tpu.memory_space<hbm>>) target(%dma_start3A_36 : memref<40x128xf32, #tpu.memory_space<vmem>>) offsets(%dma_start3A_39 : memref<40xi32, #tpu.memory_space<vmem>>) semaphore(%dma_start3A_44 : memref<!tpu.dma_semaphore, #tpu.memory_space<semaphore_mem>>)
    %dma_start3A_45 = arith.constant 3 : i32
    %dma_start3A_46 = arith.constant 3 : i32
    %dma_start3A_47 = arith.constant 3 : i32
    %dma_start3A_48 = arith.constant 0 : i32
    %dma_start3A_49 = arith.constant 0 : i32
    %dma_start3A_50 = tpu.memref_slice %arg9[%dma_start3A_46, %dma_start3A_48, %dma_start3A_49] : memref<5x40x128xf32, #tpu.memory_space<vmem>> -> memref<1x40x128xf32, #tpu.memory_space<vmem>>
    %dma_start3A_51 = tpu.memref_squeeze %dma_start3A_50 : memref<1x40x128xf32, #tpu.memory_space<vmem>> -> memref<40x128xf32, #tpu.memory_space<vmem>>
    %dma_start3A_52 = arith.constant 0 : i32
    %dma_start3A_53 = tpu.memref_slice %arg7[%dma_start3A_45, %dma_start3A_52] : memref<250x40xi32, #tpu.memory_space<vmem>> -> memref<1x40xi32, #tpu.memory_space<vmem>>
    %dma_start3A_54 = tpu.memref_squeeze %dma_start3A_53 : memref<1x40xi32, #tpu.memory_space<vmem>> -> memref<40xi32, #tpu.memory_space<vmem>>
    %dma_start3A_55 = arith.constant 0 : i32
    %dma_start3A_56 = arith.constant 0 : i32
    %dma_start3A_57 = tpu.memref_slice %arg2[%dma_start3A_55, %dma_start3A_56] : memref<10000x128xf32, #tpu.memory_space<hbm>> -> memref<10000x128xf32, #tpu.memory_space<hbm>>
    %dma_start3A_58 = tpu.memref_slice %arg11[%dma_start3A_47] : memref<5x!tpu.dma_semaphore, #tpu.memory_space<semaphore_mem>> -> memref<1x!tpu.dma_semaphore, #tpu.memory_space<semaphore_mem>>
    %dma_start3A_59 = tpu.memref_squeeze %dma_start3A_58 : memref<1x!tpu.dma_semaphore, #tpu.memory_space<semaphore_mem>> -> memref<!tpu.dma_semaphore, #tpu.memory_space<semaphore_mem>>
    tpu.enqueue_indirect_dma source(%dma_start3A_57 : memref<10000x128xf32, #tpu.memory_space<hbm>>) target(%dma_start3A_51 : memref<40x128xf32, #tpu.memory_space<vmem>>) offsets(%dma_start3A_54 : memref<40xi32, #tpu.memory_space<vmem>>) semaphore(%dma_start3A_59 : memref<!tpu.dma_semaphore, #tpu.memory_space<semaphore_mem>>)
    %dma_start3A_60 = arith.constant 4 : i32
    %dma_start3A_61 = arith.constant 4 : i32
    %dma_start3A_62 = arith.constant 4 : i32
    %dma_start3A_63 = arith.constant 0 : i32
    %dma_start3A_64 = arith.constant 0 : i32
    %dma_start3A_65 = tpu.memref_slice %arg9[%dma_start3A_61, %dma_start3A_63, %dma_start3A_64] : memref<5x40x128xf32, #tpu.memory_space<vmem>> -> memref<1x40x128xf32, #tpu.memory_space<vmem>>
    %dma_start3A_66 = tpu.memref_squeeze %dma_start3A_65 : memref<1x40x128xf32, #tpu.memory_space<vmem>> -> memref<40x128xf32, #tpu.memory_space<vmem>>
    %dma_start3A_67 = arith.constant 0 : i32
    %dma_start3A_68 = tpu.memref_slice %arg7[%dma_start3A_60, %dma_start3A_67] : memref<250x40xi32, #tpu.memory_space<vmem>> -> memref<1x40xi32, #tpu.memory_space<vmem>>
    %dma_start3A_69 = tpu.memref_squeeze %dma_start3A_68 : memref<1x40xi32, #tpu.memory_space<vmem>> -> memref<40xi32, #tpu.memory_space<vmem>>
    %dma_start3A_70 = arith.constant 0 : i32
    %dma_start3A_71 = arith.constant 0 : i32
    %dma_start3A_72 = tpu.memref_slice %arg2[%dma_start3A_70, %dma_start3A_71] : memref<10000x128xf32, #tpu.memory_space<hbm>> -> memref<10000x128xf32, #tpu.memory_space<hbm>>
    %dma_start3A_73 = tpu.memref_slice %arg11[%dma_start3A_62] : memref<5x!tpu.dma_semaphore, #tpu.memory_space<semaphore_mem>> -> memref<1x!tpu.dma_semaphore, #tpu.memory_space<semaphore_mem>>
    %dma_start3A_74 = tpu.memref_squeeze %dma_start3A_73 : memref<1x!tpu.dma_semaphore, #tpu.memory_space<semaphore_mem>> -> memref<!tpu.dma_semaphore, #tpu.memory_space<semaphore_mem>>
    tpu.enqueue_indirect_dma source(%dma_start3A_72 : memref<10000x128xf32, #tpu.memory_space<hbm>>) target(%dma_start3A_66 : memref<40x128xf32, #tpu.memory_space<vmem>>) offsets(%dma_start3A_69 : memref<40xi32, #tpu.memory_space<vmem>>) semaphore(%dma_start3A_74 : memref<!tpu.dma_semaphore, #tpu.memory_space<semaphore_mem>>)
    %lt3A = arith.constant 10 : i32
    %lt3A_75 = arith.cmpi slt, %arg1, %lt3A : i32
    %convert_element_type3A = arith.extui %lt3A_75 : i1 to i32
    %cond3A = arith.constant 0 : i32
    %cond3A_76 = arith.cmpi ne, %convert_element_type3A, %cond3A : i32
    scf.if %cond3A_76 {
      %mul3A_88 = arith.constant 1000 : i32
      %mul3A_89 = arith.muli %arg1, %mul3A_88 : i32
      "tpu.region"() ({
        %run_scoped3A = tpu.sem_alloc : memref<!tpu.dma_semaphore, #tpu.memory_space<semaphore_mem>>
        %dma_start3A_90 = arith.constant 0 : i32
        %dma_start3A_91 = tpu.memref_slice %arg10[%mul3A_89, %dma_start3A_90] : memref<10000x128xf32, #tpu.memory_space<vmem_shared>> -> memref<1000x128xf32, #tpu.memory_space<vmem_shared>>
        tpu.enqueue_dma source(%arg5 : memref<1000x128xf32, #tpu.memory_space<hbm>>) target(%dma_start3A_91 : memref<1000x128xf32, #tpu.memory_space<vmem_shared>>) target_semaphore(%run_scoped3A : memref<!tpu.dma_semaphore, #tpu.memory_space<semaphore_mem>>)
        %dma_wait3A = arith.constant 0 : i32
        %dma_wait3A_92 = tpu.memref_slice %arg10[%mul3A_89, %dma_wait3A] : memref<10000x128xf32, #tpu.memory_space<vmem_shared>> -> memref<1000x128xf32, #tpu.memory_space<vmem_shared>>
        tpu.wait_dma2 semaphore(%run_scoped3A : memref<!tpu.dma_semaphore, #tpu.memory_space<semaphore_mem>>) src(%arg5 : memref<1000x128xf32, #tpu.memory_space<hbm>>) dst(%dma_wait3A_92 : memref<1000x128xf32, #tpu.memory_space<vmem_shared>>)
        tpu.yield
      }) : () -> ()
    } else {
    }
    %barrier3A = arith.constant 0 : index
    tpu.barrier barrier_id(%barrier3A)
    %scan3A = arith.constant 0 : i32
    %scan3A_77 = arith.constant 0 : i32
    %scan3A_78 = arith.constant 50 : i32
    %scan3A_79 = arith.addi %scan3A_77, %scan3A_78 : i32
    %scan3A_80 = arith.constant 1 : i32
    scf.for %scan3A_88 = %scan3A_77 to %scan3A_79 step %scan3A_80  : i32 {
      %mul3A_89 = arith.constant 5 : i32
      %mul3A_90 = arith.muli %scan3A_88, %mul3A_89 : i32
      %add3A_91 = arith.constant 0 : i32
      %add3A_92 = arith.addi %mul3A_90, %add3A_91 : i32
      %dma_wait3A = arith.constant 0 : i32
      %dma_wait3A_93 = arith.constant 0 : i32
      %dma_wait3A_94 = arith.constant 0 : i32
      %dma_wait3A_95 = arith.constant 0 : i32
      %dma_wait3A_96 = tpu.memref_slice %arg9[%dma_wait3A, %dma_wait3A_94, %dma_wait3A_95] : memref<5x40x128xf32, #tpu.memory_space<vmem>> -> memref<1x40x128xf32, #tpu.memory_space<vmem>>
      %dma_wait3A_97 = tpu.memref_squeeze %dma_wait3A_96 : memref<1x40x128xf32, #tpu.memory_space<vmem>> -> memref<40x128xf32, #tpu.memory_space<vmem>>
      %dma_wait3A_98 = arith.constant 0 : i32
      %dma_wait3A_99 = tpu.memref_slice %arg7[%add3A_92, %dma_wait3A_98] : memref<250x40xi32, #tpu.memory_space<vmem>> -> memref<1x40xi32, #tpu.memory_space<vmem>>
      %dma_wait3A_100 = tpu.memref_squeeze %dma_wait3A_99 : memref<1x40xi32, #tpu.memory_space<vmem>> -> memref<40xi32, #tpu.memory_space<vmem>>
      %dma_wait3A_101 = arith.constant 0 : i32
      %dma_wait3A_102 = arith.constant 0 : i32
      %dma_wait3A_103 = tpu.memref_slice %arg2[%dma_wait3A_101, %dma_wait3A_102] : memref<10000x128xf32, #tpu.memory_space<hbm>> -> memref<10000x128xf32, #tpu.memory_space<hbm>>
      %dma_wait3A_104 = tpu.memref_slice %arg11[%dma_wait3A_93] : memref<5x!tpu.dma_semaphore, #tpu.memory_space<semaphore_mem>> -> memref<1x!tpu.dma_semaphore, #tpu.memory_space<semaphore_mem>>
      %dma_wait3A_105 = tpu.memref_squeeze %dma_wait3A_104 : memref<1x!tpu.dma_semaphore, #tpu.memory_space<semaphore_mem>> -> memref<!tpu.dma_semaphore, #tpu.memory_space<semaphore_mem>>
      tpu.wait_indirect_dma semaphore(%dma_wait3A_105 : memref<!tpu.dma_semaphore, #tpu.memory_space<semaphore_mem>>) src(%dma_wait3A_103 : memref<10000x128xf32, #tpu.memory_space<hbm>>) dst(%dma_wait3A_97 : memref<40x128xf32, #tpu.memory_space<vmem>>)
      %run_scoped3A = arith.constant 0 : i32
      "tpu.region"() ({
        %run_scoped3A_217 = tpu.sem_alloc : memref<!tpu.dma_semaphore, #tpu.memory_space<semaphore_mem>>
        %dma_start3A_218 = arith.constant 0 : i32
        %dma_start3A_219 = arith.constant 0 : i32
        %dma_start3A_220 = tpu.memref_slice %arg9[%run_scoped3A, %dma_start3A_218, %dma_start3A_219] : memref<5x40x128xf32, #tpu.memory_space<vmem>> -> memref<1x40x128xf32, #tpu.memory_space<vmem>>
        %dma_start3A_221 = tpu.memref_squeeze %dma_start3A_220 : memref<1x40x128xf32, #tpu.memory_space<vmem>> -> memref<40x128xf32, #tpu.memory_space<vmem>>
        %dma_start3A_222 = arith.constant 0 : i32
        %dma_start3A_223 = tpu.memref_slice %arg8[%add3A_92, %dma_start3A_222] : memref<250x40xi32, #tpu.memory_space<vmem>> -> memref<1x40xi32, #tpu.memory_space<vmem>>
        %dma_start3A_224 = tpu.memref_squeeze %dma_start3A_223 : memref<1x40xi32, #tpu.memory_space<vmem>> -> memref<40xi32, #tpu.memory_space<vmem>>
        %dma_start3A_225 = arith.constant 0 : i32
        %dma_start3A_226 = arith.constant 0 : i32
        %dma_start3A_227 = tpu.memref_slice %arg10[%dma_start3A_225, %dma_start3A_226] : memref<10000x128xf32, #tpu.memory_space<vmem_shared>> -> memref<10000x128xf32, #tpu.memory_space<vmem_shared>>
        tpu.enqueue_indirect_dma source(%dma_start3A_221 : memref<40x128xf32, #tpu.memory_space<vmem>>) target(%dma_start3A_227 : memref<10000x128xf32, #tpu.memory_space<vmem_shared>>) offsets(%dma_start3A_224 : memref<40xi32, #tpu.memory_space<vmem>>) semaphore(%run_scoped3A_217 : memref<!tpu.dma_semaphore, #tpu.memory_space<semaphore_mem>>) {add = true}
        %dma_wait3A_228 = arith.constant 0 : i32
        %dma_wait3A_229 = arith.constant 0 : i32
        %dma_wait3A_230 = tpu.memref_slice %arg9[%run_scoped3A, %dma_wait3A_228, %dma_wait3A_229] : memref<5x40x128xf32, #tpu.memory_space<vmem>> -> memref<1x40x128xf32, #tpu.memory_space<vmem>>
        %dma_wait3A_231 = tpu.memref_squeeze %dma_wait3A_230 : memref<1x40x128xf32, #tpu.memory_space<vmem>> -> memref<40x128xf32, #tpu.memory_space<vmem>>
        %dma_wait3A_232 = arith.constant 0 : i32
        %dma_wait3A_233 = tpu.memref_slice %arg8[%add3A_92, %dma_wait3A_232] : memref<250x40xi32, #tpu.memory_space<vmem>> -> memref<1x40xi32, #tpu.memory_space<vmem>>
        %dma_wait3A_234 = tpu.memref_squeeze %dma_wait3A_233 : memref<1x40xi32, #tpu.memory_space<vmem>> -> memref<40xi32, #tpu.memory_space<vmem>>
        %dma_wait3A_235 = arith.constant 0 : i32
        %dma_wait3A_236 = arith.constant 0 : i32
        %dma_wait3A_237 = tpu.memref_slice %arg10[%dma_wait3A_235, %dma_wait3A_236] : memref<10000x128xf32, #tpu.memory_space<vmem_shared>> -> memref<10000x128xf32, #tpu.memory_space<vmem_shared>>
        tpu.wait_indirect_dma semaphore(%run_scoped3A_217 : memref<!tpu.dma_semaphore, #tpu.memory_space<semaphore_mem>>) src(%dma_wait3A_231 : memref<40x128xf32, #tpu.memory_space<vmem>>) dst(%dma_wait3A_237 : memref<10000x128xf32, #tpu.memory_space<vmem_shared>>)
        tpu.yield
      }) : () -> ()
      %add3A_106 = arith.constant 5 : i32
      %add3A_107 = arith.addi %add3A_92, %add3A_106 : i32
      %lt3A_108 = arith.constant 250 : i32
      %lt3A_109 = arith.cmpi slt, %add3A_107, %lt3A_108 : i32
      %convert_element_type3A_110 = arith.extui %lt3A_109 : i1 to i32
      %cond3A_111 = arith.constant 0 : i32
      %cond3A_112 = arith.cmpi ne, %convert_element_type3A_110, %cond3A_111 : i32
      scf.if %cond3A_112 {
        %dma_start3A_217 = arith.constant 0 : i32
        %dma_start3A_218 = arith.constant 0 : i32
        %dma_start3A_219 = arith.constant 0 : i32
        %dma_start3A_220 = arith.constant 0 : i32
        %dma_start3A_221 = tpu.memref_slice %arg9[%dma_start3A_217, %dma_start3A_219, %dma_start3A_220] : memref<5x40x128xf32, #tpu.memory_space<vmem>> -> memref<1x40x128xf32, #tpu.memory_space<vmem>>
        %dma_start3A_222 = tpu.memref_squeeze %dma_start3A_221 : memref<1x40x128xf32, #tpu.memory_space<vmem>> -> memref<40x128xf32, #tpu.memory_space<vmem>>
        %dma_start3A_223 = arith.constant 0 : i32
        %dma_start3A_224 = tpu.memref_slice %arg7[%add3A_107, %dma_start3A_223] : memref<250x40xi32, #tpu.memory_space<vmem>> -> memref<1x40xi32, #tpu.memory_space<vmem>>
        %dma_start3A_225 = tpu.memref_squeeze %dma_start3A_224 : memref<1x40xi32, #tpu.memory_space<vmem>> -> memref<40xi32, #tpu.memory_space<vmem>>
        %dma_start3A_226 = arith.constant 0 : i32
        %dma_start3A_227 = arith.constant 0 : i32
        %dma_start3A_228 = tpu.memref_slice %arg2[%dma_start3A_226, %dma_start3A_227] : memref<10000x128xf32, #tpu.memory_space<hbm>> -> memref<10000x128xf32, #tpu.memory_space<hbm>>
        %dma_start3A_229 = tpu.memref_slice %arg11[%dma_start3A_218] : memref<5x!tpu.dma_semaphore, #tpu.memory_space<semaphore_mem>> -> memref<1x!tpu.dma_semaphore, #tpu.memory_space<semaphore_mem>>
        %dma_start3A_230 = tpu.memref_squeeze %dma_start3A_229 : memref<1x!tpu.dma_semaphore, #tpu.memory_space<semaphore_mem>> -> memref<!tpu.dma_semaphore, #tpu.memory_space<semaphore_mem>>
        tpu.enqueue_indirect_dma source(%dma_start3A_228 : memref<10000x128xf32, #tpu.memory_space<hbm>>) target(%dma_start3A_222 : memref<40x128xf32, #tpu.memory_space<vmem>>) offsets(%dma_start3A_225 : memref<40xi32, #tpu.memory_space<vmem>>) semaphore(%dma_start3A_230 : memref<!tpu.dma_semaphore, #tpu.memory_space<semaphore_mem>>)
      } else {
      }
      %mul3A_113 = arith.constant 5 : i32
      %mul3A_114 = arith.muli %scan3A_88, %mul3A_113 : i32
      %add3A_115 = arith.constant 1 : i32
      %add3A_116 = arith.addi %mul3A_114, %add3A_115 : i32
      %dma_wait3A_117 = arith.constant 1 : i32
      %dma_wait3A_118 = arith.constant 1 : i32
      %dma_wait3A_119 = arith.constant 0 : i32
      %dma_wait3A_120 = arith.constant 0 : i32
      %dma_wait3A_121 = tpu.memref_slice %arg9[%dma_wait3A_117, %dma_wait3A_119, %dma_wait3A_120] : memref<5x40x128xf32, #tpu.memory_space<vmem>> -> memref<1x40x128xf32, #tpu.memory_space<vmem>>
      %dma_wait3A_122 = tpu.memref_squeeze %dma_wait3A_121 : memref<1x40x128xf32, #tpu.memory_space<vmem>> -> memref<40x128xf32, #tpu.memory_space<vmem>>
      %dma_wait3A_123 = arith.constant 0 : i32
      %dma_wait3A_124 = tpu.memref_slice %arg7[%add3A_116, %dma_wait3A_123] : memref<250x40xi32, #tpu.memory_space<vmem>> -> memref<1x40xi32, #tpu.memory_space<vmem>>
      %dma_wait3A_125 = tpu.memref_squeeze %dma_wait3A_124 : memref<1x40xi32, #tpu.memory_space<vmem>> -> memref<40xi32, #tpu.memory_space<vmem>>
      %dma_wait3A_126 = arith.constant 0 : i32
      %dma_wait3A_127 = arith.constant 0 : i32
      %dma_wait3A_128 = tpu.memref_slice %arg2[%dma_wait3A_126, %dma_wait3A_127] : memref<10000x128xf32, #tpu.memory_space<hbm>> -> memref<10000x128xf32, #tpu.memory_space<hbm>>
      %dma_wait3A_129 = tpu.memref_slice %arg11[%dma_wait3A_118] : memref<5x!tpu.dma_semaphore, #tpu.memory_space<semaphore_mem>> -> memref<1x!tpu.dma_semaphore, #tpu.memory_space<semaphore_mem>>
      %dma_wait3A_130 = tpu.memref_squeeze %dma_wait3A_129 : memref<1x!tpu.dma_semaphore, #tpu.memory_space<semaphore_mem>> -> memref<!tpu.dma_semaphore, #tpu.memory_space<semaphore_mem>>
      tpu.wait_indirect_dma semaphore(%dma_wait3A_130 : memref<!tpu.dma_semaphore, #tpu.memory_space<semaphore_mem>>) src(%dma_wait3A_128 : memref<10000x128xf32, #tpu.memory_space<hbm>>) dst(%dma_wait3A_122 : memref<40x128xf32, #tpu.memory_space<vmem>>)
      %run_scoped3A_131 = arith.constant 1 : i32
      "tpu.region"() ({
        %run_scoped3A_217 = tpu.sem_alloc : memref<!tpu.dma_semaphore, #tpu.memory_space<semaphore_mem>>
        %dma_start3A_218 = arith.constant 0 : i32
        %dma_start3A_219 = arith.constant 0 : i32
        %dma_start3A_220 = tpu.memref_slice %arg9[%run_scoped3A_131, %dma_start3A_218, %dma_start3A_219] : memref<5x40x128xf32, #tpu.memory_space<vmem>> -> memref<1x40x128xf32, #tpu.memory_space<vmem>>
        %dma_start3A_221 = tpu.memref_squeeze %dma_start3A_220 : memref<1x40x128xf32, #tpu.memory_space<vmem>> -> memref<40x128xf32, #tpu.memory_space<vmem>>
        %dma_start3A_222 = arith.constant 0 : i32
        %dma_start3A_223 = tpu.memref_slice %arg8[%add3A_116, %dma_start3A_222] : memref<250x40xi32, #tpu.memory_space<vmem>> -> memref<1x40xi32, #tpu.memory_space<vmem>>
        %dma_start3A_224 = tpu.memref_squeeze %dma_start3A_223 : memref<1x40xi32, #tpu.memory_space<vmem>> -> memref<40xi32, #tpu.memory_space<vmem>>
        %dma_start3A_225 = arith.constant 0 : i32
        %dma_start3A_226 = arith.constant 0 : i32
        %dma_start3A_227 = tpu.memref_slice %arg10[%dma_start3A_225, %dma_start3A_226] : memref<10000x128xf32, #tpu.memory_space<vmem_shared>> -> memref<10000x128xf32, #tpu.memory_space<vmem_shared>>
        tpu.enqueue_indirect_dma source(%dma_start3A_221 : memref<40x128xf32, #tpu.memory_space<vmem>>) target(%dma_start3A_227 : memref<10000x128xf32, #tpu.memory_space<vmem_shared>>) offsets(%dma_start3A_224 : memref<40xi32, #tpu.memory_space<vmem>>) semaphore(%run_scoped3A_217 : memref<!tpu.dma_semaphore, #tpu.memory_space<semaphore_mem>>) {add = true}
        %dma_wait3A_228 = arith.constant 0 : i32
        %dma_wait3A_229 = arith.constant 0 : i32
        %dma_wait3A_230 = tpu.memref_slice %arg9[%run_scoped3A_131, %dma_wait3A_228, %dma_wait3A_229] : memref<5x40x128xf32, #tpu.memory_space<vmem>> -> memref<1x40x128xf32, #tpu.memory_space<vmem>>
        %dma_wait3A_231 = tpu.memref_squeeze %dma_wait3A_230 : memref<1x40x128xf32, #tpu.memory_space<vmem>> -> memref<40x128xf32, #tpu.memory_space<vmem>>
        %dma_wait3A_232 = arith.constant 0 : i32
        %dma_wait3A_233 = tpu.memref_slice %arg8[%add3A_116, %dma_wait3A_232] : memref<250x40xi32, #tpu.memory_space<vmem>> -> memref<1x40xi32, #tpu.memory_space<vmem>>
        %dma_wait3A_234 = tpu.memref_squeeze %dma_wait3A_233 : memref<1x40xi32, #tpu.memory_space<vmem>> -> memref<40xi32, #tpu.memory_space<vmem>>
        %dma_wait3A_235 = arith.constant 0 : i32
        %dma_wait3A_236 = arith.constant 0 : i32
        %dma_wait3A_237 = tpu.memref_slice %arg10[%dma_wait3A_235, %dma_wait3A_236] : memref<10000x128xf32, #tpu.memory_space<vmem_shared>> -> memref<10000x128xf32, #tpu.memory_space<vmem_shared>>
        tpu.wait_indirect_dma semaphore(%run_scoped3A_217 : memref<!tpu.dma_semaphore, #tpu.memory_space<semaphore_mem>>) src(%dma_wait3A_231 : memref<40x128xf32, #tpu.memory_space<vmem>>) dst(%dma_wait3A_237 : memref<10000x128xf32, #tpu.memory_space<vmem_shared>>)
        tpu.yield
      }) : () -> ()
      %add3A_132 = arith.constant 5 : i32
      %add3A_133 = arith.addi %add3A_116, %add3A_132 : i32
      %lt3A_134 = arith.constant 250 : i32
      %lt3A_135 = arith.cmpi slt, %add3A_133, %lt3A_134 : i32
      %convert_element_type3A_136 = arith.extui %lt3A_135 : i1 to i32
      %cond3A_137 = arith.constant 0 : i32
      %cond3A_138 = arith.cmpi ne, %convert_element_type3A_136, %cond3A_137 : i32
      scf.if %cond3A_138 {
        %dma_start3A_217 = arith.constant 1 : i32
        %dma_start3A_218 = arith.constant 1 : i32
        %dma_start3A_219 = arith.constant 0 : i32
        %dma_start3A_220 = arith.constant 0 : i32
        %dma_start3A_221 = tpu.memref_slice %arg9[%dma_start3A_217, %dma_start3A_219, %dma_start3A_220] : memref<5x40x128xf32, #tpu.memory_space<vmem>> -> memref<1x40x128xf32, #tpu.memory_space<vmem>>
        %dma_start3A_222 = tpu.memref_squeeze %dma_start3A_221 : memref<1x40x128xf32, #tpu.memory_space<vmem>> -> memref<40x128xf32, #tpu.memory_space<vmem>>
        %dma_start3A_223 = arith.constant 0 : i32
        %dma_start3A_224 = tpu.memref_slice %arg7[%add3A_133, %dma_start3A_223] : memref<250x40xi32, #tpu.memory_space<vmem>> -> memref<1x40xi32, #tpu.memory_space<vmem>>
        %dma_start3A_225 = tpu.memref_squeeze %dma_start3A_224 : memref<1x40xi32, #tpu.memory_space<vmem>> -> memref<40xi32, #tpu.memory_space<vmem>>
        %dma_start3A_226 = arith.constant 0 : i32
        %dma_start3A_227 = arith.constant 0 : i32
        %dma_start3A_228 = tpu.memref_slice %arg2[%dma_start3A_226, %dma_start3A_227] : memref<10000x128xf32, #tpu.memory_space<hbm>> -> memref<10000x128xf32, #tpu.memory_space<hbm>>
        %dma_start3A_229 = tpu.memref_slice %arg11[%dma_start3A_218] : memref<5x!tpu.dma_semaphore, #tpu.memory_space<semaphore_mem>> -> memref<1x!tpu.dma_semaphore, #tpu.memory_space<semaphore_mem>>
        %dma_start3A_230 = tpu.memref_squeeze %dma_start3A_229 : memref<1x!tpu.dma_semaphore, #tpu.memory_space<semaphore_mem>> -> memref<!tpu.dma_semaphore, #tpu.memory_space<semaphore_mem>>
        tpu.enqueue_indirect_dma source(%dma_start3A_228 : memref<10000x128xf32, #tpu.memory_space<hbm>>) target(%dma_start3A_222 : memref<40x128xf32, #tpu.memory_space<vmem>>) offsets(%dma_start3A_225 : memref<40xi32, #tpu.memory_space<vmem>>) semaphore(%dma_start3A_230 : memref<!tpu.dma_semaphore, #tpu.memory_space<semaphore_mem>>)
      } else {
      }
      %mul3A_139 = arith.constant 5 : i32
      %mul3A_140 = arith.muli %scan3A_88, %mul3A_139 : i32
      %add3A_141 = arith.constant 2 : i32
      %add3A_142 = arith.addi %mul3A_140, %add3A_141 : i32
      %dma_wait3A_143 = arith.constant 2 : i32
      %dma_wait3A_144 = arith.constant 2 : i32
      %dma_wait3A_145 = arith.constant 0 : i32
      %dma_wait3A_146 = arith.constant 0 : i32
      %dma_wait3A_147 = tpu.memref_slice %arg9[%dma_wait3A_143, %dma_wait3A_145, %dma_wait3A_146] : memref<5x40x128xf32, #tpu.memory_space<vmem>> -> memref<1x40x128xf32, #tpu.memory_space<vmem>>
      %dma_wait3A_148 = tpu.memref_squeeze %dma_wait3A_147 : memref<1x40x128xf32, #tpu.memory_space<vmem>> -> memref<40x128xf32, #tpu.memory_space<vmem>>
      %dma_wait3A_149 = arith.constant 0 : i32
      %dma_wait3A_150 = tpu.memref_slice %arg7[%add3A_142, %dma_wait3A_149] : memref<250x40xi32, #tpu.memory_space<vmem>> -> memref<1x40xi32, #tpu.memory_space<vmem>>
      %dma_wait3A_151 = tpu.memref_squeeze %dma_wait3A_150 : memref<1x40xi32, #tpu.memory_space<vmem>> -> memref<40xi32, #tpu.memory_space<vmem>>
      %dma_wait3A_152 = arith.constant 0 : i32
      %dma_wait3A_153 = arith.constant 0 : i32
      %dma_wait3A_154 = tpu.memref_slice %arg2[%dma_wait3A_152, %dma_wait3A_153] : memref<10000x128xf32, #tpu.memory_space<hbm>> -> memref<10000x128xf32, #tpu.memory_space<hbm>>
      %dma_wait3A_155 = tpu.memref_slice %arg11[%dma_wait3A_144] : memref<5x!tpu.dma_semaphore, #tpu.memory_space<semaphore_mem>> -> memref<1x!tpu.dma_semaphore, #tpu.memory_space<semaphore_mem>>
      %dma_wait3A_156 = tpu.memref_squeeze %dma_wait3A_155 : memref<1x!tpu.dma_semaphore, #tpu.memory_space<semaphore_mem>> -> memref<!tpu.dma_semaphore, #tpu.memory_space<semaphore_mem>>
      tpu.wait_indirect_dma semaphore(%dma_wait3A_156 : memref<!tpu.dma_semaphore, #tpu.memory_space<semaphore_mem>>) src(%dma_wait3A_154 : memref<10000x128xf32, #tpu.memory_space<hbm>>) dst(%dma_wait3A_148 : memref<40x128xf32, #tpu.memory_space<vmem>>)
      %run_scoped3A_157 = arith.constant 2 : i32
      "tpu.region"() ({
        %run_scoped3A_217 = tpu.sem_alloc : memref<!tpu.dma_semaphore, #tpu.memory_space<semaphore_mem>>
        %dma_start3A_218 = arith.constant 0 : i32
        %dma_start3A_219 = arith.constant 0 : i32
        %dma_start3A_220 = tpu.memref_slice %arg9[%run_scoped3A_157, %dma_start3A_218, %dma_start3A_219] : memref<5x40x128xf32, #tpu.memory_space<vmem>> -> memref<1x40x128xf32, #tpu.memory_space<vmem>>
        %dma_start3A_221 = tpu.memref_squeeze %dma_start3A_220 : memref<1x40x128xf32, #tpu.memory_space<vmem>> -> memref<40x128xf32, #tpu.memory_space<vmem>>
        %dma_start3A_222 = arith.constant 0 : i32
        %dma_start3A_223 = tpu.memref_slice %arg8[%add3A_142, %dma_start3A_222] : memref<250x40xi32, #tpu.memory_space<vmem>> -> memref<1x40xi32, #tpu.memory_space<vmem>>
        %dma_start3A_224 = tpu.memref_squeeze %dma_start3A_223 : memref<1x40xi32, #tpu.memory_space<vmem>> -> memref<40xi32, #tpu.memory_space<vmem>>
        %dma_start3A_225 = arith.constant 0 : i32
        %dma_start3A_226 = arith.constant 0 : i32
        %dma_start3A_227 = tpu.memref_slice %arg10[%dma_start3A_225, %dma_start3A_226] : memref<10000x128xf32, #tpu.memory_space<vmem_shared>> -> memref<10000x128xf32, #tpu.memory_space<vmem_shared>>
        tpu.enqueue_indirect_dma source(%dma_start3A_221 : memref<40x128xf32, #tpu.memory_space<vmem>>) target(%dma_start3A_227 : memref<10000x128xf32, #tpu.memory_space<vmem_shared>>) offsets(%dma_start3A_224 : memref<40xi32, #tpu.memory_space<vmem>>) semaphore(%run_scoped3A_217 : memref<!tpu.dma_semaphore, #tpu.memory_space<semaphore_mem>>) {add = true}
        %dma_wait3A_228 = arith.constant 0 : i32
        %dma_wait3A_229 = arith.constant 0 : i32
        %dma_wait3A_230 = tpu.memref_slice %arg9[%run_scoped3A_157, %dma_wait3A_228, %dma_wait3A_229] : memref<5x40x128xf32, #tpu.memory_space<vmem>> -> memref<1x40x128xf32, #tpu.memory_space<vmem>>
        %dma_wait3A_231 = tpu.memref_squeeze %dma_wait3A_230 : memref<1x40x128xf32, #tpu.memory_space<vmem>> -> memref<40x128xf32, #tpu.memory_space<vmem>>
        %dma_wait3A_232 = arith.constant 0 : i32
        %dma_wait3A_233 = tpu.memref_slice %arg8[%add3A_142, %dma_wait3A_232] : memref<250x40xi32, #tpu.memory_space<vmem>> -> memref<1x40xi32, #tpu.memory_space<vmem>>
        %dma_wait3A_234 = tpu.memref_squeeze %dma_wait3A_233 : memref<1x40xi32, #tpu.memory_space<vmem>> -> memref<40xi32, #tpu.memory_space<vmem>>
        %dma_wait3A_235 = arith.constant 0 : i32
        %dma_wait3A_236 = arith.constant 0 : i32
        %dma_wait3A_237 = tpu.memref_slice %arg10[%dma_wait3A_235, %dma_wait3A_236] : memref<10000x128xf32, #tpu.memory_space<vmem_shared>> -> memref<10000x128xf32, #tpu.memory_space<vmem_shared>>
        tpu.wait_indirect_dma semaphore(%run_scoped3A_217 : memref<!tpu.dma_semaphore, #tpu.memory_space<semaphore_mem>>) src(%dma_wait3A_231 : memref<40x128xf32, #tpu.memory_space<vmem>>) dst(%dma_wait3A_237 : memref<10000x128xf32, #tpu.memory_space<vmem_shared>>)
        tpu.yield
      }) : () -> ()
      %add3A_158 = arith.constant 5 : i32
      %add3A_159 = arith.addi %add3A_142, %add3A_158 : i32
      %lt3A_160 = arith.constant 250 : i32
      %lt3A_161 = arith.cmpi slt, %add3A_159, %lt3A_160 : i32
      %convert_element_type3A_162 = arith.extui %lt3A_161 : i1 to i32
      %cond3A_163 = arith.constant 0 : i32
      %cond3A_164 = arith.cmpi ne, %convert_element_type3A_162, %cond3A_163 : i32
      scf.if %cond3A_164 {
        %dma_start3A_217 = arith.constant 2 : i32
        %dma_start3A_218 = arith.constant 2 : i32
        %dma_start3A_219 = arith.constant 0 : i32
        %dma_start3A_220 = arith.constant 0 : i32
        %dma_start3A_221 = tpu.memref_slice %arg9[%dma_start3A_217, %dma_start3A_219, %dma_start3A_220] : memref<5x40x128xf32, #tpu.memory_space<vmem>> -> memref<1x40x128xf32, #tpu.memory_space<vmem>>
        %dma_start3A_222 = tpu.memref_squeeze %dma_start3A_221 : memref<1x40x128xf32, #tpu.memory_space<vmem>> -> memref<40x128xf32, #tpu.memory_space<vmem>>
        %dma_start3A_223 = arith.constant 0 : i32
        %dma_start3A_224 = tpu.memref_slice %arg7[%add3A_159, %dma_start3A_223] : memref<250x40xi32, #tpu.memory_space<vmem>> -> memref<1x40xi32, #tpu.memory_space<vmem>>
        %dma_start3A_225 = tpu.memref_squeeze %dma_start3A_224 : memref<1x40xi32, #tpu.memory_space<vmem>> -> memref<40xi32, #tpu.memory_space<vmem>>
        %dma_start3A_226 = arith.constant 0 : i32
        %dma_start3A_227 = arith.constant 0 : i32
        %dma_start3A_228 = tpu.memref_slice %arg2[%dma_start3A_226, %dma_start3A_227] : memref<10000x128xf32, #tpu.memory_space<hbm>> -> memref<10000x128xf32, #tpu.memory_space<hbm>>
        %dma_start3A_229 = tpu.memref_slice %arg11[%dma_start3A_218] : memref<5x!tpu.dma_semaphore, #tpu.memory_space<semaphore_mem>> -> memref<1x!tpu.dma_semaphore, #tpu.memory_space<semaphore_mem>>
        %dma_start3A_230 = tpu.memref_squeeze %dma_start3A_229 : memref<1x!tpu.dma_semaphore, #tpu.memory_space<semaphore_mem>> -> memref<!tpu.dma_semaphore, #tpu.memory_space<semaphore_mem>>
        tpu.enqueue_indirect_dma source(%dma_start3A_228 : memref<10000x128xf32, #tpu.memory_space<hbm>>) target(%dma_start3A_222 : memref<40x128xf32, #tpu.memory_space<vmem>>) offsets(%dma_start3A_225 : memref<40xi32, #tpu.memory_space<vmem>>) semaphore(%dma_start3A_230 : memref<!tpu.dma_semaphore, #tpu.memory_space<semaphore_mem>>)
      } else {
      }
      %mul3A_165 = arith.constant 5 : i32
      %mul3A_166 = arith.muli %scan3A_88, %mul3A_165 : i32
      %add3A_167 = arith.constant 3 : i32
      %add3A_168 = arith.addi %mul3A_166, %add3A_167 : i32
      %dma_wait3A_169 = arith.constant 3 : i32
      %dma_wait3A_170 = arith.constant 3 : i32
      %dma_wait3A_171 = arith.constant 0 : i32
      %dma_wait3A_172 = arith.constant 0 : i32
      %dma_wait3A_173 = tpu.memref_slice %arg9[%dma_wait3A_169, %dma_wait3A_171, %dma_wait3A_172] : memref<5x40x128xf32, #tpu.memory_space<vmem>> -> memref<1x40x128xf32, #tpu.memory_space<vmem>>
      %dma_wait3A_174 = tpu.memref_squeeze %dma_wait3A_173 : memref<1x40x128xf32, #tpu.memory_space<vmem>> -> memref<40x128xf32, #tpu.memory_space<vmem>>
      %dma_wait3A_175 = arith.constant 0 : i32
      %dma_wait3A_176 = tpu.memref_slice %arg7[%add3A_168, %dma_wait3A_175] : memref<250x40xi32, #tpu.memory_space<vmem>> -> memref<1x40xi32, #tpu.memory_space<vmem>>
      %dma_wait3A_177 = tpu.memref_squeeze %dma_wait3A_176 : memref<1x40xi32, #tpu.memory_space<vmem>> -> memref<40xi32, #tpu.memory_space<vmem>>
      %dma_wait3A_178 = arith.constant 0 : i32
      %dma_wait3A_179 = arith.constant 0 : i32
      %dma_wait3A_180 = tpu.memref_slice %arg2[%dma_wait3A_178, %dma_wait3A_179] : memref<10000x128xf32, #tpu.memory_space<hbm>> -> memref<10000x128xf32, #tpu.memory_space<hbm>>
      %dma_wait3A_181 = tpu.memref_slice %arg11[%dma_wait3A_170] : memref<5x!tpu.dma_semaphore, #tpu.memory_space<semaphore_mem>> -> memref<1x!tpu.dma_semaphore, #tpu.memory_space<semaphore_mem>>
      %dma_wait3A_182 = tpu.memref_squeeze %dma_wait3A_181 : memref<1x!tpu.dma_semaphore, #tpu.memory_space<semaphore_mem>> -> memref<!tpu.dma_semaphore, #tpu.memory_space<semaphore_mem>>
      tpu.wait_indirect_dma semaphore(%dma_wait3A_182 : memref<!tpu.dma_semaphore, #tpu.memory_space<semaphore_mem>>) src(%dma_wait3A_180 : memref<10000x128xf32, #tpu.memory_space<hbm>>) dst(%dma_wait3A_174 : memref<40x128xf32, #tpu.memory_space<vmem>>)
      %run_scoped3A_183 = arith.constant 3 : i32
      "tpu.region"() ({
        %run_scoped3A_217 = tpu.sem_alloc : memref<!tpu.dma_semaphore, #tpu.memory_space<semaphore_mem>>
        %dma_start3A_218 = arith.constant 0 : i32
        %dma_start3A_219 = arith.constant 0 : i32
        %dma_start3A_220 = tpu.memref_slice %arg9[%run_scoped3A_183, %dma_start3A_218, %dma_start3A_219] : memref<5x40x128xf32, #tpu.memory_space<vmem>> -> memref<1x40x128xf32, #tpu.memory_space<vmem>>
        %dma_start3A_221 = tpu.memref_squeeze %dma_start3A_220 : memref<1x40x128xf32, #tpu.memory_space<vmem>> -> memref<40x128xf32, #tpu.memory_space<vmem>>
        %dma_start3A_222 = arith.constant 0 : i32
        %dma_start3A_223 = tpu.memref_slice %arg8[%add3A_168, %dma_start3A_222] : memref<250x40xi32, #tpu.memory_space<vmem>> -> memref<1x40xi32, #tpu.memory_space<vmem>>
        %dma_start3A_224 = tpu.memref_squeeze %dma_start3A_223 : memref<1x40xi32, #tpu.memory_space<vmem>> -> memref<40xi32, #tpu.memory_space<vmem>>
        %dma_start3A_225 = arith.constant 0 : i32
        %dma_start3A_226 = arith.constant 0 : i32
        %dma_start3A_227 = tpu.memref_slice %arg10[%dma_start3A_225, %dma_start3A_226] : memref<10000x128xf32, #tpu.memory_space<vmem_shared>> -> memref<10000x128xf32, #tpu.memory_space<vmem_shared>>
        tpu.enqueue_indirect_dma source(%dma_start3A_221 : memref<40x128xf32, #tpu.memory_space<vmem>>) target(%dma_start3A_227 : memref<10000x128xf32, #tpu.memory_space<vmem_shared>>) offsets(%dma_start3A_224 : memref<40xi32, #tpu.memory_space<vmem>>) semaphore(%run_scoped3A_217 : memref<!tpu.dma_semaphore, #tpu.memory_space<semaphore_mem>>) {add = true}
        %dma_wait3A_228 = arith.constant 0 : i32
        %dma_wait3A_229 = arith.constant 0 : i32
        %dma_wait3A_230 = tpu.memref_slice %arg9[%run_scoped3A_183, %dma_wait3A_228, %dma_wait3A_229] : memref<5x40x128xf32, #tpu.memory_space<vmem>> -> memref<1x40x128xf32, #tpu.memory_space<vmem>>
        %dma_wait3A_231 = tpu.memref_squeeze %dma_wait3A_230 : memref<1x40x128xf32, #tpu.memory_space<vmem>> -> memref<40x128xf32, #tpu.memory_space<vmem>>
        %dma_wait3A_232 = arith.constant 0 : i32
        %dma_wait3A_233 = tpu.memref_slice %arg8[%add3A_168, %dma_wait3A_232] : memref<250x40xi32, #tpu.memory_space<vmem>> -> memref<1x40xi32, #tpu.memory_space<vmem>>
        %dma_wait3A_234 = tpu.memref_squeeze %dma_wait3A_233 : memref<1x40xi32, #tpu.memory_space<vmem>> -> memref<40xi32, #tpu.memory_space<vmem>>
        %dma_wait3A_235 = arith.constant 0 : i32
        %dma_wait3A_236 = arith.constant 0 : i32
        %dma_wait3A_237 = tpu.memref_slice %arg10[%dma_wait3A_235, %dma_wait3A_236] : memref<10000x128xf32, #tpu.memory_space<vmem_shared>> -> memref<10000x128xf32, #tpu.memory_space<vmem_shared>>
        tpu.wait_indirect_dma semaphore(%run_scoped3A_217 : memref<!tpu.dma_semaphore, #tpu.memory_space<semaphore_mem>>) src(%dma_wait3A_231 : memref<40x128xf32, #tpu.memory_space<vmem>>) dst(%dma_wait3A_237 : memref<10000x128xf32, #tpu.memory_space<vmem_shared>>)
        tpu.yield
      }) : () -> ()
      %add3A_184 = arith.constant 5 : i32
      %add3A_185 = arith.addi %add3A_168, %add3A_184 : i32
      %lt3A_186 = arith.constant 250 : i32
      %lt3A_187 = arith.cmpi slt, %add3A_185, %lt3A_186 : i32
      %convert_element_type3A_188 = arith.extui %lt3A_187 : i1 to i32
      %cond3A_189 = arith.constant 0 : i32
      %cond3A_190 = arith.cmpi ne, %convert_element_type3A_188, %cond3A_189 : i32
      scf.if %cond3A_190 {
        %dma_start3A_217 = arith.constant 3 : i32
        %dma_start3A_218 = arith.constant 3 : i32
        %dma_start3A_219 = arith.constant 0 : i32
        %dma_start3A_220 = arith.constant 0 : i32
        %dma_start3A_221 = tpu.memref_slice %arg9[%dma_start3A_217, %dma_start3A_219, %dma_start3A_220] : memref<5x40x128xf32, #tpu.memory_space<vmem>> -> memref<1x40x128xf32, #tpu.memory_space<vmem>>
        %dma_start3A_222 = tpu.memref_squeeze %dma_start3A_221 : memref<1x40x128xf32, #tpu.memory_space<vmem>> -> memref<40x128xf32, #tpu.memory_space<vmem>>
        %dma_start3A_223 = arith.constant 0 : i32
        %dma_start3A_224 = tpu.memref_slice %arg7[%add3A_185, %dma_start3A_223] : memref<250x40xi32, #tpu.memory_space<vmem>> -> memref<1x40xi32, #tpu.memory_space<vmem>>
        %dma_start3A_225 = tpu.memref_squeeze %dma_start3A_224 : memref<1x40xi32, #tpu.memory_space<vmem>> -> memref<40xi32, #tpu.memory_space<vmem>>
        %dma_start3A_226 = arith.constant 0 : i32
        %dma_start3A_227 = arith.constant 0 : i32
        %dma_start3A_228 = tpu.memref_slice %arg2[%dma_start3A_226, %dma_start3A_227] : memref<10000x128xf32, #tpu.memory_space<hbm>> -> memref<10000x128xf32, #tpu.memory_space<hbm>>
        %dma_start3A_229 = tpu.memref_slice %arg11[%dma_start3A_218] : memref<5x!tpu.dma_semaphore, #tpu.memory_space<semaphore_mem>> -> memref<1x!tpu.dma_semaphore, #tpu.memory_space<semaphore_mem>>
        %dma_start3A_230 = tpu.memref_squeeze %dma_start3A_229 : memref<1x!tpu.dma_semaphore, #tpu.memory_space<semaphore_mem>> -> memref<!tpu.dma_semaphore, #tpu.memory_space<semaphore_mem>>
        tpu.enqueue_indirect_dma source(%dma_start3A_228 : memref<10000x128xf32, #tpu.memory_space<hbm>>) target(%dma_start3A_222 : memref<40x128xf32, #tpu.memory_space<vmem>>) offsets(%dma_start3A_225 : memref<40xi32, #tpu.memory_space<vmem>>) semaphore(%dma_start3A_230 : memref<!tpu.dma_semaphore, #tpu.memory_space<semaphore_mem>>)
      } else {
      }
      %mul3A_191 = arith.constant 5 : i32
      %mul3A_192 = arith.muli %scan3A_88, %mul3A_191 : i32
      %add3A_193 = arith.constant 4 : i32
      %add3A_194 = arith.addi %mul3A_192, %add3A_193 : i32
      %dma_wait3A_195 = arith.constant 4 : i32
      %dma_wait3A_196 = arith.constant 4 : i32
      %dma_wait3A_197 = arith.constant 0 : i32
      %dma_wait3A_198 = arith.constant 0 : i32
      %dma_wait3A_199 = tpu.memref_slice %arg9[%dma_wait3A_195, %dma_wait3A_197, %dma_wait3A_198] : memref<5x40x128xf32, #tpu.memory_space<vmem>> -> memref<1x40x128xf32, #tpu.memory_space<vmem>>
      %dma_wait3A_200 = tpu.memref_squeeze %dma_wait3A_199 : memref<1x40x128xf32, #tpu.memory_space<vmem>> -> memref<40x128xf32, #tpu.memory_space<vmem>>
      %dma_wait3A_201 = arith.constant 0 : i32
      %dma_wait3A_202 = tpu.memref_slice %arg7[%add3A_194, %dma_wait3A_201] : memref<250x40xi32, #tpu.memory_space<vmem>> -> memref<1x40xi32, #tpu.memory_space<vmem>>
      %dma_wait3A_203 = tpu.memref_squeeze %dma_wait3A_202 : memref<1x40xi32, #tpu.memory_space<vmem>> -> memref<40xi32, #tpu.memory_space<vmem>>
      %dma_wait3A_204 = arith.constant 0 : i32
      %dma_wait3A_205 = arith.constant 0 : i32
      %dma_wait3A_206 = tpu.memref_slice %arg2[%dma_wait3A_204, %dma_wait3A_205] : memref<10000x128xf32, #tpu.memory_space<hbm>> -> memref<10000x128xf32, #tpu.memory_space<hbm>>
      %dma_wait3A_207 = tpu.memref_slice %arg11[%dma_wait3A_196] : memref<5x!tpu.dma_semaphore, #tpu.memory_space<semaphore_mem>> -> memref<1x!tpu.dma_semaphore, #tpu.memory_space<semaphore_mem>>
      %dma_wait3A_208 = tpu.memref_squeeze %dma_wait3A_207 : memref<1x!tpu.dma_semaphore, #tpu.memory_space<semaphore_mem>> -> memref<!tpu.dma_semaphore, #tpu.memory_space<semaphore_mem>>
      tpu.wait_indirect_dma semaphore(%dma_wait3A_208 : memref<!tpu.dma_semaphore, #tpu.memory_space<semaphore_mem>>) src(%dma_wait3A_206 : memref<10000x128xf32, #tpu.memory_space<hbm>>) dst(%dma_wait3A_200 : memref<40x128xf32, #tpu.memory_space<vmem>>)
      %run_scoped3A_209 = arith.constant 4 : i32
      "tpu.region"() ({
        %run_scoped3A_217 = tpu.sem_alloc : memref<!tpu.dma_semaphore, #tpu.memory_space<semaphore_mem>>
        %dma_start3A_218 = arith.constant 0 : i32
        %dma_start3A_219 = arith.constant 0 : i32
        %dma_start3A_220 = tpu.memref_slice %arg9[%run_scoped3A_209, %dma_start3A_218, %dma_start3A_219] : memref<5x40x128xf32, #tpu.memory_space<vmem>> -> memref<1x40x128xf32, #tpu.memory_space<vmem>>
        %dma_start3A_221 = tpu.memref_squeeze %dma_start3A_220 : memref<1x40x128xf32, #tpu.memory_space<vmem>> -> memref<40x128xf32, #tpu.memory_space<vmem>>
        %dma_start3A_222 = arith.constant 0 : i32
        %dma_start3A_223 = tpu.memref_slice %arg8[%add3A_194, %dma_start3A_222] : memref<250x40xi32, #tpu.memory_space<vmem>> -> memref<1x40xi32, #tpu.memory_space<vmem>>
        %dma_start3A_224 = tpu.memref_squeeze %dma_start3A_223 : memref<1x40xi32, #tpu.memory_space<vmem>> -> memref<40xi32, #tpu.memory_space<vmem>>
        %dma_start3A_225 = arith.constant 0 : i32
        %dma_start3A_226 = arith.constant 0 : i32
        %dma_start3A_227 = tpu.memref_slice %arg10[%dma_start3A_225, %dma_start3A_226] : memref<10000x128xf32, #tpu.memory_space<vmem_shared>> -> memref<10000x128xf32, #tpu.memory_space<vmem_shared>>
        tpu.enqueue_indirect_dma source(%dma_start3A_221 : memref<40x128xf32, #tpu.memory_space<vmem>>) target(%dma_start3A_227 : memref<10000x128xf32, #tpu.memory_space<vmem_shared>>) offsets(%dma_start3A_224 : memref<40xi32, #tpu.memory_space<vmem>>) semaphore(%run_scoped3A_217 : memref<!tpu.dma_semaphore, #tpu.memory_space<semaphore_mem>>) {add = true}
        %dma_wait3A_228 = arith.constant 0 : i32
        %dma_wait3A_229 = arith.constant 0 : i32
        %dma_wait3A_230 = tpu.memref_slice %arg9[%run_scoped3A_209, %dma_wait3A_228, %dma_wait3A_229] : memref<5x40x128xf32, #tpu.memory_space<vmem>> -> memref<1x40x128xf32, #tpu.memory_space<vmem>>
        %dma_wait3A_231 = tpu.memref_squeeze %dma_wait3A_230 : memref<1x40x128xf32, #tpu.memory_space<vmem>> -> memref<40x128xf32, #tpu.memory_space<vmem>>
        %dma_wait3A_232 = arith.constant 0 : i32
        %dma_wait3A_233 = tpu.memref_slice %arg8[%add3A_194, %dma_wait3A_232] : memref<250x40xi32, #tpu.memory_space<vmem>> -> memref<1x40xi32, #tpu.memory_space<vmem>>
        %dma_wait3A_234 = tpu.memref_squeeze %dma_wait3A_233 : memref<1x40xi32, #tpu.memory_space<vmem>> -> memref<40xi32, #tpu.memory_space<vmem>>
        %dma_wait3A_235 = arith.constant 0 : i32
        %dma_wait3A_236 = arith.constant 0 : i32
        %dma_wait3A_237 = tpu.memref_slice %arg10[%dma_wait3A_235, %dma_wait3A_236] : memref<10000x128xf32, #tpu.memory_space<vmem_shared>> -> memref<10000x128xf32, #tpu.memory_space<vmem_shared>>
        tpu.wait_indirect_dma semaphore(%run_scoped3A_217 : memref<!tpu.dma_semaphore, #tpu.memory_space<semaphore_mem>>) src(%dma_wait3A_231 : memref<40x128xf32, #tpu.memory_space<vmem>>) dst(%dma_wait3A_237 : memref<10000x128xf32, #tpu.memory_space<vmem_shared>>)
        tpu.yield
      }) : () -> ()
      %add3A_210 = arith.constant 5 : i32
      %add3A_211 = arith.addi %add3A_194, %add3A_210 : i32
      %lt3A_212 = arith.constant 250 : i32
      %lt3A_213 = arith.cmpi slt, %add3A_211, %lt3A_212 : i32
      %convert_element_type3A_214 = arith.extui %lt3A_213 : i1 to i32
      %cond3A_215 = arith.constant 0 : i32
      %cond3A_216 = arith.cmpi ne, %convert_element_type3A_214, %cond3A_215 : i32
      scf.if %cond3A_216 {
        %dma_start3A_217 = arith.constant 4 : i32
        %dma_start3A_218 = arith.constant 4 : i32
        %dma_start3A_219 = arith.constant 0 : i32
        %dma_start3A_220 = arith.constant 0 : i32
        %dma_start3A_221 = tpu.memref_slice %arg9[%dma_start3A_217, %dma_start3A_219, %dma_start3A_220] : memref<5x40x128xf32, #tpu.memory_space<vmem>> -> memref<1x40x128xf32, #tpu.memory_space<vmem>>
        %dma_start3A_222 = tpu.memref_squeeze %dma_start3A_221 : memref<1x40x128xf32, #tpu.memory_space<vmem>> -> memref<40x128xf32, #tpu.memory_space<vmem>>
        %dma_start3A_223 = arith.constant 0 : i32
        %dma_start3A_224 = tpu.memref_slice %arg7[%add3A_211, %dma_start3A_223] : memref<250x40xi32, #tpu.memory_space<vmem>> -> memref<1x40xi32, #tpu.memory_space<vmem>>
        %dma_start3A_225 = tpu.memref_squeeze %dma_start3A_224 : memref<1x40xi32, #tpu.memory_space<vmem>> -> memref<40xi32, #tpu.memory_space<vmem>>
        %dma_start3A_226 = arith.constant 0 : i32
        %dma_start3A_227 = arith.constant 0 : i32
        %dma_start3A_228 = tpu.memref_slice %arg2[%dma_start3A_226, %dma_start3A_227] : memref<10000x128xf32, #tpu.memory_space<hbm>> -> memref<10000x128xf32, #tpu.memory_space<hbm>>
        %dma_start3A_229 = tpu.memref_slice %arg11[%dma_start3A_218] : memref<5x!tpu.dma_semaphore, #tpu.memory_space<semaphore_mem>> -> memref<1x!tpu.dma_semaphore, #tpu.memory_space<semaphore_mem>>
        %dma_start3A_230 = tpu.memref_squeeze %dma_start3A_229 : memref<1x!tpu.dma_semaphore, #tpu.memory_space<semaphore_mem>> -> memref<!tpu.dma_semaphore, #tpu.memory_space<semaphore_mem>>
        tpu.enqueue_indirect_dma source(%dma_start3A_228 : memref<10000x128xf32, #tpu.memory_space<hbm>>) target(%dma_start3A_222 : memref<40x128xf32, #tpu.memory_space<vmem>>) offsets(%dma_start3A_225 : memref<40xi32, #tpu.memory_space<vmem>>) semaphore(%dma_start3A_230 : memref<!tpu.dma_semaphore, #tpu.memory_space<semaphore_mem>>)
      } else {
      }
    }
    %scan3A_81 = arith.constant 50 : i32
    %barrier3A_82 = arith.constant 0 : index
    tpu.barrier barrier_id(%barrier3A_82)
    %lt3A_83 = arith.constant 10 : i32
    %lt3A_84 = arith.cmpi slt, %arg1, %lt3A_83 : i32
    %convert_element_type3A_85 = arith.extui %lt3A_84 : i1 to i32
    %cond3A_86 = arith.constant 0 : i32
    %cond3A_87 = arith.cmpi ne, %convert_element_type3A_85, %cond3A_86 : i32
    scf.if %cond3A_87 {
      %mul3A_88 = arith.constant 1000 : i32
      %mul3A_89 = arith.muli %arg1, %mul3A_88 : i32
      %mul3A_90 = arith.constant 1000 : i32
      %mul3A_91 = arith.muli %arg1, %mul3A_90 : i32
      "tpu.region"() ({
        %run_scoped3A = tpu.sem_alloc : memref<!tpu.dma_semaphore, #tpu.memory_space<semaphore_mem>>
        %dma_start3A_92 = arith.constant 0 : i32
        %dma_start3A_93 = arith.constant 0 : i32
        %dma_start3A_94 = tpu.memref_slice %arg6[%arg0, %dma_start3A_92, %dma_start3A_93] : memref<2x10000x128xf32, #tpu.memory_space<hbm>> -> memref<1x10000x128xf32, #tpu.memory_space<hbm>>
        %dma_start3A_95 = tpu.memref_squeeze %dma_start3A_94 : memref<1x10000x128xf32, #tpu.memory_space<hbm>> -> memref<10000x128xf32, #tpu.memory_space<hbm>>
        %dma_start3A_96 = arith.constant 0 : i32
        %dma_start3A_97 = tpu.memref_slice %dma_start3A_95[%mul3A_91, %dma_start3A_96] : memref<10000x128xf32, #tpu.memory_space<hbm>> -> memref<1000x128xf32, #tpu.memory_space<hbm>>
        %dma_start3A_98 = arith.constant 0 : i32
        %dma_start3A_99 = tpu.memref_slice %arg10[%mul3A_89, %dma_start3A_98] : memref<10000x128xf32, #tpu.memory_space<vmem_shared>> -> memref<1000x128xf32, #tpu.memory_space<vmem_shared>>
        tpu.enqueue_dma source(%dma_start3A_99 : memref<1000x128xf32, #tpu.memory_space<vmem_shared>>) target(%dma_start3A_97 : memref<1000x128xf32, #tpu.memory_space<hbm>>) target_semaphore(%run_scoped3A : memref<!tpu.dma_semaphore, #tpu.memory_space<semaphore_mem>>)
        %dma_wait3A = arith.constant 0 : i32
        %dma_wait3A_100 = arith.constant 0 : i32
        %dma_wait3A_101 = tpu.memref_slice %arg6[%arg0, %dma_wait3A, %dma_wait3A_100] : memref<2x10000x128xf32, #tpu.memory_space<hbm>> -> memref<1x10000x128xf32, #tpu.memory_space<hbm>>
        %dma_wait3A_102 = tpu.memref_squeeze %dma_wait3A_101 : memref<1x10000x128xf32, #tpu.memory_space<hbm>> -> memref<10000x128xf32, #tpu.memory_space<hbm>>
        %dma_wait3A_103 = arith.constant 0 : i32
        %dma_wait3A_104 = tpu.memref_slice %dma_wait3A_102[%mul3A_91, %dma_wait3A_103] : memref<10000x128xf32, #tpu.memory_space<hbm>> -> memref<1000x128xf32, #tpu.memory_space<hbm>>
        %dma_wait3A_105 = arith.constant 0 : i32
        %dma_wait3A_106 = tpu.memref_slice %arg10[%mul3A_89, %dma_wait3A_105] : memref<10000x128xf32, #tpu.memory_space<vmem_shared>> -> memref<1000x128xf32, #tpu.memory_space<vmem_shared>>
        tpu.wait_dma2 semaphore(%run_scoped3A : memref<!tpu.dma_semaphore, #tpu.memory_space<semaphore_mem>>) src(%dma_wait3A_106 : memref<1000x128xf32, #tpu.memory_space<vmem_shared>>) dst(%dma_wait3A_104 : memref<1000x128xf32, #tpu.memory_space<hbm>>)
        tpu.yield
      }) : () -> ()
    } else {
    }
    return
  }
}

module attributes {stable_mosaic.version = 14 : i64} {
  func.func @_mm_scale_body(%arg0: i32, %arg1: memref<1000x128xf32, #tpu.memory_space<vmem>>, %arg2: memref<128x128xf32, #tpu.memory_space<vmem>>, %arg3: memref<2x1000x16xf32, #tpu.memory_space<vmem>>, %arg4: memref<1000x128xf32, #tpu.memory_space<vmem>>) attributes {dimension_semantics = [#tpu.dimension_semantics<arbitrary>], iteration_bounds = array<i64: 10>, scalar_prefetch = 0 : i64, scratch_operands = 0 : i64, tpu.core_type = #tpu.core_type<tc>, window_params = [{transform_indices = @transform_0, window_bounds = array<i64: 1000, 128>}, {pipeline_mode = #tpu.pipeline_mode<synchronous>, transform_indices = @transform_1, window_bounds = array<i64: 128, 128>}, {transform_indices = @transform_2, window_bounds = array<i64: 2, 1000, 16>}, {transform_indices = @transform_3, window_bounds = array<i64: 1000, 128>}]} {
    %get3A = arith.constant 0 : index
    %get3A_0 = arith.constant 0 : index
    %get3A_1 = arith.constant 0 : index
    %get3A_2 = vector.load %arg3[%get3A, %get3A_0, %get3A_1] : memref<2x1000x16xf32, #tpu.memory_space<vmem>>, vector<1x1000x1xf32>
    %get3A_3 = vector.shape_cast %get3A_2 : vector<1x1000x1xf32> to vector<1000xf32>
    %get3A_4 = arith.constant 1 : index
    %get3A_5 = arith.constant 0 : index
    %get3A_6 = arith.constant 0 : index
    %get3A_7 = vector.load %arg3[%get3A_4, %get3A_5, %get3A_6] : memref<2x1000x16xf32, #tpu.memory_space<vmem>>, vector<1x1000x1xf32>
    %get3A_8 = vector.shape_cast %get3A_7 : vector<1x1000x1xf32> to vector<1000xf32>
    %add3A = arith.addf %get3A_3, %get3A_8 : vector<1000xf32>
    %add3A_9 = arith.constant 1.000000e+00 : f32
    %add3A_10 = vector.broadcast %add3A_9 : f32 to vector<1000xf32>
    %add3A_11 = arith.addf %add3A, %add3A_10 : vector<1000xf32>
    %rsqrt3A = math.rsqrt %add3A_11 : vector<1000xf32>
    %get3A_12 = arith.constant 0 : index
    %get3A_13 = arith.constant 0 : index
    %get3A_14 = vector.load %arg1[%get3A_12, %get3A_13] : memref<1000x128xf32, #tpu.memory_space<vmem>>, vector<1000x128xf32>
    %broadcast_in_dim3A = vector.shape_cast %rsqrt3A : vector<1000xf32> to vector<1000x1xf32>
    %mul3A = vector.broadcast %broadcast_in_dim3A : vector<1000x1xf32> to vector<1000x128xf32>
    %mul3A_15 = arith.mulf %get3A_14, %mul3A : vector<1000x128xf32>
    %get3A_16 = arith.constant 0 : index
    %get3A_17 = arith.constant 0 : index
    %get3A_18 = vector.load %arg2[%get3A_16, %get3A_17] : memref<128x128xf32, #tpu.memory_space<vmem>>, vector<128x128xf32>
    %dot_general3A = arith.constant dense<0.000000e+00> : vector<1000x128xf32>
    %dot_general3A_19 = tpu.matmul %mul3A_15, %get3A_18, %dot_general3A {dimension_numbers = #tpu.dot_dimension_numbers<[1], [0], [0], [1], [0, 0, 1, 1], [], []>, transpose_lhs_hint = false} : vector<1000x128xf32>, vector<128x128xf32>, vector<1000x128xf32> -> vector<1000x128xf32>
    %swap3A = arith.constant 0 : index
    %swap3A_20 = arith.constant 0 : index
    %swap3A_21 = vector.load %arg4[%swap3A, %swap3A_20] : memref<1000x128xf32, #tpu.memory_space<vmem>>, vector<1000x128xf32>
    tpu.vector_store %arg4[%swap3A, %swap3A_20], %dot_general3A_19 {strides = array<i32>} : memref<1000x128xf32, #tpu.memory_space<vmem>>, vector<1000x128xf32>,
    return
  }
  func.func @transform_0(%arg0: i32) -> (i32, i32) {
    %c0_i32 = arith.constant 0 : i32
    %c0_i32_0 = arith.constant 0 : i32
    return %arg0, %c0_i32 : i32, i32
  }
  func.func @transform_1(%arg0: i32) -> (i32, i32) {
    %c0_i32 = arith.constant 0 : i32
    %c0_i32_0 = arith.constant 0 : i32
    %c0_i32_1 = arith.constant 0 : i32
    return %c0_i32, %c0_i32_0 : i32, i32
  }
  func.func @transform_2(%arg0: i32) -> (i32, i32, i32) {
    %c0_i32 = arith.constant 0 : i32
    %c0_i32_0 = arith.constant 0 : i32
    %c0_i32_1 = arith.constant 0 : i32
    return %c0_i32, %arg0, %c0_i32_0 : i32, i32, i32
  }
  func.func @transform_3(%arg0: i32) -> (i32, i32) {
    %c0_i32 = arith.constant 0 : i32
    %c0_i32_0 = arith.constant 0 : i32
    return %arg0, %c0_i32 : i32, i32
  }
}

module attributes {stable_mosaic.version = 14 : i64} {
  func.func @_layer_body(%arg0: i32, %arg1: memref<2x1000x128xf32, #tpu.memory_space<vmem>>, %arg2: memref<1000x128xf32, #tpu.memory_space<vmem>>, %arg3: memref<2x1000x16xf32, #tpu.memory_space<vmem>>, %arg4: memref<1x128xf32, #tpu.memory_space<vmem>>, %arg5: memref<128x128xf32, #tpu.memory_space<vmem>>, %arg6: memref<1000x128xf32, #tpu.memory_space<vmem>>) attributes {dimension_semantics = [#tpu.dimension_semantics<arbitrary>], iteration_bounds = array<i64: 10>, scalar_prefetch = 0 : i64, scratch_operands = 0 : i64, tpu.core_type = #tpu.core_type<tc>, window_params = [{transform_indices = @transform_0, window_bounds = array<i64: 2, 1000, 128>}, {transform_indices = @transform_1, window_bounds = array<i64: 1000, 128>}, {transform_indices = @transform_2, window_bounds = array<i64: 2, 1000, 16>}, {pipeline_mode = #tpu.pipeline_mode<synchronous>, transform_indices = @transform_3, window_bounds = array<i64: 1, 128>}, {pipeline_mode = #tpu.pipeline_mode<synchronous>, transform_indices = @transform_4, window_bounds = array<i64: 128, 128>}, {transform_indices = @transform_5, window_bounds = array<i64: 1000, 128>}]} {
    %get3A = arith.constant 0 : index
    %get3A_0 = arith.constant 0 : index
    %get3A_1 = arith.constant 0 : index
    %get3A_2 = vector.load %arg3[%get3A, %get3A_0, %get3A_1] : memref<2x1000x16xf32, #tpu.memory_space<vmem>>, vector<1x1000x1xf32>
    %get3A_3 = vector.shape_cast %get3A_2 : vector<1x1000x1xf32> to vector<1000xf32>
    %get3A_4 = arith.constant 1 : index
    %get3A_5 = arith.constant 0 : index
    %get3A_6 = arith.constant 0 : index
    %get3A_7 = vector.load %arg3[%get3A_4, %get3A_5, %get3A_6] : memref<2x1000x16xf32, #tpu.memory_space<vmem>>, vector<1x1000x1xf32>
    %get3A_8 = vector.shape_cast %get3A_7 : vector<1x1000x1xf32> to vector<1000xf32>
    %add3A = arith.addf %get3A_3, %get3A_8 : vector<1000xf32>
    %add3A_9 = arith.constant 1.000000e+00 : f32
    %add3A_10 = vector.broadcast %add3A_9 : f32 to vector<1000xf32>
    %add3A_11 = arith.addf %add3A, %add3A_10 : vector<1000xf32>
    %rsqrt3A = math.rsqrt %add3A_11 : vector<1000xf32>
    %get3A_12 = arith.constant 0 : index
    %get3A_13 = arith.constant 0 : index
    %get3A_14 = arith.constant 0 : index
    %get3A_15 = vector.load %arg1[%get3A_12, %get3A_13, %get3A_14] : memref<2x1000x128xf32, #tpu.memory_space<vmem>>, vector<1x1000x128xf32>
    %get3A_16 = vector.shape_cast %get3A_15 : vector<1x1000x128xf32> to vector<1000x128xf32>
    %get3A_17 = arith.constant 1 : index
    %get3A_18 = arith.constant 0 : index
    %get3A_19 = arith.constant 0 : index
    %get3A_20 = vector.load %arg1[%get3A_17, %get3A_18, %get3A_19] : memref<2x1000x128xf32, #tpu.memory_space<vmem>>, vector<1x1000x128xf32>
    %get3A_21 = vector.shape_cast %get3A_20 : vector<1x1000x128xf32> to vector<1000x128xf32>
    %add3A_22 = arith.addf %get3A_16, %get3A_21 : vector<1000x128xf32>
    %get3A_23 = arith.constant 0 : index
    %get3A_24 = arith.constant 0 : index
    %get3A_25 = vector.load %arg2[%get3A_23, %get3A_24] : memref<1000x128xf32, #tpu.memory_space<vmem>>, vector<1000x128xf32>
    %add3A_26 = arith.addf %add3A_22, %get3A_25 : vector<1000x128xf32>
    %broadcast_in_dim3A = vector.shape_cast %rsqrt3A : vector<1000xf32> to vector<1000x1xf32>
    %mul3A = vector.broadcast %broadcast_in_dim3A : vector<1000x1xf32> to vector<1000x128xf32>
    %mul3A_27 = arith.mulf %add3A_26, %mul3A : vector<1000x128xf32>
    %get3A_28 = arith.constant 0 : index
    %get3A_29 = arith.constant 0 : index
    %get3A_30 = vector.load %arg4[%get3A_28, %get3A_29] : memref<1x128xf32, #tpu.memory_space<vmem>>, vector<1x128xf32>
    %add3A_31 = vector.broadcast %get3A_30 : vector<1x128xf32> to vector<1000x128xf32>
    %add3A_32 = arith.addf %mul3A_27, %add3A_31 : vector<1000x128xf32>
    %max3A = arith.constant 0.000000e+00 : f32
    %max3A_33 = vector.broadcast %max3A : f32 to vector<1000x128xf32>
    %max3A_34 = arith.maximumf %add3A_32, %max3A_33 : vector<1000x128xf32>
    %get3A_35 = arith.constant 0 : index
    %get3A_36 = arith.constant 0 : index
    %get3A_37 = vector.load %arg5[%get3A_35, %get3A_36] : memref<128x128xf32, #tpu.memory_space<vmem>>, vector<128x128xf32>
    %dot_general3A = arith.constant dense<0.000000e+00> : vector<1000x128xf32>
    %dot_general3A_38 = tpu.matmul %max3A_34, %get3A_37, %dot_general3A {dimension_numbers = #tpu.dot_dimension_numbers<[1], [0], [0], [1], [0, 0, 1, 1], [], []>, transpose_lhs_hint = false} : vector<1000x128xf32>, vector<128x128xf32>, vector<1000x128xf32> -> vector<1000x128xf32>
    %broadcast_in_dim3A_39 = vector.shape_cast %rsqrt3A : vector<1000xf32> to vector<1000x1xf32>
    %mul3A_40 = vector.broadcast %broadcast_in_dim3A_39 : vector<1000x1xf32> to vector<1000x128xf32>
    %mul3A_41 = arith.mulf %dot_general3A_38, %mul3A_40 : vector<1000x128xf32>
    %swap3A = arith.constant 0 : index
    %swap3A_42 = arith.constant 0 : index
    %swap3A_43 = vector.load %arg6[%swap3A, %swap3A_42] : memref<1000x128xf32, #tpu.memory_space<vmem>>, vector<1000x128xf32>
    tpu.vector_store %arg6[%swap3A, %swap3A_42], %mul3A_41 {strides = array<i32>} : memref<1000x128xf32, #tpu.memory_space<vmem>>, vector<1000x128xf32>,
    return
  }
  func.func @transform_0(%arg0: i32) -> (i32, i32, i32) {
    %c0_i32 = arith.constant 0 : i32
    %c0_i32_0 = arith.constant 0 : i32
    %c0_i32_1 = arith.constant 0 : i32
    return %c0_i32, %arg0, %c0_i32_0 : i32, i32, i32
  }
  func.func @transform_1(%arg0: i32) -> (i32, i32) {
    %c0_i32 = arith.constant 0 : i32
    %c0_i32_0 = arith.constant 0 : i32
    return %arg0, %c0_i32 : i32, i32
  }
  func.func @transform_2(%arg0: i32) -> (i32, i32, i32) {
    %c0_i32 = arith.constant 0 : i32
    %c0_i32_0 = arith.constant 0 : i32
    %c0_i32_1 = arith.constant 0 : i32
    return %c0_i32, %arg0, %c0_i32_0 : i32, i32, i32
  }
  func.func @transform_3(%arg0: i32) -> (i32, i32) {
    %c0_i32 = arith.constant 0 : i32
    %c0_i32_0 = arith.constant 0 : i32
    %c0_i32_1 = arith.constant 0 : i32
    return %c0_i32, %c0_i32_0 : i32, i32
  }
  func.func @transform_4(%arg0: i32) -> (i32, i32) {
    %c0_i32 = arith.constant 0 : i32
    %c0_i32_0 = arith.constant 0 : i32
    %c0_i32_1 = arith.constant 0 : i32
    return %c0_i32, %c0_i32_0 : i32, i32
  }
  func.func @transform_5(%arg0: i32) -> (i32, i32) {
    %c0_i32 = arith.constant 0 : i32
    %c0_i32_0 = arith.constant 0 : i32
    return %arg0, %c0_i32 : i32, i32
  }
}

module attributes {stable_mosaic.version = 14 : i64} {
  func.func @_final_body(%arg0: i32, %arg1: memref<2x1000x128xf32, #tpu.memory_space<vmem>>, %arg2: memref<1000x128xf32, #tpu.memory_space<vmem>>, %arg3: memref<2x1000x16xf32, #tpu.memory_space<vmem>>, %arg4: memref<1x128xf32, #tpu.memory_space<vmem>>, %arg5: memref<1x128xf32, #tpu.memory_space<vmem>>, %arg6: memref<1x128xf32, #tpu.memory_space<vmem>>, %arg7: memref<128x64xf32, #tpu.memory_space<vmem>>, %arg8: memref<1x64xf32, #tpu.memory_space<vmem>>, %arg9: memref<1x4xf32, #tpu.memory_space<vmem>>, %arg10: memref<128x128xf32, #tpu.memory_space<vmem>>, %arg11: memref<64x128xf32, #tpu.memory_space<vmem>>, %arg12: memref<64x128xf32, #tpu.memory_space<vmem>>, %arg13: memref<4x128xf32, #tpu.memory_space<vmem>>, %arg14: memref<1x128xf32, #tpu.memory_space<vmem>>, %arg15: memref<128x1xf32, #tpu.memory_space<vmem>>, %arg16: memref<1x1xf32, #tpu.memory_space<vmem>>, %arg17: memref<1x1xf32, #tpu.memory_space<vmem>>, %arg18: memref<1x128xf32, #tpu.memory_space<vmem>>) attributes {dimension_semantics = [#tpu.dimension_semantics<arbitrary>], iteration_bounds = array<i64: 10>, scalar_prefetch = 0 : i64, scratch_operands = 1 : i64, tpu.core_type = #tpu.core_type<tc>, window_params = [{transform_indices = @transform_0, window_bounds = array<i64: 2, 1000, 128>}, {transform_indices = @transform_1, window_bounds = array<i64: 1000, 128>}, {transform_indices = @transform_2, window_bounds = array<i64: 2, 1000, 16>}, {pipeline_mode = #tpu.pipeline_mode<synchronous>, transform_indices = @transform_3, window_bounds = array<i64: 1, 128>}, {pipeline_mode = #tpu.pipeline_mode<synchronous>, transform_indices = @transform_4, window_bounds = array<i64: 1, 128>}, {pipeline_mode = #tpu.pipeline_mode<synchronous>, transform_indices = @transform_5, window_bounds = array<i64: 1, 128>}, {pipeline_mode = #tpu.pipeline_mode<synchronous>, transform_indices = @transform_6, window_bounds = array<i64: 128, 64>}, {pipeline_mode = #tpu.pipeline_mode<synchronous>, transform_indices = @transform_7, window_bounds = array<i64: 1, 64>}, {pipeline_mode = #tpu.pipeline_mode<synchronous>, transform_indices = @transform_8, window_bounds = array<i64: 1, 4>}, {pipeline_mode = #tpu.pipeline_mode<synchronous>, transform_indices = @transform_9, window_bounds = array<i64: 128, 128>}, {pipeline_mode = #tpu.pipeline_mode<synchronous>, transform_indices = @transform_10, window_bounds = array<i64: 64, 128>}, {pipeline_mode = #tpu.pipeline_mode<synchronous>, transform_indices = @transform_11, window_bounds = array<i64: 64, 128>}, {pipeline_mode = #tpu.pipeline_mode<synchronous>, transform_indices = @transform_12, window_bounds = array<i64: 4, 128>}, {pipeline_mode = #tpu.pipeline_mode<synchronous>, transform_indices = @transform_13, window_bounds = array<i64: 1, 128>}, {pipeline_mode = #tpu.pipeline_mode<synchronous>, transform_indices = @transform_14, window_bounds = array<i64: 128, 1>}, {pipeline_mode = #tpu.pipeline_mode<synchronous>, transform_indices = @transform_15, window_bounds = array<i64: 1, 1>}, {pipeline_mode = #tpu.pipeline_mode<synchronous>, transform_indices = @transform_16, window_bounds = array<i64: 1, 1>}]} {
    %get3A = arith.constant 0 : index
    %get3A_0 = arith.constant 0 : index
    %get3A_1 = arith.constant 0 : index
    %get3A_2 = vector.load %arg3[%get3A, %get3A_0, %get3A_1] : memref<2x1000x16xf32, #tpu.memory_space<vmem>>, vector<1x1000x1xf32>
    %get3A_3 = vector.shape_cast %get3A_2 : vector<1x1000x1xf32> to vector<1000xf32>
    %get3A_4 = arith.constant 1 : index
    %get3A_5 = arith.constant 0 : index
    %get3A_6 = arith.constant 0 : index
    %get3A_7 = vector.load %arg3[%get3A_4, %get3A_5, %get3A_6] : memref<2x1000x16xf32, #tpu.memory_space<vmem>>, vector<1x1000x1xf32>
    %get3A_8 = vector.shape_cast %get3A_7 : vector<1x1000x1xf32> to vector<1000xf32>
    %add3A = arith.addf %get3A_3, %get3A_8 : vector<1000xf32>
    %add3A_9 = arith.constant 1.000000e+00 : f32
    %add3A_10 = vector.broadcast %add3A_9 : f32 to vector<1000xf32>
    %add3A_11 = arith.addf %add3A, %add3A_10 : vector<1000xf32>
    %rsqrt3A = math.rsqrt %add3A_11 : vector<1000xf32>
    %get3A_12 = arith.constant 0 : index
    %get3A_13 = arith.constant 0 : index
    %get3A_14 = arith.constant 0 : index
    %get3A_15 = vector.load %arg1[%get3A_12, %get3A_13, %get3A_14] : memref<2x1000x128xf32, #tpu.memory_space<vmem>>, vector<1x1000x128xf32>
    %get3A_16 = vector.shape_cast %get3A_15 : vector<1x1000x128xf32> to vector<1000x128xf32>
    %get3A_17 = arith.constant 1 : index
    %get3A_18 = arith.constant 0 : index
    %get3A_19 = arith.constant 0 : index
    %get3A_20 = vector.load %arg1[%get3A_17, %get3A_18, %get3A_19] : memref<2x1000x128xf32, #tpu.memory_space<vmem>>, vector<1x1000x128xf32>
    %get3A_21 = vector.shape_cast %get3A_20 : vector<1x1000x128xf32> to vector<1000x128xf32>
    %add3A_22 = arith.addf %get3A_16, %get3A_21 : vector<1000x128xf32>
    %get3A_23 = arith.constant 0 : index
    %get3A_24 = arith.constant 0 : index
    %get3A_25 = vector.load %arg2[%get3A_23, %get3A_24] : memref<1000x128xf32, #tpu.memory_space<vmem>>, vector<1000x128xf32>
    %add3A_26 = arith.addf %add3A_22, %get3A_25 : vector<1000x128xf32>
    %broadcast_in_dim3A = vector.shape_cast %rsqrt3A : vector<1000xf32> to vector<1000x1xf32>
    %mul3A = vector.broadcast %broadcast_in_dim3A : vector<1000x1xf32> to vector<1000x128xf32>
    %mul3A_27 = arith.mulf %add3A_26, %mul3A : vector<1000x128xf32>
    %get3A_28 = arith.constant 0 : index
    %get3A_29 = arith.constant 0 : index
    %get3A_30 = vector.load %arg4[%get3A_28, %get3A_29] : memref<1x128xf32, #tpu.memory_space<vmem>>, vector<1x128xf32>
    %add3A_31 = vector.broadcast %get3A_30 : vector<1x128xf32> to vector<1000x128xf32>
    %add3A_32 = arith.addf %mul3A_27, %add3A_31 : vector<1000x128xf32>
    %max3A = arith.constant 0.000000e+00 : f32
    %max3A_33 = vector.broadcast %max3A : f32 to vector<1000x128xf32>
    %max3A_34 = arith.maximumf %add3A_32, %max3A_33 : vector<1000x128xf32>
    %reduce_sum3A = arith.constant dense<0.000000e+00> : vector<128xf32>
    %reduce_sum3A_35 = vector.multi_reduction <add>, %max3A_34, %reduce_sum3A [0] : vector<1000x128xf32> to vector<128xf32>
    %broadcast_in_dim3A_36 = vector.shape_cast %reduce_sum3A_35 : vector<128xf32> to vector<1x128xf32>
    %eq3A = arith.constant 0 : i32
    %eq3A_37 = arith.cmpi eq, %arg0, %eq3A : i32
    %convert_element_type3A = arith.extui %eq3A_37 : i1 to i32
    %cond3A = arith.constant 0 : i32
    %cond3A_38 = arith.cmpi ne, %convert_element_type3A, %cond3A : i32
    scf.if %cond3A_38 {
      %swap3A = arith.constant 0 : index
      %swap3A_48 = arith.constant 0 : index
      %swap3A_49 = vector.load %arg18[%swap3A, %swap3A_48] : memref<1x128xf32, #tpu.memory_space<vmem>>, vector<1x128xf32>
      tpu.vector_store %arg18[%swap3A, %swap3A_48], %broadcast_in_dim3A_36 {strides = array<i32>} : memref<1x128xf32, #tpu.memory_space<vmem>>, vector<1x128xf32>,
    } else {
    }
    %gt3A = arith.constant 0 : i32
    %gt3A_39 = arith.cmpi sgt, %arg0, %gt3A : i32
    %convert_element_type3A_40 = arith.extui %gt3A_39 : i1 to i32
    %cond3A_41 = arith.constant 0 : i32
    %cond3A_42 = arith.cmpi ne, %convert_element_type3A_40, %cond3A_41 : i32
    scf.if %cond3A_42 {
      %get3A_48 = arith.constant 0 : index
      %get3A_49 = arith.constant 0 : index
      %get3A_50 = vector.load %arg18[%get3A_48, %get3A_49] : memref<1x128xf32, #tpu.memory_space<vmem>>, vector<1x128xf32>
      %add3A_51 = arith.addf %get3A_50, %broadcast_in_dim3A_36 : vector<1x128xf32>
      %swap3A = arith.constant 0 : index
      %swap3A_52 = arith.constant 0 : index
      %swap3A_53 = vector.load %arg18[%swap3A, %swap3A_52] : memref<1x128xf32, #tpu.memory_space<vmem>>, vector<1x128xf32>
      tpu.vector_store %arg18[%swap3A, %swap3A_52], %add3A_51 {strides = array<i32>} : memref<1x128xf32, #tpu.memory_space<vmem>>, vector<1x128xf32>,
    } else {
    }
    %eq3A_43 = arith.constant 9 : i32
    %eq3A_44 = arith.cmpi eq, %arg0, %eq3A_43 : i32
    %convert_element_type3A_45 = arith.extui %eq3A_44 : i1 to i32
    %cond3A_46 = arith.constant 0 : i32
    %cond3A_47 = arith.cmpi ne, %convert_element_type3A_45, %cond3A_46 : i32
    scf.if %cond3A_47 {
      %get3A_48 = arith.constant 0 : index
      %get3A_49 = arith.constant 0 : index
      %get3A_50 = vector.load %arg18[%get3A_48, %get3A_49] : memref<1x128xf32, #tpu.memory_space<vmem>>, vector<1x128xf32>
      %mul3A_51 = arith.constant 9.99999974E-5 : f32
      %mul3A_52 = vector.broadcast %mul3A_51 : f32 to vector<1x128xf32>
      %mul3A_53 = arith.mulf %get3A_50, %mul3A_52 : vector<1x128xf32>
      %get3A_54 = arith.constant 0 : index
      %get3A_55 = arith.constant 0 : index
      %get3A_56 = vector.load %arg5[%get3A_54, %get3A_55] : memref<1x128xf32, #tpu.memory_space<vmem>>, vector<1x128xf32>
      %get3A_57 = arith.constant 0 : index
      %get3A_58 = arith.constant 0 : index
      %get3A_59 = vector.load %arg7[%get3A_57, %get3A_58] : memref<128x64xf32, #tpu.memory_space<vmem>>, vector<128x64xf32>
      %dot_general3A = arith.constant dense<0.000000e+00> : vector<1x64xf32>
      %dot_general3A_60 = tpu.matmul %get3A_56, %get3A_59, %dot_general3A {dimension_numbers = #tpu.dot_dimension_numbers<[1], [0], [0], [1], [0, 0, 1, 1], [], []>, transpose_lhs_hint = false} : vector<1x128xf32>, vector<128x64xf32>, vector<1x64xf32> -> vector<1x64xf32>
      %get3A_61 = arith.constant 0 : index
      %get3A_62 = arith.constant 0 : index
      %get3A_63 = vector.load %arg8[%get3A_61, %get3A_62] : memref<1x64xf32, #tpu.memory_space<vmem>>, vector<1x64xf32>
      %add3A_64 = arith.addf %dot_general3A_60, %get3A_63 : vector<1x64xf32>
      %max3A_65 = arith.constant 0.000000e+00 : f32
      %max3A_66 = vector.broadcast %max3A_65 : f32 to vector<1x64xf32>
      %max3A_67 = arith.maximumf %add3A_64, %max3A_66 : vector<1x64xf32>
      %get3A_68 = arith.constant 0 : index
      %get3A_69 = arith.constant 0 : index
      %get3A_70 = vector.load %arg6[%get3A_68, %get3A_69] : memref<1x128xf32, #tpu.memory_space<vmem>>, vector<1x128xf32>
      %get3A_71 = arith.constant 0 : index
      %get3A_72 = arith.constant 0 : index
      %get3A_73 = vector.load %arg7[%get3A_71, %get3A_72] : memref<128x64xf32, #tpu.memory_space<vmem>>, vector<128x64xf32>
      %dot_general3A_74 = arith.constant dense<0.000000e+00> : vector<1x64xf32>
      %dot_general3A_75 = tpu.matmul %get3A_70, %get3A_73, %dot_general3A_74 {dimension_numbers = #tpu.dot_dimension_numbers<[1], [0], [0], [1], [0, 0, 1, 1], [], []>, transpose_lhs_hint = false} : vector<1x128xf32>, vector<128x64xf32>, vector<1x64xf32> -> vector<1x64xf32>
      %get3A_76 = arith.constant 0 : index
      %get3A_77 = arith.constant 0 : index
      %get3A_78 = vector.load %arg8[%get3A_76, %get3A_77] : memref<1x64xf32, #tpu.memory_space<vmem>>, vector<1x64xf32>
      %add3A_79 = arith.addf %dot_general3A_75, %get3A_78 : vector<1x64xf32>
      %max3A_80 = arith.constant 0.000000e+00 : f32
      %max3A_81 = vector.broadcast %max3A_80 : f32 to vector<1x64xf32>
      %max3A_82 = arith.maximumf %add3A_79, %max3A_81 : vector<1x64xf32>
      %get3A_83 = arith.constant 0 : index
      %get3A_84 = arith.constant 0 : index
      %get3A_85 = vector.load %arg10[%get3A_83, %get3A_84] : memref<128x128xf32, #tpu.memory_space<vmem>>, vector<128x128xf32>
      %dot_general3A_86 = arith.constant dense<0.000000e+00> : vector<1x128xf32>
      %dot_general3A_87 = tpu.matmul %mul3A_53, %get3A_85, %dot_general3A_86 {dimension_numbers = #tpu.dot_dimension_numbers<[1], [0], [0], [1], [0, 0, 1, 1], [], []>, transpose_lhs_hint = false} : vector<1x128xf32>, vector<128x128xf32>, vector<1x128xf32> -> vector<1x128xf32>
      %get3A_88 = arith.constant 0 : index
      %get3A_89 = arith.constant 0 : index
      %get3A_90 = vector.load %arg11[%get3A_88, %get3A_89] : memref<64x128xf32, #tpu.memory_space<vmem>>, vector<64x128xf32>
      %dot_general3A_91 = arith.constant dense<0.000000e+00> : vector<1x128xf32>
      %dot_general3A_92 = tpu.matmul %max3A_67, %get3A_90, %dot_general3A_91 {dimension_numbers = #tpu.dot_dimension_numbers<[1], [0], [0], [1], [0, 0, 1, 1], [], []>, transpose_lhs_hint = false} : vector<1x64xf32>, vector<64x128xf32>, vector<1x128xf32> -> vector<1x128xf32>
      %add3A_93 = arith.addf %dot_general3A_87, %dot_general3A_92 : vector<1x128xf32>
      %get3A_94 = arith.constant 0 : index
      %get3A_95 = arith.constant 0 : index
      %get3A_96 = vector.load %arg12[%get3A_94, %get3A_95] : memref<64x128xf32, #tpu.memory_space<vmem>>, vector<64x128xf32>
      %dot_general3A_97 = arith.constant dense<0.000000e+00> : vector<1x128xf32>
      %dot_general3A_98 = tpu.matmul %max3A_82, %get3A_96, %dot_general3A_97 {dimension_numbers = #tpu.dot_dimension_numbers<[1], [0], [0], [1], [0, 0, 1, 1], [], []>, transpose_lhs_hint = false} : vector<1x64xf32>, vector<64x128xf32>, vector<1x128xf32> -> vector<1x128xf32>
      %add3A_99 = arith.addf %add3A_93, %dot_general3A_98 : vector<1x128xf32>
      %get3A_100 = arith.constant 0 : index
      %get3A_101 = arith.constant 0 : index
      %get3A_102 = vector.load %arg9[%get3A_100, %get3A_101] : memref<1x4xf32, #tpu.memory_space<vmem>>, vector<1x4xf32>
      %get3A_103 = arith.constant 0 : index
      %get3A_104 = arith.constant 0 : index
      %get3A_105 = vector.load %arg13[%get3A_103, %get3A_104] : memref<4x128xf32, #tpu.memory_space<vmem>>, vector<4x128xf32>
      %dot_general3A_106 = arith.constant dense<0.000000e+00> : vector<1x128xf32>
      %dot_general3A_107 = tpu.matmul %get3A_102, %get3A_105, %dot_general3A_106 {dimension_numbers = #tpu.dot_dimension_numbers<[1], [0], [0], [1], [0, 0, 1, 1], [], []>, transpose_lhs_hint = false} : vector<1x4xf32>, vector<4x128xf32>, vector<1x128xf32> -> vector<1x128xf32>
      %add3A_108 = arith.addf %add3A_99, %dot_general3A_107 : vector<1x128xf32>
      %get3A_109 = arith.constant 0 : index
      %get3A_110 = arith.constant 0 : index
      %get3A_111 = vector.load %arg14[%get3A_109, %get3A_110] : memref<1x128xf32, #tpu.memory_space<vmem>>, vector<1x128xf32>
      %add3A_112 = arith.addf %add3A_108, %get3A_111 : vector<1x128xf32>
      %max3A_113 = arith.constant 0.000000e+00 : f32
      %max3A_114 = vector.broadcast %max3A_113 : f32 to vector<1x128xf32>
      %max3A_115 = arith.maximumf %add3A_112, %max3A_114 : vector<1x128xf32>
      %get3A_116 = arith.constant 0 : index
      %get3A_117 = arith.constant 0 : index
      %get3A_118 = vector.load %arg15[%get3A_116, %get3A_117] : memref<128x1xf32, #tpu.memory_space<vmem>>, vector<128x1xf32>
      %dot_general3A_119 = arith.constant dense<0.000000e+00> : vector<1x1xf32>
      %dot_general3A_120 = tpu.matmul %max3A_115, %get3A_118, %dot_general3A_119 {dimension_numbers = #tpu.dot_dimension_numbers<[1], [0], [0], [1], [0, 0, 1, 1], [], []>, transpose_lhs_hint = false} : vector<1x128xf32>, vector<128x1xf32>, vector<1x1xf32> -> vector<1x1xf32>
      %get3A_121 = arith.constant 0 : index
      %get3A_122 = arith.constant 0 : index
      %get3A_123 = vector.load %arg16[%get3A_121, %get3A_122] : memref<1x1xf32, #tpu.memory_space<vmem>>, vector<1x1xf32>
      %add3A_124 = arith.addf %dot_general3A_120, %get3A_123 : vector<1x1xf32>
      %swap3A = arith.constant 0 : index
      %swap3A_125 = arith.constant 0 : index
      %swap3A_126 = vector.load %arg17[%swap3A, %swap3A_125] : memref<1x1xf32, #tpu.memory_space<vmem>>, vector<1x1xf32>
      tpu.vector_store %arg17[%swap3A, %swap3A_125], %add3A_124 {strides = array<i32>} : memref<1x1xf32, #tpu.memory_space<vmem>>, vector<1x1xf32>,
    } else {
    }
    return
  }
  func.func @transform_0(%arg0: i32) -> (i32, i32, i32) {
    %c0_i32 = arith.constant 0 : i32
    %c0_i32_0 = arith.constant 0 : i32
    %c0_i32_1 = arith.constant 0 : i32
    return %c0_i32, %arg0, %c0_i32_0 : i32, i32, i32
  }
  func.func @transform_1(%arg0: i32) -> (i32, i32) {
    %c0_i32 = arith.constant 0 : i32
    %c0_i32_0 = arith.constant 0 : i32
    return %arg0, %c0_i32 : i32, i32
  }
  func.func @transform_2(%arg0: i32) -> (i32, i32, i32) {
    %c0_i32 = arith.constant 0 : i32
    %c0_i32_0 = arith.constant 0 : i32
    %c0_i32_1 = arith.constant 0 : i32
    return %c0_i32, %arg0, %c0_i32_0 : i32, i32, i32
  }
  func.func @transform_3(%arg0: i32) -> (i32, i32) {
    %c0_i32 = arith.constant 0 : i32
    %c0_i32_0 = arith.constant 0 : i32
    %c0_i32_1 = arith.constant 0 : i32
    return %c0_i32, %c0_i32_0 : i32, i32
  }
  func.func @transform_4(%arg0: i32) -> (i32, i32) {
    %c0_i32 = arith.constant 0 : i32
    %c0_i32_0 = arith.constant 0 : i32
    %c0_i32_1 = arith.constant 0 : i32
    return %c0_i32, %c0_i32_0 : i32, i32
  }
  func.func @transform_5(%arg0: i32) -> (i32, i32) {
    %c0_i32 = arith.constant 0 : i32
    %c0_i32_0 = arith.constant 0 : i32
    %c0_i32_1 = arith.constant 0 : i32
    return %c0_i32, %c0_i32_0 : i32, i32
  }
  func.func @transform_6(%arg0: i32) -> (i32, i32) {
    %c0_i32 = arith.constant 0 : i32
    %c0_i32_0 = arith.constant 0 : i32
    %c0_i32_1 = arith.constant 0 : i32
    return %c0_i32, %c0_i32_0 : i32, i32
  }
  func.func @transform_7(%arg0: i32) -> (i32, i32) {
    %c0_i32 = arith.constant 0 : i32
    %c0_i32_0 = arith.constant 0 : i32
    %c0_i32_1 = arith.constant 0 : i32
    return %c0_i32, %c0_i32_0 : i32, i32
  }
  func.func @transform_8(%arg0: i32) -> (i32, i32) {
    %c0_i32 = arith.constant 0 : i32
    %c0_i32_0 = arith.constant 0 : i32
    %c0_i32_1 = arith.constant 0 : i32
    return %c0_i32, %c0_i32_0 : i32, i32
  }
  func.func @transform_9(%arg0: i32) -> (i32, i32) {
    %c0_i32 = arith.constant 0 : i32
    %c0_i32_0 = arith.constant 0 : i32
    %c0_i32_1 = arith.constant 0 : i32
    return %c0_i32, %c0_i32_0 : i32, i32
  }
  func.func @transform_10(%arg0: i32) -> (i32, i32) {
    %c0_i32 = arith.constant 0 : i32
    %c0_i32_0 = arith.constant 0 : i32
    %c0_i32_1 = arith.constant 0 : i32
    return %c0_i32, %c0_i32_0 : i32, i32
  }
  func.func @transform_11(%arg0: i32) -> (i32, i32) {
    %c0_i32 = arith.constant 0 : i32
    %c0_i32_0 = arith.constant 0 : i32
    %c0_i32_1 = arith.constant 0 : i32
    return %c0_i32, %c0_i32_0 : i32, i32
  }
  func.func @transform_12(%arg0: i32) -> (i32, i32) {
    %c0_i32 = arith.constant 0 : i32
    %c0_i32_0 = arith.constant 0 : i32
    %c0_i32_1 = arith.constant 0 : i32
    return %c0_i32, %c0_i32_0 : i32, i32
  }
  func.func @transform_13(%arg0: i32) -> (i32, i32) {
    %c0_i32 = arith.constant 0 : i32
    %c0_i32_0 = arith.constant 0 : i32
    %c0_i32_1 = arith.constant 0 : i32
    return %c0_i32, %c0_i32_0 : i32, i32
  }
  func.func @transform_14(%arg0: i32) -> (i32, i32) {
    %c0_i32 = arith.constant 0 : i32
    %c0_i32_0 = arith.constant 0 : i32
    %c0_i32_1 = arith.constant 0 : i32
    return %c0_i32, %c0_i32_0 : i32, i32
  }
  func.func @transform_15(%arg0: i32) -> (i32, i32) {
    %c0_i32 = arith.constant 0 : i32
    %c0_i32_0 = arith.constant 0 : i32
    %c0_i32_1 = arith.constant 0 : i32
    return %c0_i32, %c0_i32_0 : i32, i32
  }
  func.func @transform_16(%arg0: i32) -> (i32, i32) {
    %c0_i32 = arith.constant 0 : i32
    %c0_i32_0 = arith.constant 0 : i32
    %c0_i32_1 = arith.constant 0 : i32
    return %c0_i32, %c0_i32_0 : i32, i32
  }
}

</mosaic_0001>

<sc_bundles>
// kernel: kernel.11.cloned.1.call-start
scs
__scs_entry_jumppad:
0x0: {  	(pc) =	sbr.rel $0x88, $3  }
0x1: {  	(tag) =	ssettag $0x0;
	lr =	simm.s32 $0x1  }
0x2: {  	[smem:$0x3F91] =	sst lr;
	_ =	strace $0xD0000000  }
0x3: {  	_ = 	snop  }
0x4: {  	_ = 	snop  }
0x5: {  	_ = 	snop  }
0x6: {  	_ = 	snop  }
0x7: {  	_ = 	snop  }
__scs_overlays_trampoline_lowered:
0x8: {  	[smem:$0x3FA0] =	sst s0  }
0x9: {  	[smem:$0x3FA1] =	sst s1  }
0xa: {  	[smem:$0x3FA2] =	sst s2  }
0xb: {  	[smem:$0x3FA3] =	sst s3  }
0xc: {  	[smem:$0x3FA4] =	sst s4  }
0xd: {  	[smem:$0x3FA5] =	sst s5  }
0xe: {  	[smem:$0x3FA6] =	sst s6  }
0xf: {  	[smem:$0x3FA7] =	sst s7  }
0x10: {  	[smem:$0x3FA8] =	sst s8  }
0x11: {  	[smem:$0x3FA9] =	sst s9;
	s0 =	simm.s32 @!p0 $0x0  }
0x12: {  	s1 =	sld [smem:$0x3F8F];
	s0 =	simm.s32 @p0 $0x1  }
0x13: {  	[smem:$0x3FAA] =	sst s0;
	s0 =	simm.s32 @!p1 $0x0  }
0x14: {  	s2 =	sld [smem:$0x3F8E];
	s0 =	simm.s32 @p1 $0x1  }
0x15: {  	[smem:$0x3FAB] =	sst s0;
	s0 =	simm.s32 @!p2 $0x0  }
0x16: {  	s3 =	sld [smem:$0x3FDB];
	s0 =	simm.s32 @p2 $0x1  }
0x17: {  	s4 =	simm.s32 $0x1BF5;
	[smem:$0x3FAD] =	sst s0  }
0x18: {  	s0 =	sld [smem:$0x3F90];
	_ =	swait.ge [sflag:s4], $0x0  }
0x19: {  	s7 =	sld [smem:$0x3F91]  }
0x1a: {  	s8 =	sadd.s32 $0xFFFFE003, lr  }
0x1b: {  	s9 =	sadd.s32 $0xFFFFFEF7, lr;
	s5 =	simm.s32 $0xFFFFFFFF;
	p2 =	slt.u32 s8, $0xFFFFF086  }
0x1c: {  	p1 =	slt.u32 s9, $0xF7A;
	s5 =	simm.s32 @!p2 $0x0  }
0x1d: {  	s5 =	simm.s32 @p1 $0x1;
	p0 =	seq.s32 s7, s2  }
0x1e: {  	s7 =	smul.u32 @!p0 $0xF7A, s2;
	p2 =	seq.s32 @!p0 s5, $0x0  }
0x1f: {  	s9 =	smul.u32 $0xF7A, s1;
	s8 =	simm.s32 @!p0 $0x1BF5;
	p2 =	por !p2, p0  }
0x20: {  	[sflag:s8] =	ssyncset.s32 @!p0 $0xFFFFF086;
	s6 =	sadd.s32 @!p0 s3, s7;
	s7 =	simm.s32 @!p0 $0x108  }
0x21: {  	s3 =	sadd.s32 s3, s9;
	s6 =	sadd.s32 @!p0 $0x88, s6;
	s7 =	simm.s32 @p2 $0x1082  }
0x22: {  	[simem:s7], [sflag:s8] =	dma.local @!p0 [hbm:s6], $0xF7A  }
0x23: {  	s9 =	sor.u32 $0xD0000000, s2;
	s6 =	simm.s32 $0x108;
	_ =	swait.ge @!p0 [sflag:s8], $0x0  }
0x24: {  	s3 =	sadd.s32 $0x88, s3;
	s6 =	simm.s32 @!p1 $0x1082;
	[sflag:s4] =	ssyncset.s32 $0xFFFFF086  }
0x25: {  	[simem:s6], [sflag:s4] =	dma.local [hbm:s3], $0xF7A  }
0x26: {  	[smem:$0x3F91] =	sst s1;
	(tag) =	ssettag s2;
	_ =	strace s9  }
0x27: {  	s1 =	sld [smem:$0x3FA1]  }
0x28: {  	s2 =	sld [smem:$0x3FA2]  }
0x29: {  	s4 =	sld [smem:$0x3FA4]  }
0x2a: {  	p0 =	seq.s32 s5, $0x0;
	s5 =	sld [smem:$0x3FA5]  }
0x2b: {  	s6 =	sld [smem:$0x3FA6]  }
0x2c: {  	s7 =	sld [smem:$0x3FA7]  }
0x2d: {  	s3 =	simm.s32 $0x108;
	s8 =	sld [smem:$0x3FA8]  }
0x2e: {  	s3 =	simm.s32 @!p0 $0x1082;
	s9 =	sld [smem:$0x3FA9]  }
0x2f: {  	lr =	sadd.s32 s0, s3;
	s0 =	sld [smem:$0x3FA0]  }
0x30: {  	s3 =	sld [smem:$0x3FA3]  }
0x31: {  	[smem:$0x3FAC] =	sst s10  }
0x32: {  	s10 =	sld [smem:$0x3FAA];
	_ =	sdelay $0x3  }
0x33: {  	p0 =	seq.s32 s10, $0x1;
	s10 =	sld [smem:$0x3FAC];
	_ =	sdelay $0x3  }
0x34: {  	[smem:$0x3FAC] =	sst s10  }
0x35: {  	s10 =	sld [smem:$0x3FAB];
	_ =	sdelay $0x3  }
0x36: {  	p1 =	seq.s32 s10, $0x1;
	s10 =	sld [smem:$0x3FAC];
	_ =	sdelay $0x3  }
0x37: {  	[smem:$0x3FAC] =	sst s10  }
0x38: {  	s10 =	sld [smem:$0x3FAD]  }
0x39: {  	_ = 	snop;
	(pc) =	sbr.ind lr, $3  }
0x3a: {  	_ = 	snop  }
0x3b: {  	_ = 	snop  }
0x3c: {  	p2 =	seq.s32 s10, $0x1;
	s10 =	sld [smem:$0x3FAC]  }
0x3d: {  	_ =	shalt  }
0x3e: {  	_ =	shalt  }
0x3f: {  	_ =	shalt  }
0x40: {  	_ =	shalt  }
0x41: {  	_ =	shalt  }
0x42: {  	_ =	shalt  }
0x43: {  	_ =	shalt  }
0x44: {  	_ =	shalt  }
0x45: {  	_ =	shalt  }
0x46: {  	_ =	shalt  }
0x47: {  	_ =	shalt  }
0x48: {  	_ =	shalt  }
0x49: {  	_ =	shalt  }
0x4a: {  	_ =	shalt  }
0x4b: {  	_ =	shalt  }
0x4c: {  	_ =	shalt  }
0x4d: {  	_ =	shalt  }
0x4e: {  	_ =	shalt  }
0x4f: {  	_ =	shalt  }
0x50: {  	_ =	shalt  }
0x51: {  	_ =	shalt  }
0x52: {  	_ =	shalt  }
0x53: {  	_ =	shalt  }
0x54: {  	_ =	shalt  }
0x55: {  	_ =	shalt  }
0x56: {  	_ =	shalt  }
0x57: {  	_ =	shalt  }
0x58: {  	_ =	shalt  }
0x59: {  	_ =	shalt  }
0x5a: {  	_ =	shalt  }
0x5b: {  	_ =	shalt  }
0x5c: {  	_ =	shalt  }
0x5d: {  	_ =	shalt  }
0x5e: {  	_ =	shalt  }
0x5f: {  	_ =	shalt  }
0x60: {  	_ =	shalt  }
0x61: {  	_ =	shalt  }
0x62: {  	_ =	shalt  }
0x63: {  	_ =	shalt  }
0x64: {  	_ =	shalt  }
0x65: {  	_ =	shalt  }
0x66: {  	_ =	shalt  }
0x67: {  	_ =	shalt  }
0x68: {  	_ =	shalt  }
0x69: {  	_ =	shalt  }
0x6a: {  	_ =	shalt  }
0x6b: {  	_ =	shalt  }
0x6c: {  	_ =	shalt  }
0x6d: {  	_ =	shalt  }
0x6e: {  	_ =	shalt  }
0x6f: {  	_ =	shalt  }
0x70: {  	_ =	shalt  }
0x71: {  	_ =	shalt  }
0x72: {  	_ =	shalt  }
0x73: {  	_ =	shalt  }
0x74: {  	_ =	shalt  }
0x75: {  	_ =	shalt  }
0x76: {  	_ =	shalt  }
0x77: {  	_ =	shalt  }
0x78: {  	_ =	shalt  }
0x79: {  	_ =	shalt  }
0x7a: {  	_ =	shalt  }
0x7b: {  	_ =	shalt  }
0x7c: {  	_ =	shalt  }
0x7d: {  	_ =	shalt  }
0x7e: {  	_ =	shalt  }
0x7f: {  	_ =	shalt  }
0x80: {  	_ =	shalt  }
0x81: {  	_ =	shalt  }
0x82: {  	_ =	shalt  }
0x83: {  	_ =	shalt  }
0x84: {  	_ =	shalt  }
0x85: {  	_ =	shalt  }
0x86: {  	_ =	shalt  }
0x87: {  	_ =	shalt  }
.Lfunc_end0:
.L_simem_size_0:
called_computation.1_lowered:
.L_overlay_start_0:
0x88: {  	s2 =	sld [smem:$0x3FD9]  }
0x89: {  	s3 =	sld [smem:$0x3FFE];
	_ =	sdelay $0x1  }
0x8a: {  	s1 =	srdreg.scid  }
0x8b: {  	s0 =	sand.u32 $0x1, s1  }
0x8c: {  	s16 =	sshll.u32 s0, $0xA;
	s2 =	sadd.s32 s3, s2  }
0x8d: {  	s2 =	sadd.s32 s2, s16  }
0x8e: {  	[smem:$0x3FB8] =	sst s2  }
0x8f: {  	_ = 	snop  }
0x90: {  	(tm) =	ssettm $0x1  }
0x91: {  	s17 =	sld [smem:$0x3FFB];
	_ =	sdelay $0x3  }
0x92: {  	_ =	strace s17  }
0x93: {  	s2 =	sld [smem:$0x3FFC];
	_ =	sdelay $0x3  }
0x94: {  	_ =	strace s2  }
0x95: {  	s2 =	sld [smem:$0x3FFD];
	_ =	sdelay $0x3  }
0x96: {  	_ =	strace s2  }
0x97: {  	_ =	strace $0x8FFFFFFF  }
0x98: {  	s18 =	sld [smem:$0x3FDB];
	_ =	sdelay $0x1  }
0x99: {  	s19 =	simm.s32 $_scs_section_size  }
0x9a: {  	s4 =	simm.s32 $_size__tile_overlayer_lowered;
	s5 =	simm.s32 $_tile_overlayer_lowered  }
0x9b: {  	s22 =	simm.s32 $0x1BFF;
	s21 =	sshll.u32 s5, $0x1;
	s2 =	sadd.s32 s19, s18  }
0x9c: {  	s6 =	simm.s32 $0x0;
	s20 =	sshll.u32 s4, $0x1;
	s4 =	sadd.s32 s21, s2  }
0x9d: {  	[timem:s6], [sflag:s22] =	dma.local [hbm:s4], s20  }
0x9e: {  	_ =	swait.ge [sflag:s22], s20  }
0x9f: {  	s3 =	ssub.s32 $0x0, s20;
	[sflag:s22] =	ssyncset.done $0x0  }
0xa0: {  	[sflag:s22] =	ssyncadd.s32 s3;
	_ =	sdelay $0x1  }
0xa1: {  	s23 =	simm.s32 $0x1B8B  }
0xa2: {  	_ =	swait.ge [sflag:s23], $0x1  }
0xa3: {  	[sflag:s23] =	ssyncset.done $0x0  }
0xa4: {  	s25 =	simm.s32 $0x1B8E;
	s24 =	sld [smem:$0x3FFE];
	[sflag:s23] =	ssyncadd.s32 $0xFFFFFFFF  }
0xa5: {  	s26 =	simm.s32 $execute0_lowered;
	[smem:$0x3FD2] =	sst s25  }
0xa6: {  	s4 =	sshll.u32 s26, $0x1;
	_ =	strace $0x80000049;
	[dreg:$0x1] =	wrdreg $0xFFFFFFFF  }
0xa7: {  	s28 =	simm.s32 $_size_execute0_lowered;
	s2 =	sadd.s32 s2, s4;
	[dreg:$0x0] =	wrdreg $0x0  }
0xa8: {  	s4 =	sshll.u32 s28, $0x1;
	[dreg:$0x2] =	wrdreg s2  }
0xa9: {  	[dreg:$0x3] =	wrdreg s4  }
0xaa: {  	[dreg:$0x4] =	wrdreg $0xC0  }
0xab: {  	_ =	task [dreg:s6], $0x5FFFF  }
0xac: {  	[dreg:$0x1] =	wrdreg $0xFFFFFFFF  }
0xad: {  	[dreg:$0x0] =	wrdreg $0x60  }
0xae: {  	[dreg:$0x2] =	wrdreg s24  }
0xaf: {  	[dreg:$0x3] =	wrdreg $0xB2200  }
0xb0: {  	[dreg:$0x4] =	wrdreg $0x9  }
0xb1: {  	_ =	task.clear_ibuf [dreg:s6], $0x5FFFF;
	_ =	strace $0x90000049  }
0xb2: {  	s29 =	simm.s32 $0x9;
	_ =	strace $0x8000004B  }
0xb3: {  	_ =	swait.ge [sflag:s29], $0x1  }
0xb4: {  	[sflag:s29] =	ssyncadd.s32 $0xFFFFFFFF  }
0xb5: {  	_ =	strace $0x9000004B  }
0xb6: {  	_ =	sfence  }
0xb7: {  	s30 =	sld [smem:$0x0];
	_ =	sdelay $0x2  }
0xb8: {  	s31 =	sshll.u32 s1, $0xD;
	s1 =	sshrl.u32 s1, $0x2  }
0xb9: {  	s3 =	sand.u32 $0x4000, s31;
	s1 =	sadd.s32 s1, s30  }
0xba: {  	s0 =	sor.u32 s3, s0;
	s1 =	sshll.u32 s1, $0x11  }
0xbb: {  	s0 =	sor.u32 s1, s0  }
0xbc: {  	s0 =	sadd.s32 $0x8F2B, s0  }
0xbd: {  	[sflag:s0] =	ssyncadd.remote.s32 $0x1  }
0xbe: {  	_ =	sfence.sel $0xFFFF  }
0xbf: {  	[dreg:$0x0] =	wrdreg $0xFFFFFFFF;
	(pc) =	sbr.abs _section_cstart, $3  }
0xc0: {  	[dreg:$0x1] =	wrdreg $0xFFFFFFFF  }
0xc1: {  	_ =	task.clear_ibuf [dreg:s6], $0x2FFFF;
	_ =	strace $0x9FFFFFFF  }
0xc2: {  	(tm) =	ssettm $0x7FFFFFFF  }
0xc3: {  	_ =	shalt  }
tec
execute0_lowered:
.L_overlay_start_1:
0x0: {  	(tag) =	ssettag $0x1  }
0x1: {  	s0 =	srdreg.scid;
	s1 =	rddreg [dreg:$0x0]  }
0x2: {  	s2 =	rddreg [dreg:$0x1];
	s18 =	stileid.u32  }
0x3: {  	s3 =	simm.s32 $0x0;
	s11 =	simm.s32 $0x28;
	s12 =	simm.s32 $0x4E20  }
0x4: {  	s13 =	simm.s32 $0x6220;
	s15 =	simm.s32 $0x7620;
	s17 =	simm.s32 $0x8A20  }
0x5: {  	s19 =	simm.s32 $0x9E20;
	s22 =	simm.s32 $0x1;
	s24 =	simm.s32 $0x2  }
0x6: {  	s26 =	simm.s32 $0x3;
	s28 =	simm.s32 $0x4;
	s29 =	simm.s32 $0x5  }
0x7: {  	s31 =	simm.s32 $0x4D80;
	s0 =	sand.u32 $0x1, s0;
	s9 =	smul.u32 $0x7D000, s18  }
0x8: {  	[smem:$0x7FF] =	sst s3;
	s30 =	smul.u32 $0x1F400, s18;
	p0 =	sgt.u32 s18, $0x9  }
0x9: {  	s4 =	sshll.u32 s0, $0x4;
	s6 =	smul.u32 $0x27100, s0;
	s0 =	ssub.s32 $0x2, s0  }
0xa: {  	_ =	strace $0x8000004A;
	s4 =	sor.u32 s18, s4;
	s8 =	sshrl.u32 s0, $0x1  }
0xb: {  	s9 =	sshrl.u32 s9, $0x2;
	s14 =	sshrl.u32 s30, $0x3;
	s16 =	sadd.s32 s30, s2  }
0xc: {  	s5 =	smul.u32 $0x4E2, s4;
	s4 =	sadd.s32 $0x66000, s1;
	s0 =	ssub.s32 s0, s8  }
0xd: {  	s10 =	sadd.s32 s9, s2;
	s9 =	simm.s32 $0x6;
	s25 =	sshrl.u32 @!p0 s16, $0x3  }
0xe: {  	s8 =	smax.u32 s0, $0x1;
	s0 =	sshll.u32 @!p0 s18, $0x6;
	s21 =	sshrl.u32 @!p0 s10, $0x3  }
0xf: {  	s10 =	simm.s32 $0x4DF8;
	s7 =	sadd.s32 s5, s1;
	s5 =	sadd.s32 $0x8D200, s1  }
0x10: {  	s1 =	sadd.s32 s6, s1;
	s20 =	sor.u32 @!p0 $0x1C06, s0;
	s0 =	simm.s32 $0x4DA8  }
0x11: {  	s6 =	sadd.s32 $0x4200, s7;
	s7 =	sadd.s32 $0xE000, s7;
	s1 =	sadd.s32 $0x91200, s1  }
0x12: {  	s23 =	sadd.s32 @!p0 s14, s1;
	s1 =	simm.s32 $0x4DD0;
	s14 =	simm.s32 $0x0  }
.LBB2_1:
0x13: {  	[tilespmem:s3], [sflag:$0x6] =	stream.linear.gather [hbm4b:s6+s3], $0x2710, $0x38;
	[tilespmem:$0x1EAA0] =	vst v63  }
0x14: {  	_ =	swait.ge [sflag:s9], $0x2710  }
0x15: {  	[sflag:s9] =	ssyncset.done $0x0  }
0x16: {  	s16 =	simm.s32 $0x2710;
	[sflag:s9] =	ssyncadd.s32 $0xFFFFD8F0  }
0x17: {  	[tilespmem:s16], [sflag:$0x6] =	stream.linear.gather [hbm4b:s7+s3], $0x2710, $0x38;
	[tilespmem:$0x1EAA0] =	vst v63  }
0x18: {  	_ =	swait.ge [sflag:s9], $0x2710  }
0x19: {  	[sflag:s9] =	ssyncset.done $0x0  }
0x1a: {  	[sflag:s9] =	ssyncadd.s32 $0xFFFFD8F0  }
0x1b: {  	[tilespmem:s12], [sflag:$0x1] =	stream.indirect.gather [hbm4b:s4+s11], $0x80, s3, s11, $0xb8;
	[tilespmem:$0x1EAA0] =	vst v63  }
0x1c: {  	_ = 	snop  }
0x1d: {  	[tilespmem:s13], [sflag:$0x2] =	stream.indirect.gather [hbm4b:s4+s11], $0x80, s11, s11, $0xb8;
	[tilespmem:$0x1EAA0] =	vst v63  }
0x1e: {  	s18 =	simm.s32 $0x50  }
0x1f: {  	[tilespmem:s15], [sflag:$0x3] =	stream.indirect.gather [hbm4b:s4+s11], $0x80, s18, s11, $0xb8;
	[tilespmem:$0x1EAA0] =	vst v63  }
0x20: {  	s30 =	simm.s32 $0x78  }
0x21: {  	[tilespmem:s17], [sflag:$0x4] =	stream.indirect.gather [hbm4b:s4+s11], $0x80, s30, s11, $0xb8;
	[tilespmem:$0x1EAA0] =	vst v63  }
0x22: {  	s16 =	simm.s32 @!p0 $0x6;
	s18 =	simm.s32 $0xA0  }
0x23: {  	[tilespmem:s19], [sflag:$0x5] =	stream.indirect.gather [hbm4b:s4+s11], $0x80, s18, s11, $0xb8;
	[tilespmem:$0x1EAA0] =	vst v63  }
0x24: {  	[spmem:s21], [sflag:s20] =	dma.local @!p0 [hbm:s5], $0x3E80  }
0x25: {  	_ =	swait.ge @!p0 [sflag:s16], $0x3E80  }
0x26: {  	[sflag:s16] =	ssyncset.done @!p0 $0x0  }
0x27: {  	[sflag:s16] =	ssyncadd.s32 @!p0 $0xFFFFC180  }
0x28: {  	[bflag:$0x0] =	sbarrier.arrive $0xFFFF  }
0x29: {  	_ =	swait.ge [sflag:s22], $0x1400  }
0x2a: {  	[sflag:s22] =	ssyncset.done $0x0  }
0x2b: {  	s30 =	simm.s32 $0x2710;
	[sflag:s22] =	ssyncadd.s32 $0xFFFFEC00  }
0x2c: {  	[spmem:s2] =	stream.indirect.scatter.add.f32 [tilespmem:s12], [sflag:$0x6], $0x80, s30, s11, $0xb8;
	[tilespmem:$0x1EAA0] =	vst v63  }
0x2d: {  	_ =	swait.ge [sflag:s9], $0x1400  }
0x2e: {  	[sflag:s9] =	ssyncset.done $0x0  }
0x2f: {  	s18 =	simm.s32 $0xC8;
	[sflag:s9] =	ssyncadd.s32 $0xFFFFEC00  }
0x30: {  	[tilespmem:s12], [sflag:$0x1] =	stream.indirect.gather [hbm4b:s4+s11], $0x80, s18, s11, $0xb8;
	[tilespmem:$0x1EAA0] =	vst v63  }
0x31: {  	_ =	swait.ge [sflag:s24], $0x1400  }
0x32: {  	[sflag:s24] =	ssyncset.done $0x0  }
0x33: {  	s30 =	simm.s32 $0x2738;
	[sflag:s24] =	ssyncadd.s32 $0xFFFFEC00  }
0x34: {  	[spmem:s2] =	stream.indirect.scatter.add.f32 [tilespmem:s13], [sflag:$0x6], $0x80, s30, s11, $0xb8;
	[tilespmem:$0x1EAA0] =	vst v63  }
0x35: {  	_ =	swait.ge [sflag:s9], $0x1400  }
0x36: {  	[sflag:s9] =	ssyncset.done $0x0  }
0x37: {  	s18 =	simm.s32 $0xF0;
	[sflag:s9] =	ssyncadd.s32 $0xFFFFEC00  }
0x38: {  	[tilespmem:s13], [sflag:$0x2] =	stream.indirect.gather [hbm4b:s4+s11], $0x80, s18, s11, $0xb8;
	[tilespmem:$0x1EAA0] =	vst v63  }
0x39: {  	_ =	swait.ge [sflag:s26], $0x1400  }
0x3a: {  	[sflag:s26] =	ssyncset.done $0x0  }
0x3b: {  	s30 =	simm.s32 $0x2760;
	[sflag:s26] =	ssyncadd.s32 $0xFFFFEC00  }
0x3c: {  	[spmem:s2] =	stream.indirect.scatter.add.f32 [tilespmem:s15], [sflag:$0x6], $0x80, s30, s11, $0xb8;
	[tilespmem:$0x1EAA0] =	vst v63  }
0x3d: {  	_ =	swait.ge [sflag:s9], $0x1400  }
0x3e: {  	[sflag:s9] =	ssyncset.done $0x0  }
0x3f: {  	s18 =	simm.s32 $0x118;
	[sflag:s9] =	ssyncadd.s32 $0xFFFFEC00  }
0x40: {  	[tilespmem:s15], [sflag:$0x3] =	stream.indirect.gather [hbm4b:s4+s11], $0x80, s18, s11, $0xb8;
	[tilespmem:$0x1EAA0] =	vst v63  }
0x41: {  	_ =	swait.ge [sflag:s28], $0x1400  }
0x42: {  	[sflag:s28] =	ssyncset.done $0x0  }
0x43: {  	s30 =	simm.s32 $0x2788;
	[sflag:s28] =	ssyncadd.s32 $0xFFFFEC00  }
0x44: {  	[spmem:s2] =	stream.indirect.scatter.add.f32 [tilespmem:s17], [sflag:$0x6], $0x80, s30, s11, $0xb8;
	[tilespmem:$0x1EAA0] =	vst v63  }
0x45: {  	_ =	swait.ge [sflag:s9], $0x1400  }
0x46: {  	[sflag:s9] =	ssyncset.done $0x0  }
0x47: {  	s18 =	simm.s32 $0x140;
	[sflag:s9] =	ssyncadd.s32 $0xFFFFEC00  }
0x48: {  	[tilespmem:s17], [sflag:$0x4] =	stream.indirect.gather [hbm4b:s4+s11], $0x80, s18, s11, $0xb8;
	[tilespmem:$0x1EAA0] =	vst v63  }
0x49: {  	_ =	swait.ge [sflag:s29], $0x1400  }
0x4a: {  	[sflag:s29] =	ssyncset.done $0x0  }
0x4b: {  	s30 =	simm.s32 $0x27B0;
	[sflag:s29] =	ssyncadd.s32 $0xFFFFEC00  }
0x4c: {  	[spmem:s2] =	stream.indirect.scatter.add.f32 [tilespmem:s19], [sflag:$0x6], $0x80, s30, s11, $0xb8;
	[tilespmem:$0x1EAA0] =	vst v63  }
0x4d: {  	_ =	swait.ge [sflag:s9], $0x1400  }
0x4e: {  	[sflag:s9] =	ssyncset.done $0x0  }
0x4f: {  	s16 =	simm.s32 $0x320;
	s18 =	simm.s32 $0x168;
	[sflag:s9] =	ssyncadd.s32 $0xFFFFEC00  }
.LBB2_2:
0x50: {  	[tilespmem:s19], [sflag:$0x5] =	stream.indirect.gather [hbm4b:s4+s11], $0x80, s18, s11, $0xb8;
	[tilespmem:$0x1EAA0] =	vst v63  }
0x51: {  	s18 =	smov.u32 s16  }
0x52: {  	p1 =	sne.s32 s16, $0x9600;
	s16 =	sadd.s32 $0x320, s16;
	_ =	swait.ge [sflag:s22], $0x1400  }
0x53: {  	s18 =	sshra.s32 s18, $0x2;
	[sflag:s22] =	ssyncset.done $0x0  }
0x54: {  	s30 =	sadd.s32 $0x2710, s18;
	[sflag:s22] =	ssyncadd.s32 $0xFFFFEC00  }
0x55: {  	[spmem:s2] =	stream.indirect.scatter.add.f32 [tilespmem:s12], [sflag:$0x6], $0x80, s30, s11, $0xb8;
	[tilespmem:$0x1EAA0] =	vst v63  }
0x56: {  	_ =	swait.ge [sflag:s9], $0x1400  }
0x57: {  	[sflag:s9] =	ssyncset.done $0x0  }
0x58: {  	s30 =	sadd.s32 $0xC8, s18;
	[sflag:s9] =	ssyncadd.s32 $0xFFFFEC00  }
0x59: {  	[tilespmem:s12], [sflag:$0x1] =	stream.indirect.gather [hbm4b:s4+s11], $0x80, s30, s11, $0xb8;
	[tilespmem:$0x1EAA0] =	vst v63  }
0x5a: {  	_ =	swait.ge [sflag:s24], $0x1400  }
0x5b: {  	[sflag:s24] =	ssyncset.done $0x0  }
0x5c: {  	s30 =	sadd.s32 $0x2738, s18;
	[sflag:s24] =	ssyncadd.s32 $0xFFFFEC00  }
0x5d: {  	[spmem:s2] =	stream.indirect.scatter.add.f32 [tilespmem:s13], [sflag:$0x6], $0x80, s30, s11, $0xb8;
	[tilespmem:$0x1EAA0] =	vst v63  }
0x5e: {  	_ =	swait.ge [sflag:s9], $0x1400  }
0x5f: {  	[sflag:s9] =	ssyncset.done $0x0  }
0x60: {  	s30 =	sadd.s32 $0xF0, s18;
	[sflag:s9] =	ssyncadd.s32 $0xFFFFEC00  }
0x61: {  	[tilespmem:s13], [sflag:$0x2] =	stream.indirect.gather [hbm4b:s4+s11], $0x80, s30, s11, $0xb8;
	[tilespmem:$0x1EAA0] =	vst v63  }
0x62: {  	_ =	swait.ge [sflag:s26], $0x1400  }
0x63: {  	[sflag:s26] =	ssyncset.done $0x0  }
0x64: {  	s30 =	sadd.s32 $0x2760, s18;
	[sflag:s26] =	ssyncadd.s32 $0xFFFFEC00  }
0x65: {  	[spmem:s2] =	stream.indirect.scatter.add.f32 [tilespmem:s15], [sflag:$0x6], $0x80, s30, s11, $0xb8;
	[tilespmem:$0x1EAA0] =	vst v63  }
0x66: {  	_ =	swait.ge [sflag:s9], $0x1400  }
0x67: {  	[sflag:s9] =	ssyncset.done $0x0  }
0x68: {  	s30 =	sadd.s32 $0x118, s18;
	[sflag:s9] =	ssyncadd.s32 $0xFFFFEC00  }
0x69: {  	[tilespmem:s15], [sflag:$0x3] =	stream.indirect.gather [hbm4b:s4+s11], $0x80, s30, s11, $0xb8;
	[tilespmem:$0x1EAA0] =	vst v63  }
0x6a: {  	_ =	swait.ge [sflag:s28], $0x1400  }
0x6b: {  	[sflag:s28] =	ssyncset.done $0x0  }
0x6c: {  	s30 =	sadd.s32 $0x2788, s18;
	[sflag:s28] =	ssyncadd.s32 $0xFFFFEC00  }
0x6d: {  	[spmem:s2] =	stream.indirect.scatter.add.f32 [tilespmem:s17], [sflag:$0x6], $0x80, s30, s11, $0xb8;
	[tilespmem:$0x1EAA0] =	vst v63  }
0x6e: {  	_ =	swait.ge [sflag:s9], $0x1400  }
0x6f: {  	[sflag:s9] =	ssyncset.done $0x0  }
0x70: {  	s30 =	sadd.s32 $0x140, s18;
	[sflag:s9] =	ssyncadd.s32 $0xFFFFEC00  }
0x71: {  	[tilespmem:s17], [sflag:$0x4] =	stream.indirect.gather [hbm4b:s4+s11], $0x80, s30, s11, $0xb8;
	[tilespmem:$0x1EAA0] =	vst v63  }
0x72: {  	_ =	swait.ge [sflag:s29], $0x1400  }
0x73: {  	[sflag:s29] =	ssyncset.done $0x0  }
.Ltmp0:
0x74: {  	s30 =	sadd.s32 $0x27B0, s18;
	[sflag:s29] =	ssyncadd.s32 $0xFFFFEC00;
	(pc) =	sbr.rel @p1 .LBB2_2-.Ltmp0, $4  }
0x75: {  	[spmem:s2] =	stream.indirect.scatter.add.f32 [tilespmem:s19], [sflag:$0x6], $0x80, s30, s11, $0xb8;
	[tilespmem:$0x1EAA0] =	vst v63  }
0x76: {  	_ =	swait.ge [sflag:s9], $0x1400  }
0x77: {  	[sflag:s9] =	ssyncset.done $0x0  }
0x78: {  	s18 =	sadd.s32 $0x168, s18;
	[sflag:s9] =	ssyncadd.s32 $0xFFFFEC00  }
0x79: {  	[tilespmem:s19], [sflag:$0x5] =	stream.indirect.gather [hbm4b:s4+s11], $0x80, s18, s11, $0xb8;
	[tilespmem:$0x1EAA0] =	vst v63  }
0x7a: {  	_ =	swait.ge [sflag:s22], $0x1400  }
0x7b: {  	[sflag:s22] =	ssyncset.done $0x0  }
0x7c: {  	s16 =	simm.s32 $0x4D58;
	[sflag:s22] =	ssyncadd.s32 $0xFFFFEC00  }
0x7d: {  	[spmem:s2] =	stream.indirect.scatter.add.f32 [tilespmem:s12], [sflag:$0x6], $0x80, s16, s11, $0xb8;
	[tilespmem:$0x1EAA0] =	vst v63  }
0x7e: {  	_ =	swait.ge [sflag:s9], $0x1400  }
0x7f: {  	[sflag:s9] =	ssyncset.done $0x0  }
0x80: {  	[sflag:s9] =	ssyncadd.s32 $0xFFFFEC00  }
0x81: {  	_ =	swait.ge [sflag:s24], $0x1400  }
0x82: {  	[sflag:s24] =	ssyncset.done $0x0  }
0x83: {  	[sflag:s24] =	ssyncadd.s32 $0xFFFFEC00  }
0x84: {  	[spmem:s2] =	stream.indirect.scatter.add.f32 [tilespmem:s13], [sflag:$0x6], $0x80, s31, s11, $0xb8;
	[tilespmem:$0x1EAA0] =	vst v63  }
0x85: {  	_ =	swait.ge [sflag:s9], $0x1400  }
0x86: {  	[sflag:s9] =	ssyncset.done $0x0  }
0x87: {  	[sflag:s9] =	ssyncadd.s32 $0xFFFFEC00  }
0x88: {  	_ =	swait.ge [sflag:s26], $0x1400  }
0x89: {  	[sflag:s26] =	ssyncset.done $0x0  }
0x8a: {  	[sflag:s26] =	ssyncadd.s32 $0xFFFFEC00  }
0x8b: {  	[spmem:s2] =	stream.indirect.scatter.add.f32 [tilespmem:s15], [sflag:$0x6], $0x80, s0, s11, $0xb8;
	[tilespmem:$0x1EAA0] =	vst v63  }
0x8c: {  	_ =	swait.ge [sflag:s9], $0x1400  }
0x8d: {  	[sflag:s9] =	ssyncset.done $0x0  }
0x8e: {  	[sflag:s9] =	ssyncadd.s32 $0xFFFFEC00  }
0x8f: {  	_ =	swait.ge [sflag:s28], $0x1400  }
0x90: {  	[sflag:s28] =	ssyncset.done $0x0  }
0x91: {  	[sflag:s28] =	ssyncadd.s32 $0xFFFFEC00  }
0x92: {  	[spmem:s2] =	stream.indirect.scatter.add.f32 [tilespmem:s17], [sflag:$0x6], $0x80, s1, s11, $0xb8;
	[tilespmem:$0x1EAA0] =	vst v63  }
0x93: {  	_ =	swait.ge [sflag:s9], $0x1400  }
0x94: {  	[sflag:s9] =	ssyncset.done $0x0  }
0x95: {  	[sflag:s9] =	ssyncadd.s32 $0xFFFFEC00  }
0x96: {  	_ =	swait.ge [sflag:s29], $0x1400  }
0x97: {  	[sflag:s29] =	ssyncset.done $0x0  }
0x98: {  	[sflag:s29] =	ssyncadd.s32 $0xFFFFEC00  }
0x99: {  	[spmem:s2] =	stream.indirect.scatter.add.f32 [tilespmem:s19], [sflag:$0x6], $0x80, s10, s11, $0xb8;
	[tilespmem:$0x1EAA0] =	vst v63  }
0x9a: {  	_ =	swait.ge [sflag:s9], $0x1400  }
0x9b: {  	s14 =	sadd.s32 $0x1, s14;
	[sflag:s9] =	ssyncset.done $0x0  }
0x9c: {  	p1 =	sne.s32 s14, s8;
	[sflag:s9] =	ssyncadd.s32 $0xFFFFEC00  }
.Ltmp1:
0x9d: {  	s16 =	simm.s32 @!p0 $0x6;
	[bflag:$0x0] =	sbarrier.arrive $0xFFFF;
	(pc) =	sbr.rel @p1 .LBB2_1-.Ltmp1, $4  }
0x9e: {  	[hbm:s23], [sflag:s20] =	dma.local @!p0 [spmem:s25], $0x3E80  }
0x9f: {  	_ =	swait.ge @!p0 [sflag:s16], $0x3E80  }
0xa0: {  	[sflag:s16] =	ssyncset.done @!p0 $0x0  }
0xa1: {  	[sflag:s16] =	ssyncadd.s32 @!p0 $0xFFFFC180  }
0xa2: {  	_ =	sfence.sel $0x180000  }
0xa3: {  	[bflag:$0x0] =	sbarrier.arrive $0xFFFF  }
0xa4: {  	_ =	strace $0x9000004A  }
0xa5: {  	s0 =	stileid.u32;
	[bflag:$0x2] =	sbarrier.arrive $0xFFFF  }
0xa6: {  	p0 =	sne.s32 s0, $0x0;
	s0 =	rddreg [dreg:$0x2]  }
0xa7: {  	s0 =	sadd.s32 @!p0 $0x100000, s0  }
0xa8: {  	[sflag:s0] =	ssyncadd.tile.s32 @!p0 $0x1;
	_ =	shalt  }
.Lfunc_end2:
_tile_overlayer_lowered:
.L_overlay_start_2:
0xa9: {  	(tag) =	ssettag $0x2  }
0xaa: {  	s0 =	rddreg [dreg:$0x0];
	s2 =	stileid.u32  }
0xab: {  	s1 =	rddreg [dreg:$0x1];
	p0 =	sne.s32 s2, $0x0  }
0xac: {  	s3 =	rddreg [dreg:$0x2];
	[bflag:$0x3] =	sbarrier.arrive $0xFFFF;
	s2 =	simm.s32 @!p0 $0x1C06  }
0xad: {  	[timem:s3], [sflag:s2] =	dma.local @!p0 [hbm:s0], s1  }
0xae: {  	s0 =	simm.s32 @!p0 $0x6  }
0xaf: {  	_ =	swait.ge @!p0 [sflag:s0], s1  }
0xb0: {  	s1 =	ssub.s32 @!p0 $0x0, s1;
	[sflag:s0] =	ssyncset.done @!p0 $0x0  }
0xb1: {  	[sflag:s0] =	ssyncadd.s32 @!p0 s1  }
0xb2: {  	[bflag:$0x3] =	sbarrier.arrive $0xFFFF  }
0xb3: {  	_ =	shalt  }

// kernel: kernel.14.cloned.1.call-start
scs
__scs_entry_jumppad:
0x0: {  	(pc) =	sbr.rel $0x88, $3  }
0x1: {  	(tag) =	ssettag $0x0;
	lr =	simm.s32 $0x1  }
0x2: {  	[smem:$0x3F91] =	sst lr;
	_ =	strace $0xD0000000  }
0x3: {  	_ = 	snop  }
0x4: {  	_ = 	snop  }
0x5: {  	_ = 	snop  }
0x6: {  	_ = 	snop  }
0x7: {  	_ = 	snop  }
__scs_overlays_trampoline_lowered:
0x8: {  	[smem:$0x3FA0] =	sst s0  }
0x9: {  	[smem:$0x3FA1] =	sst s1  }
0xa: {  	[smem:$0x3FA2] =	sst s2  }
0xb: {  	[smem:$0x3FA3] =	sst s3  }
0xc: {  	[smem:$0x3FA4] =	sst s4  }
0xd: {  	[smem:$0x3FA5] =	sst s5  }
0xe: {  	[smem:$0x3FA6] =	sst s6  }
0xf: {  	[smem:$0x3FA7] =	sst s7  }
0x10: {  	[smem:$0x3FA8] =	sst s8  }
0x11: {  	[smem:$0x3FA9] =	sst s9;
	s0 =	simm.s32 @!p0 $0x0  }
0x12: {  	s1 =	sld [smem:$0x3F8F];
	s0 =	simm.s32 @p0 $0x1  }
0x13: {  	[smem:$0x3FAA] =	sst s0;
	s0 =	simm.s32 @!p1 $0x0  }
0x14: {  	s2 =	sld [smem:$0x3F8E];
	s0 =	simm.s32 @p1 $0x1  }
0x15: {  	[smem:$0x3FAB] =	sst s0;
	s0 =	simm.s32 @!p2 $0x0  }
0x16: {  	s3 =	sld [smem:$0x3FDB];
	s0 =	simm.s32 @p2 $0x1  }
0x17: {  	s4 =	simm.s32 $0x1BF5;
	[smem:$0x3FAD] =	sst s0  }
0x18: {  	s0 =	sld [smem:$0x3F90];
	_ =	swait.ge [sflag:s4], $0x0  }
0x19: {  	s7 =	sld [smem:$0x3F91]  }
0x1a: {  	s8 =	sadd.s32 $0xFFFFE003, lr  }
0x1b: {  	s9 =	sadd.s32 $0xFFFFFEF7, lr;
	s5 =	simm.s32 $0xFFFFFFFF;
	p2 =	slt.u32 s8, $0xFFFFF086  }
0x1c: {  	p1 =	slt.u32 s9, $0xF7A;
	s5 =	simm.s32 @!p2 $0x0  }
0x1d: {  	s5 =	simm.s32 @p1 $0x1;
	p0 =	seq.s32 s7, s2  }
0x1e: {  	s7 =	smul.u32 @!p0 $0xF7A, s2;
	p2 =	seq.s32 @!p0 s5, $0x0  }
0x1f: {  	s9 =	smul.u32 $0xF7A, s1;
	s8 =	simm.s32 @!p0 $0x1BF5;
	p2 =	por !p2, p0  }
0x20: {  	[sflag:s8] =	ssyncset.s32 @!p0 $0xFFFFF086;
	s6 =	sadd.s32 @!p0 s3, s7;
	s7 =	simm.s32 @!p0 $0x108  }
0x21: {  	s3 =	sadd.s32 s3, s9;
	s6 =	sadd.s32 @!p0 $0x88, s6;
	s7 =	simm.s32 @p2 $0x1082  }
0x22: {  	[simem:s7], [sflag:s8] =	dma.local @!p0 [hbm:s6], $0xF7A  }
0x23: {  	s9 =	sor.u32 $0xD0000000, s2;
	s6 =	simm.s32 $0x108;
	_ =	swait.ge @!p0 [sflag:s8], $0x0  }
0x24: {  	s3 =	sadd.s32 $0x88, s3;
	s6 =	simm.s32 @!p1 $0x1082;
	[sflag:s4] =	ssyncset.s32 $0xFFFFF086  }
0x25: {  	[simem:s6], [sflag:s4] =	dma.local [hbm:s3], $0xF7A  }
0x26: {  	[smem:$0x3F91] =	sst s1;
	(tag) =	ssettag s2;
	_ =	strace s9  }
0x27: {  	s1 =	sld [smem:$0x3FA1]  }
0x28: {  	s2 =	sld [smem:$0x3FA2]  }
0x29: {  	s4 =	sld [smem:$0x3FA4]  }
0x2a: {  	p0 =	seq.s32 s5, $0x0;
	s5 =	sld [smem:$0x3FA5]  }
0x2b: {  	s6 =	sld [smem:$0x3FA6]  }
0x2c: {  	s7 =	sld [smem:$0x3FA7]  }
0x2d: {  	s3 =	simm.s32 $0x108;
	s8 =	sld [smem:$0x3FA8]  }
0x2e: {  	s3 =	simm.s32 @!p0 $0x1082;
	s9 =	sld [smem:$0x3FA9]  }
0x2f: {  	lr =	sadd.s32 s0, s3;
	s0 =	sld [smem:$0x3FA0]  }
0x30: {  	s3 =	sld [smem:$0x3FA3]  }
0x31: {  	[smem:$0x3FAC] =	sst s10  }
0x32: {  	s10 =	sld [smem:$0x3FAA];
	_ =	sdelay $0x3  }
0x33: {  	p0 =	seq.s32 s10, $0x1;
	s10 =	sld [smem:$0x3FAC];
	_ =	sdelay $0x3  }
0x34: {  	[smem:$0x3FAC] =	sst s10  }
0x35: {  	s10 =	sld [smem:$0x3FAB];
	_ =	sdelay $0x3  }
0x36: {  	p1 =	seq.s32 s10, $0x1;
	s10 =	sld [smem:$0x3FAC];
	_ =	sdelay $0x3  }
0x37: {  	[smem:$0x3FAC] =	sst s10  }
0x38: {  	s10 =	sld [smem:$0x3FAD]  }
0x39: {  	_ = 	snop;
	(pc) =	sbr.ind lr, $3  }
0x3a: {  	_ = 	snop  }
0x3b: {  	_ = 	snop  }
0x3c: {  	p2 =	seq.s32 s10, $0x1;
	s10 =	sld [smem:$0x3FAC]  }
0x3d: {  	_ =	shalt  }
0x3e: {  	_ =	shalt  }
0x3f: {  	_ =	shalt  }
0x40: {  	_ =	shalt  }
0x41: {  	_ =	shalt  }
0x42: {  	_ =	shalt  }
0x43: {  	_ =	shalt  }
0x44: {  	_ =	shalt  }
0x45: {  	_ =	shalt  }
0x46: {  	_ =	shalt  }
0x47: {  	_ =	shalt  }
0x48: {  	_ =	shalt  }
0x49: {  	_ =	shalt  }
0x4a: {  	_ =	shalt  }
0x4b: {  	_ =	shalt  }
0x4c: {  	_ =	shalt  }
0x4d: {  	_ =	shalt  }
0x4e: {  	_ =	shalt  }
0x4f: {  	_ =	shalt  }
0x50: {  	_ =	shalt  }
0x51: {  	_ =	shalt  }
0x52: {  	_ =	shalt  }
0x53: {  	_ =	shalt  }
0x54: {  	_ =	shalt  }
0x55: {  	_ =	shalt  }
0x56: {  	_ =	shalt  }
0x57: {  	_ =	shalt  }
0x58: {  	_ =	shalt  }
0x59: {  	_ =	shalt  }
0x5a: {  	_ =	shalt  }
0x5b: {  	_ =	shalt  }
0x5c: {  	_ =	shalt  }
0x5d: {  	_ =	shalt  }
0x5e: {  	_ =	shalt  }
0x5f: {  	_ =	shalt  }
0x60: {  	_ =	shalt  }
0x61: {  	_ =	shalt  }
0x62: {  	_ =	shalt  }
0x63: {  	_ =	shalt  }
0x64: {  	_ =	shalt  }
0x65: {  	_ =	shalt  }
0x66: {  	_ =	shalt  }
0x67: {  	_ =	shalt  }
0x68: {  	_ =	shalt  }
0x69: {  	_ =	shalt  }
0x6a: {  	_ =	shalt  }
0x6b: {  	_ =	shalt  }
0x6c: {  	_ =	shalt  }
0x6d: {  	_ =	shalt  }
0x6e: {  	_ =	shalt  }
0x6f: {  	_ =	shalt  }
0x70: {  	_ =	shalt  }
0x71: {  	_ =	shalt  }
0x72: {  	_ =	shalt  }
0x73: {  	_ =	shalt  }
0x74: {  	_ =	shalt  }
0x75: {  	_ =	shalt  }
0x76: {  	_ =	shalt  }
0x77: {  	_ =	shalt  }
0x78: {  	_ =	shalt  }
0x79: {  	_ =	shalt  }
0x7a: {  	_ =	shalt  }
0x7b: {  	_ =	shalt  }
0x7c: {  	_ =	shalt  }
0x7d: {  	_ =	shalt  }
0x7e: {  	_ =	shalt  }
0x7f: {  	_ =	shalt  }
0x80: {  	_ =	shalt  }
0x81: {  	_ =	shalt  }
0x82: {  	_ =	shalt  }
0x83: {  	_ =	shalt  }
0x84: {  	_ =	shalt  }
0x85: {  	_ =	shalt  }
0x86: {  	_ =	shalt  }
0x87: {  	_ =	shalt  }
.Lfunc_end0:
.L_simem_size_0:
called_computation.2_lowered:
.L_overlay_start_0:
0x88: {  	s2 =	sld [smem:$0x3FD9]  }
0x89: {  	s3 =	sld [smem:$0x3FFE];
	_ =	sdelay $0x1  }
0x8a: {  	s1 =	srdreg.scid  }
0x8b: {  	s0 =	sand.u32 $0x1, s1  }
0x8c: {  	s16 =	sshll.u32 s0, $0xA;
	s2 =	sadd.s32 s3, s2  }
0x8d: {  	s2 =	sadd.s32 s2, s16  }
0x8e: {  	[smem:$0x3FB8] =	sst s2  }
0x8f: {  	_ = 	snop  }
0x90: {  	(tm) =	ssettm $0x1  }
0x91: {  	s17 =	sld [smem:$0x3FFB];
	_ =	sdelay $0x3  }
0x92: {  	_ =	strace s17  }
0x93: {  	s2 =	sld [smem:$0x3FFC];
	_ =	sdelay $0x3  }
0x94: {  	_ =	strace s2  }
0x95: {  	s2 =	sld [smem:$0x3FFD];
	_ =	sdelay $0x3  }
0x96: {  	_ =	strace s2  }
0x97: {  	_ =	strace $0x8FFFFFFF  }
0x98: {  	s18 =	sld [smem:$0x3FDB];
	_ =	sdelay $0x1  }
0x99: {  	s19 =	simm.s32 $_scs_section_size  }
0x9a: {  	s4 =	simm.s32 $_size__tile_overlayer_lowered;
	s5 =	simm.s32 $_tile_overlayer_lowered  }
0x9b: {  	s22 =	simm.s32 $0x1BFF;
	s21 =	sshll.u32 s5, $0x1;
	s2 =	sadd.s32 s19, s18  }
0x9c: {  	s6 =	simm.s32 $0x0;
	s20 =	sshll.u32 s4, $0x1;
	s4 =	sadd.s32 s21, s2  }
0x9d: {  	[timem:s6], [sflag:s22] =	dma.local [hbm:s4], s20  }
0x9e: {  	_ =	swait.ge [sflag:s22], s20  }
0x9f: {  	s3 =	ssub.s32 $0x0, s20;
	[sflag:s22] =	ssyncset.done $0x0  }
0xa0: {  	[sflag:s22] =	ssyncadd.s32 s3;
	_ =	sdelay $0x1  }
0xa1: {  	s23 =	simm.s32 $0x1B8B  }
0xa2: {  	_ =	swait.ge [sflag:s23], $0x1  }
0xa3: {  	[sflag:s23] =	ssyncset.done $0x0  }
0xa4: {  	s25 =	simm.s32 $0x1B8E;
	s24 =	sld [smem:$0x3FFE];
	[sflag:s23] =	ssyncadd.s32 $0xFFFFFFFF  }
0xa5: {  	s26 =	simm.s32 $execute0_lowered;
	[smem:$0x3FD2] =	sst s25  }
0xa6: {  	s4 =	sshll.u32 s26, $0x1;
	_ =	strace $0x8000004C;
	[dreg:$0x1] =	wrdreg $0xFFFFFFFF  }
0xa7: {  	s28 =	simm.s32 $_size_execute0_lowered;
	s2 =	sadd.s32 s2, s4;
	[dreg:$0x0] =	wrdreg $0x0  }
0xa8: {  	s4 =	sshll.u32 s28, $0x1;
	[dreg:$0x2] =	wrdreg s2  }
0xa9: {  	[dreg:$0x3] =	wrdreg s4  }
0xaa: {  	[dreg:$0x4] =	wrdreg $0xC0  }
0xab: {  	_ =	task [dreg:s6], $0x5FFFF  }
0xac: {  	[dreg:$0x1] =	wrdreg $0xFFFFFFFF  }
0xad: {  	[dreg:$0x0] =	wrdreg $0x60  }
0xae: {  	[dreg:$0x2] =	wrdreg s24  }
0xaf: {  	[dreg:$0x3] =	wrdreg $0xB2200  }
0xb0: {  	[dreg:$0x4] =	wrdreg $0x9  }
0xb1: {  	_ =	task.clear_ibuf [dreg:s6], $0x5FFFF;
	_ =	strace $0x9000004C  }
0xb2: {  	s29 =	simm.s32 $0x9;
	_ =	strace $0x8000004E  }
0xb3: {  	_ =	swait.ge [sflag:s29], $0x1  }
0xb4: {  	[sflag:s29] =	ssyncadd.s32 $0xFFFFFFFF  }
0xb5: {  	_ =	strace $0x9000004E  }
0xb6: {  	_ =	sfence  }
0xb7: {  	s30 =	sld [smem:$0x0];
	_ =	sdelay $0x2  }
0xb8: {  	s31 =	sshll.u32 s1, $0xD;
	s1 =	sshrl.u32 s1, $0x2  }
0xb9: {  	s3 =	sand.u32 $0x4000, s31;
	s1 =	sadd.s32 s1, s30  }
0xba: {  	s0 =	sor.u32 s3, s0;
	s1 =	sshll.u32 s1, $0x11  }
0xbb: {  	s0 =	sor.u32 s1, s0  }
0xbc: {  	s0 =	sadd.s32 $0x8F2B, s0  }
0xbd: {  	[sflag:s0] =	ssyncadd.remote.s32 $0x1  }
0xbe: {  	_ =	sfence.sel $0xFFFF  }
0xbf: {  	[dreg:$0x0] =	wrdreg $0xFFFFFFFF;
	(pc) =	sbr.abs _section_cstart, $3  }
0xc0: {  	[dreg:$0x1] =	wrdreg $0xFFFFFFFF  }
0xc1: {  	_ =	task.clear_ibuf [dreg:s6], $0x2FFFF;
	_ =	strace $0x9FFFFFFF  }
0xc2: {  	(tm) =	ssettm $0x7FFFFFFF  }
0xc3: {  	_ =	shalt  }
tec
execute0_lowered:
.L_overlay_start_1:
0x0: {  	(tag) =	ssettag $0x1  }
0x1: {  	s0 =	srdreg.scid;
	s1 =	rddreg [dreg:$0x0]  }
0x2: {  	s2 =	rddreg [dreg:$0x1];
	s18 =	stileid.u32  }
0x3: {  	s3 =	simm.s32 $0x0;
	s11 =	simm.s32 $0x28;
	s12 =	simm.s32 $0x4E20  }
0x4: {  	s13 =	simm.s32 $0x6220;
	s15 =	simm.s32 $0x7620;
	s17 =	simm.s32 $0x8A20  }
0x5: {  	s19 =	simm.s32 $0x9E20;
	s22 =	simm.s32 $0x1;
	s24 =	simm.s32 $0x2  }
0x6: {  	s26 =	simm.s32 $0x3;
	s28 =	simm.s32 $0x4;
	s29 =	simm.s32 $0x5  }
0x7: {  	s31 =	simm.s32 $0x4D80;
	s0 =	sand.u32 $0x1, s0;
	s9 =	smul.u32 $0x7D000, s18  }
0x8: {  	[smem:$0x7FF] =	sst s3;
	s30 =	smul.u32 $0x1F400, s18;
	p0 =	sgt.u32 s18, $0x9  }
0x9: {  	s4 =	sshll.u32 s0, $0x4;
	s6 =	smul.u32 $0x27100, s0;
	s0 =	ssub.s32 $0x2, s0  }
0xa: {  	_ =	strace $0x8000004D;
	s4 =	sor.u32 s18, s4;
	s8 =	sshrl.u32 s0, $0x1  }
0xb: {  	s9 =	sshrl.u32 s9, $0x2;
	s14 =	sshrl.u32 s30, $0x3;
	s16 =	sadd.s32 s30, s2  }
0xc: {  	s5 =	smul.u32 $0x4E2, s4;
	s4 =	sadd.s32 $0x66000, s1;
	s0 =	ssub.s32 s0, s8  }
0xd: {  	s10 =	sadd.s32 s9, s2;
	s9 =	simm.s32 $0x6;
	s25 =	sshrl.u32 @!p0 s16, $0x3  }
0xe: {  	s8 =	smax.u32 s0, $0x1;
	s0 =	sshll.u32 @!p0 s18, $0x6;
	s21 =	sshrl.u32 @!p0 s10, $0x3  }
0xf: {  	s10 =	simm.s32 $0x4DF8;
	s7 =	sadd.s32 s5, s1;
	s5 =	sadd.s32 $0x8D200, s1  }
0x10: {  	s1 =	sadd.s32 s6, s1;
	s20 =	sor.u32 @!p0 $0x1C06, s0;
	s0 =	simm.s32 $0x4DA8  }
0x11: {  	s6 =	sadd.s32 $0x4200, s7;
	s7 =	sadd.s32 $0xE000, s7;
	s1 =	sadd.s32 $0x91200, s1  }
0x12: {  	s23 =	sadd.s32 @!p0 s14, s1;
	s1 =	simm.s32 $0x4DD0;
	s14 =	simm.s32 $0x0  }
.LBB2_1:
0x13: {  	[tilespmem:s3], [sflag:$0x6] =	stream.linear.gather [hbm4b:s6+s3], $0x2710, $0x38;
	[tilespmem:$0x1EAA0] =	vst v63  }
0x14: {  	_ =	swait.ge [sflag:s9], $0x2710  }
0x15: {  	[sflag:s9] =	ssyncset.done $0x0  }
0x16: {  	s16 =	simm.s32 $0x2710;
	[sflag:s9] =	ssyncadd.s32 $0xFFFFD8F0  }
0x17: {  	[tilespmem:s16], [sflag:$0x6] =	stream.linear.gather [hbm4b:s7+s3], $0x2710, $0x38;
	[tilespmem:$0x1EAA0] =	vst v63  }
0x18: {  	_ =	swait.ge [sflag:s9], $0x2710  }
0x19: {  	[sflag:s9] =	ssyncset.done $0x0  }
0x1a: {  	[sflag:s9] =	ssyncadd.s32 $0xFFFFD8F0  }
0x1b: {  	[tilespmem:s12], [sflag:$0x1] =	stream.indirect.gather [hbm4b:s4+s11], $0x80, s3, s11, $0xb8;
	[tilespmem:$0x1EAA0] =	vst v63  }
0x1c: {  	_ = 	snop  }
0x1d: {  	[tilespmem:s13], [sflag:$0x2] =	stream.indirect.gather [hbm4b:s4+s11], $0x80, s11, s11, $0xb8;
	[tilespmem:$0x1EAA0] =	vst v63  }
0x1e: {  	s18 =	simm.s32 $0x50  }
0x1f: {  	[tilespmem:s15], [sflag:$0x3] =	stream.indirect.gather [hbm4b:s4+s11], $0x80, s18, s11, $0xb8;
	[tilespmem:$0x1EAA0] =	vst v63  }
0x20: {  	s30 =	simm.s32 $0x78  }
0x21: {  	[tilespmem:s17], [sflag:$0x4] =	stream.indirect.gather [hbm4b:s4+s11], $0x80, s30, s11, $0xb8;
	[tilespmem:$0x1EAA0] =	vst v63  }
0x22: {  	s16 =	simm.s32 @!p0 $0x6;
	s18 =	simm.s32 $0xA0  }
0x23: {  	[tilespmem:s19], [sflag:$0x5] =	stream.indirect.gather [hbm4b:s4+s11], $0x80, s18, s11, $0xb8;
	[tilespmem:$0x1EAA0] =	vst v63  }
0x24: {  	[spmem:s21], [sflag:s20] =	dma.local @!p0 [hbm:s5], $0x3E80  }
0x25: {  	_ =	swait.ge @!p0 [sflag:s16], $0x3E80  }
0x26: {  	[sflag:s16] =	ssyncset.done @!p0 $0x0  }
0x27: {  	[sflag:s16] =	ssyncadd.s32 @!p0 $0xFFFFC180  }
0x28: {  	[bflag:$0x0] =	sbarrier.arrive $0xFFFF  }
0x29: {  	_ =	swait.ge [sflag:s22], $0x1400  }
0x2a: {  	[sflag:s22] =	ssyncset.done $0x0  }
0x2b: {  	s30 =	simm.s32 $0x2710;
	[sflag:s22] =	ssyncadd.s32 $0xFFFFEC00  }
0x2c: {  	[spmem:s2] =	stream.indirect.scatter.add.f32 [tilespmem:s12], [sflag:$0x6], $0x80, s30, s11, $0xb8;
	[tilespmem:$0x1EAA0] =	vst v63  }
0x2d: {  	_ =	swait.ge [sflag:s9], $0x1400  }
0x2e: {  	[sflag:s9] =	ssyncset.done $0x0  }
0x2f: {  	s18 =	simm.s32 $0xC8;
	[sflag:s9] =	ssyncadd.s32 $0xFFFFEC00  }
0x30: {  	[tilespmem:s12], [sflag:$0x1] =	stream.indirect.gather [hbm4b:s4+s11], $0x80, s18, s11, $0xb8;
	[tilespmem:$0x1EAA0] =	vst v63  }
0x31: {  	_ =	swait.ge [sflag:s24], $0x1400  }
0x32: {  	[sflag:s24] =	ssyncset.done $0x0  }
0x33: {  	s30 =	simm.s32 $0x2738;
	[sflag:s24] =	ssyncadd.s32 $0xFFFFEC00  }
0x34: {  	[spmem:s2] =	stream.indirect.scatter.add.f32 [tilespmem:s13], [sflag:$0x6], $0x80, s30, s11, $0xb8;
	[tilespmem:$0x1EAA0] =	vst v63  }
0x35: {  	_ =	swait.ge [sflag:s9], $0x1400  }
0x36: {  	[sflag:s9] =	ssyncset.done $0x0  }
0x37: {  	s18 =	simm.s32 $0xF0;
	[sflag:s9] =	ssyncadd.s32 $0xFFFFEC00  }
0x38: {  	[tilespmem:s13], [sflag:$0x2] =	stream.indirect.gather [hbm4b:s4+s11], $0x80, s18, s11, $0xb8;
	[tilespmem:$0x1EAA0] =	vst v63  }
0x39: {  	_ =	swait.ge [sflag:s26], $0x1400  }
0x3a: {  	[sflag:s26] =	ssyncset.done $0x0  }
0x3b: {  	s30 =	simm.s32 $0x2760;
	[sflag:s26] =	ssyncadd.s32 $0xFFFFEC00  }
0x3c: {  	[spmem:s2] =	stream.indirect.scatter.add.f32 [tilespmem:s15], [sflag:$0x6], $0x80, s30, s11, $0xb8;
	[tilespmem:$0x1EAA0] =	vst v63  }
0x3d: {  	_ =	swait.ge [sflag:s9], $0x1400  }
0x3e: {  	[sflag:s9] =	ssyncset.done $0x0  }
0x3f: {  	s18 =	simm.s32 $0x118;
	[sflag:s9] =	ssyncadd.s32 $0xFFFFEC00  }
0x40: {  	[tilespmem:s15], [sflag:$0x3] =	stream.indirect.gather [hbm4b:s4+s11], $0x80, s18, s11, $0xb8;
	[tilespmem:$0x1EAA0] =	vst v63  }
0x41: {  	_ =	swait.ge [sflag:s28], $0x1400  }
0x42: {  	[sflag:s28] =	ssyncset.done $0x0  }
0x43: {  	s30 =	simm.s32 $0x2788;
	[sflag:s28] =	ssyncadd.s32 $0xFFFFEC00  }
0x44: {  	[spmem:s2] =	stream.indirect.scatter.add.f32 [tilespmem:s17], [sflag:$0x6], $0x80, s30, s11, $0xb8;
	[tilespmem:$0x1EAA0] =	vst v63  }
0x45: {  	_ =	swait.ge [sflag:s9], $0x1400  }
0x46: {  	[sflag:s9] =	ssyncset.done $0x0  }
0x47: {  	s18 =	simm.s32 $0x140;
	[sflag:s9] =	ssyncadd.s32 $0xFFFFEC00  }
0x48: {  	[tilespmem:s17], [sflag:$0x4] =	stream.indirect.gather [hbm4b:s4+s11], $0x80, s18, s11, $0xb8;
	[tilespmem:$0x1EAA0] =	vst v63  }
0x49: {  	_ =	swait.ge [sflag:s29], $0x1400  }
0x4a: {  	[sflag:s29] =	ssyncset.done $0x0  }
0x4b: {  	s30 =	simm.s32 $0x27B0;
	[sflag:s29] =	ssyncadd.s32 $0xFFFFEC00  }
0x4c: {  	[spmem:s2] =	stream.indirect.scatter.add.f32 [tilespmem:s19], [sflag:$0x6], $0x80, s30, s11, $0xb8;
	[tilespmem:$0x1EAA0] =	vst v63  }
0x4d: {  	_ =	swait.ge [sflag:s9], $0x1400  }
0x4e: {  	[sflag:s9] =	ssyncset.done $0x0  }
0x4f: {  	s16 =	simm.s32 $0x320;
	s18 =	simm.s32 $0x168;
	[sflag:s9] =	ssyncadd.s32 $0xFFFFEC00  }
.LBB2_2:
0x50: {  	[tilespmem:s19], [sflag:$0x5] =	stream.indirect.gather [hbm4b:s4+s11], $0x80, s18, s11, $0xb8;
	[tilespmem:$0x1EAA0] =	vst v63  }
0x51: {  	s18 =	smov.u32 s16  }
0x52: {  	p1 =	sne.s32 s16, $0x9600;
	s16 =	sadd.s32 $0x320, s16;
	_ =	swait.ge [sflag:s22], $0x1400  }
0x53: {  	s18 =	sshra.s32 s18, $0x2;
	[sflag:s22] =	ssyncset.done $0x0  }
0x54: {  	s30 =	sadd.s32 $0x2710, s18;
	[sflag:s22] =	ssyncadd.s32 $0xFFFFEC00  }
0x55: {  	[spmem:s2] =	stream.indirect.scatter.add.f32 [tilespmem:s12], [sflag:$0x6], $0x80, s30, s11, $0xb8;
	[tilespmem:$0x1EAA0] =	vst v63  }
0x56: {  	_ =	swait.ge [sflag:s9], $0x1400  }
0x57: {  	[sflag:s9] =	ssyncset.done $0x0  }
0x58: {  	s30 =	sadd.s32 $0xC8, s18;
	[sflag:s9] =	ssyncadd.s32 $0xFFFFEC00  }
0x59: {  	[tilespmem:s12], [sflag:$0x1] =	stream.indirect.gather [hbm4b:s4+s11], $0x80, s30, s11, $0xb8;
	[tilespmem:$0x1EAA0] =	vst v63  }
0x5a: {  	_ =	swait.ge [sflag:s24], $0x1400  }
0x5b: {  	[sflag:s24] =	ssyncset.done $0x0  }
0x5c: {  	s30 =	sadd.s32 $0x2738, s18;
	[sflag:s24] =	ssyncadd.s32 $0xFFFFEC00  }
0x5d: {  	[spmem:s2] =	stream.indirect.scatter.add.f32 [tilespmem:s13], [sflag:$0x6], $0x80, s30, s11, $0xb8;
	[tilespmem:$0x1EAA0] =	vst v63  }
0x5e: {  	_ =	swait.ge [sflag:s9], $0x1400  }
0x5f: {  	[sflag:s9] =	ssyncset.done $0x0  }
0x60: {  	s30 =	sadd.s32 $0xF0, s18;
	[sflag:s9] =	ssyncadd.s32 $0xFFFFEC00  }
0x61: {  	[tilespmem:s13], [sflag:$0x2] =	stream.indirect.gather [hbm4b:s4+s11], $0x80, s30, s11, $0xb8;
	[tilespmem:$0x1EAA0] =	vst v63  }
0x62: {  	_ =	swait.ge [sflag:s26], $0x1400  }
0x63: {  	[sflag:s26] =	ssyncset.done $0x0  }
0x64: {  	s30 =	sadd.s32 $0x2760, s18;
	[sflag:s26] =	ssyncadd.s32 $0xFFFFEC00  }
0x65: {  	[spmem:s2] =	stream.indirect.scatter.add.f32 [tilespmem:s15], [sflag:$0x6], $0x80, s30, s11, $0xb8;
	[tilespmem:$0x1EAA0] =	vst v63  }
0x66: {  	_ =	swait.ge [sflag:s9], $0x1400  }
0x67: {  	[sflag:s9] =	ssyncset.done $0x0  }
0x68: {  	s30 =	sadd.s32 $0x118, s18;
	[sflag:s9] =	ssyncadd.s32 $0xFFFFEC00  }
0x69: {  	[tilespmem:s15], [sflag:$0x3] =	stream.indirect.gather [hbm4b:s4+s11], $0x80, s30, s11, $0xb8;
	[tilespmem:$0x1EAA0] =	vst v63  }
0x6a: {  	_ =	swait.ge [sflag:s28], $0x1400  }
0x6b: {  	[sflag:s28] =	ssyncset.done $0x0  }
0x6c: {  	s30 =	sadd.s32 $0x2788, s18;
	[sflag:s28] =	ssyncadd.s32 $0xFFFFEC00  }
0x6d: {  	[spmem:s2] =	stream.indirect.scatter.add.f32 [tilespmem:s17], [sflag:$0x6], $0x80, s30, s11, $0xb8;
	[tilespmem:$0x1EAA0] =	vst v63  }
0x6e: {  	_ =	swait.ge [sflag:s9], $0x1400  }
0x6f: {  	[sflag:s9] =	ssyncset.done $0x0  }
0x70: {  	s30 =	sadd.s32 $0x140, s18;
	[sflag:s9] =	ssyncadd.s32 $0xFFFFEC00  }
0x71: {  	[tilespmem:s17], [sflag:$0x4] =	stream.indirect.gather [hbm4b:s4+s11], $0x80, s30, s11, $0xb8;
	[tilespmem:$0x1EAA0] =	vst v63  }
0x72: {  	_ =	swait.ge [sflag:s29], $0x1400  }
0x73: {  	[sflag:s29] =	ssyncset.done $0x0  }
.Ltmp0:
0x74: {  	s30 =	sadd.s32 $0x27B0, s18;
	[sflag:s29] =	ssyncadd.s32 $0xFFFFEC00;
	(pc) =	sbr.rel @p1 .LBB2_2-.Ltmp0, $4  }
0x75: {  	[spmem:s2] =	stream.indirect.scatter.add.f32 [tilespmem:s19], [sflag:$0x6], $0x80, s30, s11, $0xb8;
	[tilespmem:$0x1EAA0] =	vst v63  }
0x76: {  	_ =	swait.ge [sflag:s9], $0x1400  }
0x77: {  	[sflag:s9] =	ssyncset.done $0x0  }
0x78: {  	s18 =	sadd.s32 $0x168, s18;
	[sflag:s9] =	ssyncadd.s32 $0xFFFFEC00  }
0x79: {  	[tilespmem:s19], [sflag:$0x5] =	stream.indirect.gather [hbm4b:s4+s11], $0x80, s18, s11, $0xb8;
	[tilespmem:$0x1EAA0] =	vst v63  }
0x7a: {  	_ =	swait.ge [sflag:s22], $0x1400  }
0x7b: {  	[sflag:s22] =	ssyncset.done $0x0  }
0x7c: {  	s16 =	simm.s32 $0x4D58;
	[sflag:s22] =	ssyncadd.s32 $0xFFFFEC00  }
0x7d: {  	[spmem:s2] =	stream.indirect.scatter.add.f32 [tilespmem:s12], [sflag:$0x6], $0x80, s16, s11, $0xb8;
	[tilespmem:$0x1EAA0] =	vst v63  }
0x7e: {  	_ =	swait.ge [sflag:s9], $0x1400  }
0x7f: {  	[sflag:s9] =	ssyncset.done $0x0  }
0x80: {  	[sflag:s9] =	ssyncadd.s32 $0xFFFFEC00  }
0x81: {  	_ =	swait.ge [sflag:s24], $0x1400  }
0x82: {  	[sflag:s24] =	ssyncset.done $0x0  }
0x83: {  	[sflag:s24] =	ssyncadd.s32 $0xFFFFEC00  }
0x84: {  	[spmem:s2] =	stream.indirect.scatter.add.f32 [tilespmem:s13], [sflag:$0x6], $0x80, s31, s11, $0xb8;
	[tilespmem:$0x1EAA0] =	vst v63  }
0x85: {  	_ =	swait.ge [sflag:s9], $0x1400  }
0x86: {  	[sflag:s9] =	ssyncset.done $0x0  }
0x87: {  	[sflag:s9] =	ssyncadd.s32 $0xFFFFEC00  }
0x88: {  	_ =	swait.ge [sflag:s26], $0x1400  }
0x89: {  	[sflag:s26] =	ssyncset.done $0x0  }
0x8a: {  	[sflag:s26] =	ssyncadd.s32 $0xFFFFEC00  }
0x8b: {  	[spmem:s2] =	stream.indirect.scatter.add.f32 [tilespmem:s15], [sflag:$0x6], $0x80, s0, s11, $0xb8;
	[tilespmem:$0x1EAA0] =	vst v63  }
0x8c: {  	_ =	swait.ge [sflag:s9], $0x1400  }
0x8d: {  	[sflag:s9] =	ssyncset.done $0x0  }
0x8e: {  	[sflag:s9] =	ssyncadd.s32 $0xFFFFEC00  }
0x8f: {  	_ =	swait.ge [sflag:s28], $0x1400  }
0x90: {  	[sflag:s28] =	ssyncset.done $0x0  }
0x91: {  	[sflag:s28] =	ssyncadd.s32 $0xFFFFEC00  }
0x92: {  	[spmem:s2] =	stream.indirect.scatter.add.f32 [tilespmem:s17], [sflag:$0x6], $0x80, s1, s11, $0xb8;
	[tilespmem:$0x1EAA0] =	vst v63  }
0x93: {  	_ =	swait.ge [sflag:s9], $0x1400  }
0x94: {  	[sflag:s9] =	ssyncset.done $0x0  }
0x95: {  	[sflag:s9] =	ssyncadd.s32 $0xFFFFEC00  }
0x96: {  	_ =	swait.ge [sflag:s29], $0x1400  }
0x97: {  	[sflag:s29] =	ssyncset.done $0x0  }
0x98: {  	[sflag:s29] =	ssyncadd.s32 $0xFFFFEC00  }
0x99: {  	[spmem:s2] =	stream.indirect.scatter.add.f32 [tilespmem:s19], [sflag:$0x6], $0x80, s10, s11, $0xb8;
	[tilespmem:$0x1EAA0] =	vst v63  }
0x9a: {  	_ =	swait.ge [sflag:s9], $0x1400  }
0x9b: {  	s14 =	sadd.s32 $0x1, s14;
	[sflag:s9] =	ssyncset.done $0x0  }
0x9c: {  	p1 =	sne.s32 s14, s8;
	[sflag:s9] =	ssyncadd.s32 $0xFFFFEC00  }
.Ltmp1:
0x9d: {  	s16 =	simm.s32 @!p0 $0x6;
	[bflag:$0x0] =	sbarrier.arrive $0xFFFF;
	(pc) =	sbr.rel @p1 .LBB2_1-.Ltmp1, $4  }
0x9e: {  	[hbm:s23], [sflag:s20] =	dma.local @!p0 [spmem:s25], $0x3E80  }
0x9f: {  	_ =	swait.ge @!p0 [sflag:s16], $0x3E80  }
0xa0: {  	[sflag:s16] =	ssyncset.done @!p0 $0x0  }
0xa1: {  	[sflag:s16] =	ssyncadd.s32 @!p0 $0xFFFFC180  }
0xa2: {  	_ =	sfence.sel $0x180000  }
0xa3: {  	[bflag:$0x0] =	sbarrier.arrive $0xFFFF  }
0xa4: {  	_ =	strace $0x9000004D  }
0xa5: {  	s0 =	stileid.u32;
	[bflag:$0x2] =	sbarrier.arrive $0xFFFF  }
0xa6: {  	p0 =	sne.s32 s0, $0x0;
	s0 =	rddreg [dreg:$0x2]  }
0xa7: {  	s0 =	sadd.s32 @!p0 $0x100000, s0  }
0xa8: {  	[sflag:s0] =	ssyncadd.tile.s32 @!p0 $0x1;
	_ =	shalt  }
.Lfunc_end2:
_tile_overlayer_lowered:
.L_overlay_start_2:
0xa9: {  	(tag) =	ssettag $0x2  }
0xaa: {  	s0 =	rddreg [dreg:$0x0];
	s2 =	stileid.u32  }
0xab: {  	s1 =	rddreg [dreg:$0x1];
	p0 =	sne.s32 s2, $0x0  }
0xac: {  	s3 =	rddreg [dreg:$0x2];
	[bflag:$0x3] =	sbarrier.arrive $0xFFFF;
	s2 =	simm.s32 @!p0 $0x1C06  }
0xad: {  	[timem:s3], [sflag:s2] =	dma.local @!p0 [hbm:s0], s1  }
0xae: {  	s0 =	simm.s32 @!p0 $0x6  }
0xaf: {  	_ =	swait.ge @!p0 [sflag:s0], s1  }
0xb0: {  	s1 =	ssub.s32 @!p0 $0x0, s1;
	[sflag:s0] =	ssyncset.done @!p0 $0x0  }
0xb1: {  	[sflag:s0] =	ssyncadd.s32 @!p0 s1  }
0xb2: {  	[bflag:$0x3] =	sbarrier.arrive $0xFFFF  }
0xb3: {  	_ =	shalt  }

// kernel: kernel.8.cloned.1.call-start
scs
__scs_entry_jumppad:
0x0: {  	(pc) =	sbr.rel $0x88, $3  }
0x1: {  	(tag) =	ssettag $0x0;
	lr =	simm.s32 $0x1  }
0x2: {  	[smem:$0x3F91] =	sst lr;
	_ =	strace $0xD0000000  }
0x3: {  	_ = 	snop  }
0x4: {  	_ = 	snop  }
0x5: {  	_ = 	snop  }
0x6: {  	_ = 	snop  }
0x7: {  	_ = 	snop  }
__scs_overlays_trampoline_lowered:
0x8: {  	[smem:$0x3FA0] =	sst s0  }
0x9: {  	[smem:$0x3FA1] =	sst s1  }
0xa: {  	[smem:$0x3FA2] =	sst s2  }
0xb: {  	[smem:$0x3FA3] =	sst s3  }
0xc: {  	[smem:$0x3FA4] =	sst s4  }
0xd: {  	[smem:$0x3FA5] =	sst s5  }
0xe: {  	[smem:$0x3FA6] =	sst s6  }
0xf: {  	[smem:$0x3FA7] =	sst s7  }
0x10: {  	[smem:$0x3FA8] =	sst s8  }
0x11: {  	[smem:$0x3FA9] =	sst s9;
	s0 =	simm.s32 @!p0 $0x0  }
0x12: {  	s1 =	sld [smem:$0x3F8F];
	s0 =	simm.s32 @p0 $0x1  }
0x13: {  	[smem:$0x3FAA] =	sst s0;
	s0 =	simm.s32 @!p1 $0x0  }
0x14: {  	s2 =	sld [smem:$0x3F8E];
	s0 =	simm.s32 @p1 $0x1  }
0x15: {  	[smem:$0x3FAB] =	sst s0;
	s0 =	simm.s32 @!p2 $0x0  }
0x16: {  	s3 =	sld [smem:$0x3FDB];
	s0 =	simm.s32 @p2 $0x1  }
0x17: {  	s4 =	simm.s32 $0x1BF5;
	[smem:$0x3FAD] =	sst s0  }
0x18: {  	s0 =	sld [smem:$0x3F90];
	_ =	swait.ge [sflag:s4], $0x0  }
0x19: {  	s7 =	sld [smem:$0x3F91]  }
0x1a: {  	s8 =	sadd.s32 $0xFFFFE003, lr  }
0x1b: {  	s9 =	sadd.s32 $0xFFFFFEF7, lr;
	s5 =	simm.s32 $0xFFFFFFFF;
	p2 =	slt.u32 s8, $0xFFFFF086  }
0x1c: {  	p1 =	slt.u32 s9, $0xF7A;
	s5 =	simm.s32 @!p2 $0x0  }
0x1d: {  	s5 =	simm.s32 @p1 $0x1;
	p0 =	seq.s32 s7, s2  }
0x1e: {  	s7 =	smul.u32 @!p0 $0xF7A, s2;
	p2 =	seq.s32 @!p0 s5, $0x0  }
0x1f: {  	s9 =	smul.u32 $0xF7A, s1;
	s8 =	simm.s32 @!p0 $0x1BF5;
	p2 =	por !p2, p0  }
0x20: {  	[sflag:s8] =	ssyncset.s32 @!p0 $0xFFFFF086;
	s6 =	sadd.s32 @!p0 s3, s7;
	s7 =	simm.s32 @!p0 $0x108  }
0x21: {  	s3 =	sadd.s32 s3, s9;
	s6 =	sadd.s32 @!p0 $0x88, s6;
	s7 =	simm.s32 @p2 $0x1082  }
0x22: {  	[simem:s7], [sflag:s8] =	dma.local @!p0 [hbm:s6], $0xF7A  }
0x23: {  	s9 =	sor.u32 $0xD0000000, s2;
	s6 =	simm.s32 $0x108;
	_ =	swait.ge @!p0 [sflag:s8], $0x0  }
0x24: {  	s3 =	sadd.s32 $0x88, s3;
	s6 =	simm.s32 @!p1 $0x1082;
	[sflag:s4] =	ssyncset.s32 $0xFFFFF086  }
0x25: {  	[simem:s6], [sflag:s4] =	dma.local [hbm:s3], $0xF7A  }
0x26: {  	[smem:$0x3F91] =	sst s1;
	(tag) =	ssettag s2;
	_ =	strace s9  }
0x27: {  	s1 =	sld [smem:$0x3FA1]  }
0x28: {  	s2 =	sld [smem:$0x3FA2]  }
0x29: {  	s4 =	sld [smem:$0x3FA4]  }
0x2a: {  	p0 =	seq.s32 s5, $0x0;
	s5 =	sld [smem:$0x3FA5]  }
0x2b: {  	s6 =	sld [smem:$0x3FA6]  }
0x2c: {  	s7 =	sld [smem:$0x3FA7]  }
0x2d: {  	s3 =	simm.s32 $0x108;
	s8 =	sld [smem:$0x3FA8]  }
0x2e: {  	s3 =	simm.s32 @!p0 $0x1082;
	s9 =	sld [smem:$0x3FA9]  }
0x2f: {  	lr =	sadd.s32 s0, s3;
	s0 =	sld [smem:$0x3FA0]  }
0x30: {  	s3 =	sld [smem:$0x3FA3]  }
0x31: {  	[smem:$0x3FAC] =	sst s10  }
0x32: {  	s10 =	sld [smem:$0x3FAA];
	_ =	sdelay $0x3  }
0x33: {  	p0 =	seq.s32 s10, $0x1;
	s10 =	sld [smem:$0x3FAC];
	_ =	sdelay $0x3  }
0x34: {  	[smem:$0x3FAC] =	sst s10  }
0x35: {  	s10 =	sld [smem:$0x3FAB];
	_ =	sdelay $0x3  }
0x36: {  	p1 =	seq.s32 s10, $0x1;
	s10 =	sld [smem:$0x3FAC];
	_ =	sdelay $0x3  }
0x37: {  	[smem:$0x3FAC] =	sst s10  }
0x38: {  	s10 =	sld [smem:$0x3FAD]  }
0x39: {  	_ = 	snop;
	(pc) =	sbr.ind lr, $3  }
0x3a: {  	_ = 	snop  }
0x3b: {  	_ = 	snop  }
0x3c: {  	p2 =	seq.s32 s10, $0x1;
	s10 =	sld [smem:$0x3FAC]  }
0x3d: {  	_ =	shalt  }
0x3e: {  	_ =	shalt  }
0x3f: {  	_ =	shalt  }
0x40: {  	_ =	shalt  }
0x41: {  	_ =	shalt  }
0x42: {  	_ =	shalt  }
0x43: {  	_ =	shalt  }
0x44: {  	_ =	shalt  }
0x45: {  	_ =	shalt  }
0x46: {  	_ =	shalt  }
0x47: {  	_ =	shalt  }
0x48: {  	_ =	shalt  }
0x49: {  	_ =	shalt  }
0x4a: {  	_ =	shalt  }
0x4b: {  	_ =	shalt  }
0x4c: {  	_ =	shalt  }
0x4d: {  	_ =	shalt  }
0x4e: {  	_ =	shalt  }
0x4f: {  	_ =	shalt  }
0x50: {  	_ =	shalt  }
0x51: {  	_ =	shalt  }
0x52: {  	_ =	shalt  }
0x53: {  	_ =	shalt  }
0x54: {  	_ =	shalt  }
0x55: {  	_ =	shalt  }
0x56: {  	_ =	shalt  }
0x57: {  	_ =	shalt  }
0x58: {  	_ =	shalt  }
0x59: {  	_ =	shalt  }
0x5a: {  	_ =	shalt  }
0x5b: {  	_ =	shalt  }
0x5c: {  	_ =	shalt  }
0x5d: {  	_ =	shalt  }
0x5e: {  	_ =	shalt  }
0x5f: {  	_ =	shalt  }
0x60: {  	_ =	shalt  }
0x61: {  	_ =	shalt  }
0x62: {  	_ =	shalt  }
0x63: {  	_ =	shalt  }
0x64: {  	_ =	shalt  }
0x65: {  	_ =	shalt  }
0x66: {  	_ =	shalt  }
0x67: {  	_ =	shalt  }
0x68: {  	_ =	shalt  }
0x69: {  	_ =	shalt  }
0x6a: {  	_ =	shalt  }
0x6b: {  	_ =	shalt  }
0x6c: {  	_ =	shalt  }
0x6d: {  	_ =	shalt  }
0x6e: {  	_ =	shalt  }
0x6f: {  	_ =	shalt  }
0x70: {  	_ =	shalt  }
0x71: {  	_ =	shalt  }
0x72: {  	_ =	shalt  }
0x73: {  	_ =	shalt  }
0x74: {  	_ =	shalt  }
0x75: {  	_ =	shalt  }
0x76: {  	_ =	shalt  }
0x77: {  	_ =	shalt  }
0x78: {  	_ =	shalt  }
0x79: {  	_ =	shalt  }
0x7a: {  	_ =	shalt  }
0x7b: {  	_ =	shalt  }
0x7c: {  	_ =	shalt  }
0x7d: {  	_ =	shalt  }
0x7e: {  	_ =	shalt  }
0x7f: {  	_ =	shalt  }
0x80: {  	_ =	shalt  }
0x81: {  	_ =	shalt  }
0x82: {  	_ =	shalt  }
0x83: {  	_ =	shalt  }
0x84: {  	_ =	shalt  }
0x85: {  	_ =	shalt  }
0x86: {  	_ =	shalt  }
0x87: {  	_ =	shalt  }
.Lfunc_end0:
.L_simem_size_0:
called_computation_lowered:
.L_overlay_start_0:
0x88: {  	s2 =	sld [smem:$0x3FD9]  }
0x89: {  	s3 =	sld [smem:$0x3FFE];
	_ =	sdelay $0x1  }
0x8a: {  	s1 =	srdreg.scid  }
0x8b: {  	s0 =	sand.u32 $0x1, s1  }
0x8c: {  	s16 =	sshll.u32 s0, $0xA;
	s2 =	sadd.s32 s3, s2  }
0x8d: {  	s2 =	sadd.s32 s2, s16  }
0x8e: {  	[smem:$0x3FB8] =	sst s2  }
0x8f: {  	_ = 	snop  }
0x90: {  	(tm) =	ssettm $0x1  }
0x91: {  	s17 =	sld [smem:$0x3FFB];
	_ =	sdelay $0x3  }
0x92: {  	_ =	strace s17  }
0x93: {  	s2 =	sld [smem:$0x3FFC];
	_ =	sdelay $0x3  }
0x94: {  	_ =	strace s2  }
0x95: {  	s2 =	sld [smem:$0x3FFD];
	_ =	sdelay $0x3  }
0x96: {  	_ =	strace s2  }
0x97: {  	_ =	strace $0x8FFFFFFF  }
0x98: {  	s18 =	sld [smem:$0x3FDB];
	_ =	sdelay $0x1  }
0x99: {  	s19 =	simm.s32 $_scs_section_size  }
0x9a: {  	s4 =	simm.s32 $_size__tile_overlayer_lowered;
	s5 =	simm.s32 $_tile_overlayer_lowered  }
0x9b: {  	s22 =	simm.s32 $0x1BFF;
	s21 =	sshll.u32 s5, $0x1;
	s2 =	sadd.s32 s19, s18  }
0x9c: {  	s6 =	simm.s32 $0x0;
	s20 =	sshll.u32 s4, $0x1;
	s4 =	sadd.s32 s21, s2  }
0x9d: {  	[timem:s6], [sflag:s22] =	dma.local [hbm:s4], s20  }
0x9e: {  	_ =	swait.ge [sflag:s22], s20  }
0x9f: {  	s3 =	ssub.s32 $0x0, s20;
	[sflag:s22] =	ssyncset.done $0x0  }
0xa0: {  	[sflag:s22] =	ssyncadd.s32 s3;
	_ =	sdelay $0x1  }
0xa1: {  	s23 =	simm.s32 $0x1B8B  }
0xa2: {  	_ =	swait.ge [sflag:s23], $0x1  }
0xa3: {  	[sflag:s23] =	ssyncset.done $0x0  }
0xa4: {  	s25 =	simm.s32 $0x1B8E;
	s24 =	sld [smem:$0x3FFE];
	[sflag:s23] =	ssyncadd.s32 $0xFFFFFFFF  }
0xa5: {  	s26 =	simm.s32 $execute0_lowered;
	[smem:$0x3FD2] =	sst s25  }
0xa6: {  	s4 =	sshll.u32 s26, $0x1;
	_ =	strace $0x80000046;
	[dreg:$0x1] =	wrdreg $0xFFFFFFFF  }
0xa7: {  	s28 =	simm.s32 $_size_execute0_lowered;
	s2 =	sadd.s32 s2, s4;
	[dreg:$0x0] =	wrdreg $0x0  }
0xa8: {  	s4 =	sshll.u32 s28, $0x1;
	[dreg:$0x2] =	wrdreg s2  }
0xa9: {  	[dreg:$0x3] =	wrdreg s4  }
0xaa: {  	[dreg:$0x4] =	wrdreg $0xC0  }
0xab: {  	_ =	task [dreg:s6], $0x5FFFF  }
0xac: {  	[dreg:$0x1] =	wrdreg $0xFFFFFFFF  }
0xad: {  	[dreg:$0x0] =	wrdreg $0x60  }
0xae: {  	[dreg:$0x2] =	wrdreg s24  }
0xaf: {  	[dreg:$0x3] =	wrdreg $0x2FD00  }
0xb0: {  	[dreg:$0x4] =	wrdreg $0x9  }
0xb1: {  	_ =	task.clear_ibuf [dreg:s6], $0x5FFFF;
	_ =	strace $0x90000046  }
0xb2: {  	s29 =	simm.s32 $0x9;
	_ =	strace $0x80000048  }
0xb3: {  	_ =	swait.ge [sflag:s29], $0x1  }
0xb4: {  	[sflag:s29] =	ssyncadd.s32 $0xFFFFFFFF  }
0xb5: {  	_ =	strace $0x90000048  }
0xb6: {  	_ =	sfence  }
0xb7: {  	s30 =	sld [smem:$0x0];
	_ =	sdelay $0x2  }
0xb8: {  	s31 =	sshll.u32 s1, $0xD;
	s1 =	sshrl.u32 s1, $0x2  }
0xb9: {  	s3 =	sand.u32 $0x4000, s31;
	s1 =	sadd.s32 s1, s30  }
0xba: {  	s0 =	sor.u32 s3, s0;
	s1 =	sshll.u32 s1, $0x11  }
0xbb: {  	s0 =	sor.u32 s1, s0  }
0xbc: {  	s0 =	sadd.s32 $0x8F2B, s0  }
0xbd: {  	[sflag:s0] =	ssyncadd.remote.s32 $0x1  }
0xbe: {  	_ =	sfence.sel $0xFFFF  }
0xbf: {  	[dreg:$0x0] =	wrdreg $0xFFFFFFFF;
	(pc) =	sbr.abs _section_cstart, $3  }
0xc0: {  	[dreg:$0x1] =	wrdreg $0xFFFFFFFF  }
0xc1: {  	_ =	task.clear_ibuf [dreg:s6], $0x2FFFF;
	_ =	strace $0x9FFFFFFF  }
0xc2: {  	(tm) =	ssettm $0x7FFFFFFF  }
0xc3: {  	_ =	shalt  }
tec
execute0_lowered:
.L_overlay_start_1:
0x0: {  	(tag) =	ssettag $0x1  }
0x1: {  	s0 =	srdreg.scid;
	s6 =	rddreg [dreg:$0x0]  }
0x2: {  	s2 =	rddreg [dreg:$0x1];
	s1 =	stileid.u32  }
0x3: {  	s3 =	simm.s32 $0x0;
	s7 =	sand.u32 $0x1, s0;
	s0 =	rddreg [dreg:$0x2]  }
0x4: {  	[smem:$0x7FF] =	sst s3;
	s10 =	smul.u32 $0xFA00, s1  }
0x5: {  	s5 =	sadd.s32 $0x21E00, s6;
	s11 =	smul.u32 $0x3E80, s1;
	p0 =	sgt.u32 s1, $0x9  }
0x6: {  	s4 =	sshll.u32 s7, $0x4;
	s9 =	smul.u32 $0x4E20, s7;
	s7 =	ssub.s32 $0x2, s7  }
0x7: {  	_ =	strace $0x80000047;
	s4 =	sor.u32 s1, s4;
	s30 =	sshrl.u32 s7, $0x1  }
0x8: {  	s31 =	sshrl.u32 s10, $0x2;
	s14 =	sshrl.u32 s11, $0x3;
	s15 =	sadd.s32 s11, s2  }
0x9: {  	s10 =	sshll.u32 @!p0 s1, $0x6;
	s4 =	smul.u32 $0x500, s4;
	s9 =	sadd.s32 s9, s6  }
0xa: {  	s7 =	ssub.s32 s7, s30;
	s12 =	sadd.s32 s31, s2;
	s10 =	sor.u32 @!p0 $0x1C01, s10  }
0xb: {  	s13 =	sadd.s32 $0x22800, s9;
	s7 =	smax.u32 s7, $0x1;
	s9 =	simm.s32 $0x2800  }
0xc: {  	s11 =	sshrl.u32 @!p0 s12, $0x3;
	s12 =	simm.s32 $0x7D;
	s8 =	sadd.s32 s4, s6  }
0xd: {  	s4 =	sadd.s32 $0x22600, s6;
	s13 =	sadd.s32 @!p0 s14, s13;
	s14 =	sshrl.u32 @!p0 s15, $0x3  }
0xe: {  	s15 =	simm.s32 $0x0;
	s6 =	sadd.s32 $0x17E00, s8;
	s8 =	simm.s32 $0x1  }
.LBB2_1:
0xf: {  	[tilespmem:s3], [sflag:$0x1] =	stream.linear.gather [hbm4b:s6+s3], $0x2800, $0x38;
	[tilespmem:$0x56E0] =	vst v63  }
0x10: {  	_ =	swait.ge [sflag:s8], $0x2800  }
0x11: {  	[sflag:s8] =	ssyncset.done $0x0  }
0x12: {  	[sflag:s8] =	ssyncadd.s32 $0xFFFFD800  }
0x13: {  	[tilespmem:s9], [sflag:$0x1] =	stream.linear.gather [hbm4b:s4+s3], $0x7D0, $0x38;
	[tilespmem:$0x56E0] =	vst v63  }
0x14: {  	_ =	swait.ge [sflag:s8], $0x7D0  }
0x15: {  	[sflag:s8] =	ssyncset.done $0x0  }
0x16: {  	s16 =	simm.s32 @!p0 $0x1;
	[sflag:s8] =	ssyncadd.s32 $0xFFFFF830  }
0x17: {  	[spmem:s11], [sflag:s10] =	dma.local @!p0 [hbm:s5], $0x7D0  }
0x18: {  	_ =	swait.ge @!p0 [sflag:s16], $0x7D0  }
0x19: {  	[sflag:s16] =	ssyncset.done @!p0 $0x0  }
0x1a: {  	[sflag:s16] =	ssyncadd.s32 @!p0 $0xFFFFF830  }
0x1b: {  	s31 =	simm.s32 $0x0;
	[bflag:$0x0] =	sbarrier.arrive $0xFFFF  }
0x1c: {  	[spmem:s2] =	stream.indirect.scatter.add.f32 [tilespmem:s9], [sflag:$0x1], $0x10, s31, s12, $0xb8;
	[tilespmem:$0x56E0] =	vst v63  }
0x1d: {  	_ =	swait.ge [sflag:s8], $0x7D0  }
0x1e: {  	s16 =	simm.s32 $0x200;
	[sflag:s8] =	ssyncset.done $0x0  }
.LBB2_2:
0x1f: {  	s17 =	sshra.s32 s16, $0x2;
	[sflag:s8] =	ssyncadd.s32 $0xFFFFF830;
	p1 =	sne.s32 s16, $0x9E00  }
0x20: {  	[spmem:s2] =	stream.indirect.scatter.add.f32 [tilespmem:s9], [sflag:$0x1], $0x10, s17, s12, $0xb8;
	[tilespmem:$0x56E0] =	vst v63  }
.Ltmp0:
0x21: {  	_ = 	snop;
	(pc) =	sbr.rel @p1 .LBB2_2-.Ltmp0, $4  }
0x22: {  	_ = 	snop  }
0x23: {  	s16 =	sadd.s32 $0x200, s16  }
0x24: {  	_ =	swait.ge [sflag:s8], $0x7D0  }
0x25: {  	[sflag:s8] =	ssyncset.done $0x0  }
0x26: {  	s15 =	sadd.s32 $0x1, s15  }
0x27: {  	[sflag:s8] =	ssyncadd.s32 $0xFFFFF830;
	p1 =	sne.s32 s15, s7  }
.Ltmp1:
0x28: {  	s16 =	simm.s32 @!p0 $0x1;
	[bflag:$0x0] =	sbarrier.arrive $0xFFFF;
	(pc) =	sbr.rel @p1 .LBB2_1-.Ltmp1, $4  }
0x29: {  	[hbm:s13], [sflag:s10] =	dma.local @!p0 [spmem:s14], $0x7D0  }
0x2a: {  	_ =	swait.ge @!p0 [sflag:s16], $0x7D0  }
0x2b: {  	[sflag:s16] =	ssyncset.done @!p0 $0x0  }
0x2c: {  	[sflag:s16] =	ssyncadd.s32 @!p0 $0xFFFFF830  }
0x2d: {  	_ =	sfence.sel $0x180000  }
0x2e: {  	[bflag:$0x0] =	sbarrier.arrive $0xFFFF  }
0x2f: {  	p0 =	sne.s32 s1, $0x0;
	_ =	strace $0x90000047  }
0x30: {  	s0 =	sadd.s32 @!p0 $0x100000, s0;
	[bflag:$0x2] =	sbarrier.arrive $0xFFFF  }
0x31: {  	[sflag:s0] =	ssyncadd.tile.s32 @!p0 $0x1;
	_ =	shalt  }
.Lfunc_end2:
_tile_overlayer_lowered:
.L_overlay_start_2:
0x32: {  	(tag) =	ssettag $0x2  }
0x33: {  	s0 =	rddreg [dreg:$0x0];
	s2 =	stileid.u32  }
0x34: {  	s1 =	rddreg [dreg:$0x1];
	p0 =	sne.s32 s2, $0x0  }
0x35: {  	s3 =	rddreg [dreg:$0x2];
	[bflag:$0x3] =	sbarrier.arrive $0xFFFF;
	s2 =	simm.s32 @!p0 $0x1C01  }
0x36: {  	[timem:s3], [sflag:s2] =	dma.local @!p0 [hbm:s0], s1  }
0x37: {  	s0 =	simm.s32 @!p0 $0x1  }
0x38: {  	_ =	swait.ge @!p0 [sflag:s0], s1  }
0x39: {  	s1 =	ssub.s32 @!p0 $0x0, s1;
	[sflag:s0] =	ssyncset.done @!p0 $0x0  }
0x3a: {  	[sflag:s0] =	ssyncadd.s32 @!p0 s1  }
0x3b: {  	[bflag:$0x3] =	sbarrier.arrive $0xFFFF  }
0x3c: {  	_ =	shalt  }

</sc_bundles>
